<compile_context>
chip_gen: v7x
topology: tpu7x:2x2x1
jax: 0.10.2.dev20260603
libtpu: 0.0.44.dev20260713+nightly
codegen_flags: <defaults>
</compile_context>

<pallas_src>
import functools

import jax
import jax.numpy as jnp
from jax import lax
from jax.experimental import pallas as pl
from jax.experimental.pallas import tpu as pltpu
from jax.experimental.pallas import tpu_sc as plsc

_EMBED_DIM = 64
_BATCH = 16384
_NC = 2
_NS = 16
_NW = _NC * _NS
_BPW = _BATCH // _NW
_CHK = 128
_NCH = _BPW // _CHK


@functools.cache
def _build():
    mesh = plsc.VectorSubcoreMesh(core_axis_name="c", subcore_axis_name="s")

    @functools.partial(
        pl.kernel,
        mesh=mesh,
        out_type=jax.ShapeDtypeStruct((_BATCH,), jnp.float32),
        compiler_params=pltpu.CompilerParams(
            needs_layout_passes=False, use_tc_tiling_on_sc=False
        ),
        scratch_types=[
            pltpu.VMEM((_NCH, _CHK), jnp.int32),
            pltpu.VMEM((_NCH, _CHK), jnp.int32),
            pltpu.VMEM((_NCH, _CHK), jnp.int32),
            pltpu.VMEM((_BPW, _EMBED_DIM), jnp.float32),
            pltpu.VMEM((_BPW, _EMBED_DIM), jnp.float32),
            pltpu.VMEM((_BPW, _EMBED_DIM), jnp.float32),
            pltpu.VMEM((_BPW,), jnp.float32),
            pltpu.SemaphoreType.DMA,
        ],
    )
    def trans_e(head_hbm, rel_hbm, tail_hbm, ent_hbm, relw_hbm, out_hbm,
                hidx, ridx, tidx, hrows, rrows, trows, outv, sem):
        wid = lax.axis_index("s") * _NC + lax.axis_index("c")
        base = wid * _BPW

        pltpu.sync_copy(head_hbm.at[wid], hidx)
        pltpu.sync_copy(rel_hbm.at[wid], ridx)
        pltpu.sync_copy(tail_hbm.at[wid], tidx)

        copies = []
        for j in range(_NCH):
            dst = pl.ds(j * _CHK, _CHK)
            copies.append(pltpu.async_copy(ent_hbm.at[hidx.at[j]], hrows.at[dst], sem))
            copies.append(pltpu.async_copy(relw_hbm.at[ridx.at[j]], rrows.at[dst], sem))
            copies.append(pltpu.async_copy(ent_hbm.at[tidx.at[j]], trows.at[dst], sem))
        for c in copies:
            c.wait()

        row_iota = jnp.arange(16, dtype=jnp.int32)

        def body(g, carry):
            res = jnp.zeros((16,), jnp.float32)
            for rr in range(16):
                i = g * 16 + rr
                acc = jnp.zeros((16,), jnp.float32)
                for c in range(_EMBED_DIM // 16):
                    sl = pl.ds(c * 16, 16)
                    acc = acc + jnp.abs(hrows[i, sl] + rrows[i, sl] - trows[i, sl])
                res = jnp.where(row_iota == rr, jnp.sum(acc), res)
            outv[pl.ds(g * 16, 16)] = res
            return carry

        lax.fori_loop(0, _BPW // 16, body, 0)
        pltpu.sync_copy(outv, out_hbm.at[pl.ds(base, _BPW)])

    return trans_e


def kernel(head, relation, tail, entity_weight, relation_weight):
    fn = _build()
    h = head.reshape(_NW, _NCH, _CHK)
    r = relation.reshape(_NW, _NCH, _CHK)
    t = tail.reshape(_NW, _NCH, _CHK)
    return fn(h, r, t, entity_weight, relation_weight)

# --- scband reference (transcript-rebuilt; emitter-appended) ---
"""Pipeline reference for scband-trans-e-38113539785032 (READ-ONLY COPY).

The authoritative reference and input builder live on the scoring server;
editing this copy changes nothing except your own understanding.
"""

import jax, jax.numpy as jnp
import numpy as np

NUM_ENTITIES = 1000000
NUM_RELATIONS = 1000
EMBED_DIM = 64
BATCH = 16384

def setup_inputs(seed: int = 0) -> dict:
    key = jax.random.key(seed)
    k1, k2, k3, k4, k5 = jax.random.split(key, 5)
    head = jax.random.randint(k1, (BATCH,), 0, NUM_ENTITIES, dtype=jnp.int32)
    relation = jax.random.randint(k2, (BATCH,), 0, NUM_RELATIONS, dtype=jnp.int32)
    tail = jax.random.randint(k3, (BATCH,), 0, NUM_ENTITIES, dtype=jnp.int32)
    # Xavier-uniform init for embedding tables
    bound_e = np.sqrt(6.0 / (NUM_ENTITIES + EMBED_DIM))
    bound_r = np.sqrt(6.0 / (NUM_RELATIONS + EMBED_DIM))
    entity_weight = jax.random.uniform(k4, (NUM_ENTITIES, EMBED_DIM), jnp.float32, -bound_e, bound_e)
    relation_weight = jax.random.uniform(k5, (NUM_RELATIONS, EMBED_DIM), jnp.float32, -bound_r, bound_r)
    return {"head": head, "relation": relation, "tail": tail,
            "entity_weight": entity_weight, "relation_weight": relation_weight}

def reference(head, relation, tail, entity_weight, relation_weight):
    head_emb = jnp.take(entity_weight, head, axis=0)
    relation_emb = jnp.take(relation_weight, relation, axis=0)
    tail_emb = jnp.take(entity_weight, tail, axis=0)
    score = jnp.sum(jnp.abs(head_emb + relation_emb - tail_emb), axis=1)
    return score

if __name__ == "__main__":
    import jax
    _d = setup_inputs()
    print(jax.jit(kernel)(*tuple(_d.values())))

</pallas_src>

<mosaic_0001>
#map = affine_map<(d0, d1) -> (0, 0, 0)>
#map1 = affine_map<(d0, d1) -> (0, 0)>
#map2 = affine_map<(d0, d1) -> (0)>
module attributes {stable_mosaic.version = 14 : i64} {
  func.func @trans_e(%arg0: i32, %arg1: i32, %arg2: memref<32x4x128xi32, #tpu.memory_space<hbm>>, %arg3: memref<32x4x128xi32, #tpu.memory_space<hbm>>, %arg4: memref<32x4x128xi32, #tpu.memory_space<hbm>>, %arg5: memref<1000000x64xf32, #tpu.memory_space<hbm>>, %arg6: memref<1000x64xf32, #tpu.memory_space<hbm>>, %arg7: memref<16384xf32, #tpu.memory_space<hbm>>, %arg8: memref<4x128xi32, #tpu.memory_space<vmem>>, %arg9: memref<4x128xi32, #tpu.memory_space<vmem>>, %arg10: memref<4x128xi32, #tpu.memory_space<vmem>>, %arg11: memref<512x64xf32, #tpu.memory_space<vmem>>, %arg12: memref<512x64xf32, #tpu.memory_space<vmem>>, %arg13: memref<512x64xf32, #tpu.memory_space<vmem>>, %arg14: memref<512xf32, #tpu.memory_space<vmem>>, %arg15: memref<!tpu.dma_semaphore, #tpu.memory_space<semaphore_mem>>) attributes {dimension_semantics = [#tpu.dimension_semantics<core_parallel>, #tpu.dimension_semantics<subcore_parallel>], iteration_bounds = array<i64: 2, 16>, scalar_prefetch = 0 : i64, scratch_operands = 8 : i64, tpu.core_type = #tpu.core_type<sc_vector_subcore>, window_params = [{transform_indices = #map}, {transform_indices = #map}, {transform_indices = #map}, {transform_indices = #map1}, {transform_indices = #map1}, {transform_indices = #map2}]} {
    %mul3A = arith.constant 2 : i32
    %mul3A_0 = arith.muli %arg1, %mul3A : i32
    %add3A = arith.addi %mul3A_0, %arg0 : i32
    %mul3A_1 = arith.constant 512 : i32
    %mul3A_2 = arith.muli %add3A, %mul3A_1 : i32
    "tpu.region"() ({
      %run_scoped3A = tpu.sem_alloc : memref<!tpu.dma_semaphore, #tpu.memory_space<semaphore_mem>>
      %dma_start3A_246 = arith.constant 0 : i32
      %dma_start3A_247 = arith.constant 0 : i32
      %dma_start3A_248 = tpu.memref_slice %arg2[%add3A, %dma_start3A_246, %dma_start3A_247] : memref<32x4x128xi32, #tpu.memory_space<hbm>> -> memref<1x4x128xi32, #tpu.memory_space<hbm>>
      %dma_start3A_249 = tpu.memref_squeeze %dma_start3A_248 : memref<1x4x128xi32, #tpu.memory_space<hbm>> -> memref<4x128xi32, #tpu.memory_space<hbm>>
      %dma_start3A_250 = arith.constant 0 : i32
      %dma_start3A_251 = arith.constant 0 : i32
      %dma_start3A_252 = tpu.memref_slice %arg2[%add3A, %dma_start3A_250, %dma_start3A_251] : memref<32x4x128xi32, #tpu.memory_space<hbm>> -> memref<1x4x128xi32, #tpu.memory_space<hbm>>
      %dma_start3A_253 = tpu.memref_squeeze %dma_start3A_252 : memref<1x4x128xi32, #tpu.memory_space<hbm>> -> memref<4x128xi32, #tpu.memory_space<hbm>>
      tpu.enqueue_dma source(%dma_start3A_253 : memref<4x128xi32, #tpu.memory_space<hbm>>) target(%arg8 : memref<4x128xi32, #tpu.memory_space<vmem>>) target_semaphore(%run_scoped3A : memref<!tpu.dma_semaphore, #tpu.memory_space<semaphore_mem>>)
      %dma_wait3A_254 = arith.constant 0 : i32
      %dma_wait3A_255 = arith.constant 0 : i32
      %dma_wait3A_256 = tpu.memref_slice %arg2[%add3A, %dma_wait3A_254, %dma_wait3A_255] : memref<32x4x128xi32, #tpu.memory_space<hbm>> -> memref<1x4x128xi32, #tpu.memory_space<hbm>>
      %dma_wait3A_257 = tpu.memref_squeeze %dma_wait3A_256 : memref<1x4x128xi32, #tpu.memory_space<hbm>> -> memref<4x128xi32, #tpu.memory_space<hbm>>
      %dma_wait3A_258 = arith.constant 0 : i32
      %dma_wait3A_259 = arith.constant 0 : i32
      %dma_wait3A_260 = tpu.memref_slice %arg2[%add3A, %dma_wait3A_258, %dma_wait3A_259] : memref<32x4x128xi32, #tpu.memory_space<hbm>> -> memref<1x4x128xi32, #tpu.memory_space<hbm>>
      %dma_wait3A_261 = tpu.memref_squeeze %dma_wait3A_260 : memref<1x4x128xi32, #tpu.memory_space<hbm>> -> memref<4x128xi32, #tpu.memory_space<hbm>>
      tpu.wait_dma2 semaphore(%run_scoped3A : memref<!tpu.dma_semaphore, #tpu.memory_space<semaphore_mem>>) src(%dma_wait3A_261 : memref<4x128xi32, #tpu.memory_space<hbm>>) dst(%arg8 : memref<4x128xi32, #tpu.memory_space<vmem>>)
      tpu.yield
    }) : () -> ()
    "tpu.region"() ({
      %run_scoped3A = tpu.sem_alloc : memref<!tpu.dma_semaphore, #tpu.memory_space<semaphore_mem>>
      %dma_start3A_246 = arith.constant 0 : i32
      %dma_start3A_247 = arith.constant 0 : i32
      %dma_start3A_248 = tpu.memref_slice %arg3[%add3A, %dma_start3A_246, %dma_start3A_247] : memref<32x4x128xi32, #tpu.memory_space<hbm>> -> memref<1x4x128xi32, #tpu.memory_space<hbm>>
      %dma_start3A_249 = tpu.memref_squeeze %dma_start3A_248 : memref<1x4x128xi32, #tpu.memory_space<hbm>> -> memref<4x128xi32, #tpu.memory_space<hbm>>
      %dma_start3A_250 = arith.constant 0 : i32
      %dma_start3A_251 = arith.constant 0 : i32
      %dma_start3A_252 = tpu.memref_slice %arg3[%add3A, %dma_start3A_250, %dma_start3A_251] : memref<32x4x128xi32, #tpu.memory_space<hbm>> -> memref<1x4x128xi32, #tpu.memory_space<hbm>>
      %dma_start3A_253 = tpu.memref_squeeze %dma_start3A_252 : memref<1x4x128xi32, #tpu.memory_space<hbm>> -> memref<4x128xi32, #tpu.memory_space<hbm>>
      tpu.enqueue_dma source(%dma_start3A_253 : memref<4x128xi32, #tpu.memory_space<hbm>>) target(%arg9 : memref<4x128xi32, #tpu.memory_space<vmem>>) target_semaphore(%run_scoped3A : memref<!tpu.dma_semaphore, #tpu.memory_space<semaphore_mem>>)
      %dma_wait3A_254 = arith.constant 0 : i32
      %dma_wait3A_255 = arith.constant 0 : i32
      %dma_wait3A_256 = tpu.memref_slice %arg3[%add3A, %dma_wait3A_254, %dma_wait3A_255] : memref<32x4x128xi32, #tpu.memory_space<hbm>> -> memref<1x4x128xi32, #tpu.memory_space<hbm>>
      %dma_wait3A_257 = tpu.memref_squeeze %dma_wait3A_256 : memref<1x4x128xi32, #tpu.memory_space<hbm>> -> memref<4x128xi32, #tpu.memory_space<hbm>>
      %dma_wait3A_258 = arith.constant 0 : i32
      %dma_wait3A_259 = arith.constant 0 : i32
      %dma_wait3A_260 = tpu.memref_slice %arg3[%add3A, %dma_wait3A_258, %dma_wait3A_259] : memref<32x4x128xi32, #tpu.memory_space<hbm>> -> memref<1x4x128xi32, #tpu.memory_space<hbm>>
      %dma_wait3A_261 = tpu.memref_squeeze %dma_wait3A_260 : memref<1x4x128xi32, #tpu.memory_space<hbm>> -> memref<4x128xi32, #tpu.memory_space<hbm>>
      tpu.wait_dma2 semaphore(%run_scoped3A : memref<!tpu.dma_semaphore, #tpu.memory_space<semaphore_mem>>) src(%dma_wait3A_261 : memref<4x128xi32, #tpu.memory_space<hbm>>) dst(%arg9 : memref<4x128xi32, #tpu.memory_space<vmem>>)
      tpu.yield
    }) : () -> ()
    "tpu.region"() ({
      %run_scoped3A = tpu.sem_alloc : memref<!tpu.dma_semaphore, #tpu.memory_space<semaphore_mem>>
      %dma_start3A_246 = arith.constant 0 : i32
      %dma_start3A_247 = arith.constant 0 : i32
      %dma_start3A_248 = tpu.memref_slice %arg4[%add3A, %dma_start3A_246, %dma_start3A_247] : memref<32x4x128xi32, #tpu.memory_space<hbm>> -> memref<1x4x128xi32, #tpu.memory_space<hbm>>
      %dma_start3A_249 = tpu.memref_squeeze %dma_start3A_248 : memref<1x4x128xi32, #tpu.memory_space<hbm>> -> memref<4x128xi32, #tpu.memory_space<hbm>>
      %dma_start3A_250 = arith.constant 0 : i32
      %dma_start3A_251 = arith.constant 0 : i32
      %dma_start3A_252 = tpu.memref_slice %arg4[%add3A, %dma_start3A_250, %dma_start3A_251] : memref<32x4x128xi32, #tpu.memory_space<hbm>> -> memref<1x4x128xi32, #tpu.memory_space<hbm>>
      %dma_start3A_253 = tpu.memref_squeeze %dma_start3A_252 : memref<1x4x128xi32, #tpu.memory_space<hbm>> -> memref<4x128xi32, #tpu.memory_space<hbm>>
      tpu.enqueue_dma source(%dma_start3A_253 : memref<4x128xi32, #tpu.memory_space<hbm>>) target(%arg10 : memref<4x128xi32, #tpu.memory_space<vmem>>) target_semaphore(%run_scoped3A : memref<!tpu.dma_semaphore, #tpu.memory_space<semaphore_mem>>)
      %dma_wait3A_254 = arith.constant 0 : i32
      %dma_wait3A_255 = arith.constant 0 : i32
      %dma_wait3A_256 = tpu.memref_slice %arg4[%add3A, %dma_wait3A_254, %dma_wait3A_255] : memref<32x4x128xi32, #tpu.memory_space<hbm>> -> memref<1x4x128xi32, #tpu.memory_space<hbm>>
      %dma_wait3A_257 = tpu.memref_squeeze %dma_wait3A_256 : memref<1x4x128xi32, #tpu.memory_space<hbm>> -> memref<4x128xi32, #tpu.memory_space<hbm>>
      %dma_wait3A_258 = arith.constant 0 : i32
      %dma_wait3A_259 = arith.constant 0 : i32
      %dma_wait3A_260 = tpu.memref_slice %arg4[%add3A, %dma_wait3A_258, %dma_wait3A_259] : memref<32x4x128xi32, #tpu.memory_space<hbm>> -> memref<1x4x128xi32, #tpu.memory_space<hbm>>
      %dma_wait3A_261 = tpu.memref_squeeze %dma_wait3A_260 : memref<1x4x128xi32, #tpu.memory_space<hbm>> -> memref<4x128xi32, #tpu.memory_space<hbm>>
      tpu.wait_dma2 semaphore(%run_scoped3A : memref<!tpu.dma_semaphore, #tpu.memory_space<semaphore_mem>>) src(%dma_wait3A_261 : memref<4x128xi32, #tpu.memory_space<hbm>>) dst(%arg10 : memref<4x128xi32, #tpu.memory_space<vmem>>)
      tpu.yield
    }) : () -> ()
    %dma_start3A = arith.constant 0 : i32
    %dma_start3A_3 = arith.constant 0 : i32
    %dma_start3A_4 = arith.constant 0 : i32
    %dma_start3A_5 = tpu.memref_slice %arg11[%dma_start3A_3, %dma_start3A_4] : memref<512x64xf32, #tpu.memory_space<vmem>> -> memref<128x64xf32, #tpu.memory_space<vmem>>
    %dma_start3A_6 = arith.constant 0 : i32
    %dma_start3A_7 = tpu.memref_slice %arg8[%dma_start3A, %dma_start3A_6] : memref<4x128xi32, #tpu.memory_space<vmem>> -> memref<1x128xi32, #tpu.memory_space<vmem>>
    %dma_start3A_8 = tpu.memref_squeeze %dma_start3A_7 : memref<1x128xi32, #tpu.memory_space<vmem>> -> memref<128xi32, #tpu.memory_space<vmem>>
    %dma_start3A_9 = arith.constant 0 : i32
    %dma_start3A_10 = arith.constant 0 : i32
    %dma_start3A_11 = tpu.memref_slice %arg5[%dma_start3A_9, %dma_start3A_10] : memref<1000000x64xf32, #tpu.memory_space<hbm>> -> memref<1000000x64xf32, #tpu.memory_space<hbm>>
    tpu.enqueue_indirect_dma source(%dma_start3A_11 : memref<1000000x64xf32, #tpu.memory_space<hbm>>) target(%dma_start3A_5 : memref<128x64xf32, #tpu.memory_space<vmem>>) offsets(%dma_start3A_8 : memref<128xi32, #tpu.memory_space<vmem>>) semaphore(%arg15 : memref<!tpu.dma_semaphore, #tpu.memory_space<semaphore_mem>>)
    %dma_start3A_12 = arith.constant 0 : i32
    %dma_start3A_13 = arith.constant 0 : i32
    %dma_start3A_14 = arith.constant 0 : i32
    %dma_start3A_15 = tpu.memref_slice %arg12[%dma_start3A_13, %dma_start3A_14] : memref<512x64xf32, #tpu.memory_space<vmem>> -> memref<128x64xf32, #tpu.memory_space<vmem>>
    %dma_start3A_16 = arith.constant 0 : i32
    %dma_start3A_17 = tpu.memref_slice %arg9[%dma_start3A_12, %dma_start3A_16] : memref<4x128xi32, #tpu.memory_space<vmem>> -> memref<1x128xi32, #tpu.memory_space<vmem>>
    %dma_start3A_18 = tpu.memref_squeeze %dma_start3A_17 : memref<1x128xi32, #tpu.memory_space<vmem>> -> memref<128xi32, #tpu.memory_space<vmem>>
    %dma_start3A_19 = arith.constant 0 : i32
    %dma_start3A_20 = arith.constant 0 : i32
    %dma_start3A_21 = tpu.memref_slice %arg6[%dma_start3A_19, %dma_start3A_20] : memref<1000x64xf32, #tpu.memory_space<hbm>> -> memref<1000x64xf32, #tpu.memory_space<hbm>>
    tpu.enqueue_indirect_dma source(%dma_start3A_21 : memref<1000x64xf32, #tpu.memory_space<hbm>>) target(%dma_start3A_15 : memref<128x64xf32, #tpu.memory_space<vmem>>) offsets(%dma_start3A_18 : memref<128xi32, #tpu.memory_space<vmem>>) semaphore(%arg15 : memref<!tpu.dma_semaphore, #tpu.memory_space<semaphore_mem>>)
    %dma_start3A_22 = arith.constant 0 : i32
    %dma_start3A_23 = arith.constant 0 : i32
    %dma_start3A_24 = arith.constant 0 : i32
    %dma_start3A_25 = tpu.memref_slice %arg13[%dma_start3A_23, %dma_start3A_24] : memref<512x64xf32, #tpu.memory_space<vmem>> -> memref<128x64xf32, #tpu.memory_space<vmem>>
    %dma_start3A_26 = arith.constant 0 : i32
    %dma_start3A_27 = tpu.memref_slice %arg10[%dma_start3A_22, %dma_start3A_26] : memref<4x128xi32, #tpu.memory_space<vmem>> -> memref<1x128xi32, #tpu.memory_space<vmem>>
    %dma_start3A_28 = tpu.memref_squeeze %dma_start3A_27 : memref<1x128xi32, #tpu.memory_space<vmem>> -> memref<128xi32, #tpu.memory_space<vmem>>
    %dma_start3A_29 = arith.constant 0 : i32
    %dma_start3A_30 = arith.constant 0 : i32
    %dma_start3A_31 = tpu.memref_slice %arg5[%dma_start3A_29, %dma_start3A_30] : memref<1000000x64xf32, #tpu.memory_space<hbm>> -> memref<1000000x64xf32, #tpu.memory_space<hbm>>
    tpu.enqueue_indirect_dma source(%dma_start3A_31 : memref<1000000x64xf32, #tpu.memory_space<hbm>>) target(%dma_start3A_25 : memref<128x64xf32, #tpu.memory_space<vmem>>) offsets(%dma_start3A_28 : memref<128xi32, #tpu.memory_space<vmem>>) semaphore(%arg15 : memref<!tpu.dma_semaphore, #tpu.memory_space<semaphore_mem>>)
    %dma_start3A_32 = arith.constant 1 : i32
    %dma_start3A_33 = arith.constant 128 : i32
    %dma_start3A_34 = arith.constant 0 : i32
    %dma_start3A_35 = tpu.memref_slice %arg11[%dma_start3A_33, %dma_start3A_34] : memref<512x64xf32, #tpu.memory_space<vmem>> -> memref<128x64xf32, #tpu.memory_space<vmem>>
    %dma_start3A_36 = arith.constant 0 : i32
    %dma_start3A_37 = tpu.memref_slice %arg8[%dma_start3A_32, %dma_start3A_36] : memref<4x128xi32, #tpu.memory_space<vmem>> -> memref<1x128xi32, #tpu.memory_space<vmem>>
    %dma_start3A_38 = tpu.memref_squeeze %dma_start3A_37 : memref<1x128xi32, #tpu.memory_space<vmem>> -> memref<128xi32, #tpu.memory_space<vmem>>
    %dma_start3A_39 = arith.constant 0 : i32
    %dma_start3A_40 = arith.constant 0 : i32
    %dma_start3A_41 = tpu.memref_slice %arg5[%dma_start3A_39, %dma_start3A_40] : memref<1000000x64xf32, #tpu.memory_space<hbm>> -> memref<1000000x64xf32, #tpu.memory_space<hbm>>
    tpu.enqueue_indirect_dma source(%dma_start3A_41 : memref<1000000x64xf32, #tpu.memory_space<hbm>>) target(%dma_start3A_35 : memref<128x64xf32, #tpu.memory_space<vmem>>) offsets(%dma_start3A_38 : memref<128xi32, #tpu.memory_space<vmem>>) semaphore(%arg15 : memref<!tpu.dma_semaphore, #tpu.memory_space<semaphore_mem>>)
    %dma_start3A_42 = arith.constant 1 : i32
    %dma_start3A_43 = arith.constant 128 : i32
    %dma_start3A_44 = arith.constant 0 : i32
    %dma_start3A_45 = tpu.memref_slice %arg12[%dma_start3A_43, %dma_start3A_44] : memref<512x64xf32, #tpu.memory_space<vmem>> -> memref<128x64xf32, #tpu.memory_space<vmem>>
    %dma_start3A_46 = arith.constant 0 : i32
    %dma_start3A_47 = tpu.memref_slice %arg9[%dma_start3A_42, %dma_start3A_46] : memref<4x128xi32, #tpu.memory_space<vmem>> -> memref<1x128xi32, #tpu.memory_space<vmem>>
    %dma_start3A_48 = tpu.memref_squeeze %dma_start3A_47 : memref<1x128xi32, #tpu.memory_space<vmem>> -> memref<128xi32, #tpu.memory_space<vmem>>
    %dma_start3A_49 = arith.constant 0 : i32
    %dma_start3A_50 = arith.constant 0 : i32
    %dma_start3A_51 = tpu.memref_slice %arg6[%dma_start3A_49, %dma_start3A_50] : memref<1000x64xf32, #tpu.memory_space<hbm>> -> memref<1000x64xf32, #tpu.memory_space<hbm>>
    tpu.enqueue_indirect_dma source(%dma_start3A_51 : memref<1000x64xf32, #tpu.memory_space<hbm>>) target(%dma_start3A_45 : memref<128x64xf32, #tpu.memory_space<vmem>>) offsets(%dma_start3A_48 : memref<128xi32, #tpu.memory_space<vmem>>) semaphore(%arg15 : memref<!tpu.dma_semaphore, #tpu.memory_space<semaphore_mem>>)
    %dma_start3A_52 = arith.constant 1 : i32
    %dma_start3A_53 = arith.constant 128 : i32
    %dma_start3A_54 = arith.constant 0 : i32
    %dma_start3A_55 = tpu.memref_slice %arg13[%dma_start3A_53, %dma_start3A_54] : memref<512x64xf32, #tpu.memory_space<vmem>> -> memref<128x64xf32, #tpu.memory_space<vmem>>
    %dma_start3A_56 = arith.constant 0 : i32
    %dma_start3A_57 = tpu.memref_slice %arg10[%dma_start3A_52, %dma_start3A_56] : memref<4x128xi32, #tpu.memory_space<vmem>> -> memref<1x128xi32, #tpu.memory_space<vmem>>
    %dma_start3A_58 = tpu.memref_squeeze %dma_start3A_57 : memref<1x128xi32, #tpu.memory_space<vmem>> -> memref<128xi32, #tpu.memory_space<vmem>>
    %dma_start3A_59 = arith.constant 0 : i32
    %dma_start3A_60 = arith.constant 0 : i32
    %dma_start3A_61 = tpu.memref_slice %arg5[%dma_start3A_59, %dma_start3A_60] : memref<1000000x64xf32, #tpu.memory_space<hbm>> -> memref<1000000x64xf32, #tpu.memory_space<hbm>>
    tpu.enqueue_indirect_dma source(%dma_start3A_61 : memref<1000000x64xf32, #tpu.memory_space<hbm>>) target(%dma_start3A_55 : memref<128x64xf32, #tpu.memory_space<vmem>>) offsets(%dma_start3A_58 : memref<128xi32, #tpu.memory_space<vmem>>) semaphore(%arg15 : memref<!tpu.dma_semaphore, #tpu.memory_space<semaphore_mem>>)
    %dma_start3A_62 = arith.constant 2 : i32
    %dma_start3A_63 = arith.constant 256 : i32
    %dma_start3A_64 = arith.constant 0 : i32
    %dma_start3A_65 = tpu.memref_slice %arg11[%dma_start3A_63, %dma_start3A_64] : memref<512x64xf32, #tpu.memory_space<vmem>> -> memref<128x64xf32, #tpu.memory_space<vmem>>
    %dma_start3A_66 = arith.constant 0 : i32
    %dma_start3A_67 = tpu.memref_slice %arg8[%dma_start3A_62, %dma_start3A_66] : memref<4x128xi32, #tpu.memory_space<vmem>> -> memref<1x128xi32, #tpu.memory_space<vmem>>
    %dma_start3A_68 = tpu.memref_squeeze %dma_start3A_67 : memref<1x128xi32, #tpu.memory_space<vmem>> -> memref<128xi32, #tpu.memory_space<vmem>>
    %dma_start3A_69 = arith.constant 0 : i32
    %dma_start3A_70 = arith.constant 0 : i32
    %dma_start3A_71 = tpu.memref_slice %arg5[%dma_start3A_69, %dma_start3A_70] : memref<1000000x64xf32, #tpu.memory_space<hbm>> -> memref<1000000x64xf32, #tpu.memory_space<hbm>>
    tpu.enqueue_indirect_dma source(%dma_start3A_71 : memref<1000000x64xf32, #tpu.memory_space<hbm>>) target(%dma_start3A_65 : memref<128x64xf32, #tpu.memory_space<vmem>>) offsets(%dma_start3A_68 : memref<128xi32, #tpu.memory_space<vmem>>) semaphore(%arg15 : memref<!tpu.dma_semaphore, #tpu.memory_space<semaphore_mem>>)
    %dma_start3A_72 = arith.constant 2 : i32
    %dma_start3A_73 = arith.constant 256 : i32
    %dma_start3A_74 = arith.constant 0 : i32
    %dma_start3A_75 = tpu.memref_slice %arg12[%dma_start3A_73, %dma_start3A_74] : memref<512x64xf32, #tpu.memory_space<vmem>> -> memref<128x64xf32, #tpu.memory_space<vmem>>
    %dma_start3A_76 = arith.constant 0 : i32
    %dma_start3A_77 = tpu.memref_slice %arg9[%dma_start3A_72, %dma_start3A_76] : memref<4x128xi32, #tpu.memory_space<vmem>> -> memref<1x128xi32, #tpu.memory_space<vmem>>
    %dma_start3A_78 = tpu.memref_squeeze %dma_start3A_77 : memref<1x128xi32, #tpu.memory_space<vmem>> -> memref<128xi32, #tpu.memory_space<vmem>>
    %dma_start3A_79 = arith.constant 0 : i32
    %dma_start3A_80 = arith.constant 0 : i32
    %dma_start3A_81 = tpu.memref_slice %arg6[%dma_start3A_79, %dma_start3A_80] : memref<1000x64xf32, #tpu.memory_space<hbm>> -> memref<1000x64xf32, #tpu.memory_space<hbm>>
    tpu.enqueue_indirect_dma source(%dma_start3A_81 : memref<1000x64xf32, #tpu.memory_space<hbm>>) target(%dma_start3A_75 : memref<128x64xf32, #tpu.memory_space<vmem>>) offsets(%dma_start3A_78 : memref<128xi32, #tpu.memory_space<vmem>>) semaphore(%arg15 : memref<!tpu.dma_semaphore, #tpu.memory_space<semaphore_mem>>)
    %dma_start3A_82 = arith.constant 2 : i32
    %dma_start3A_83 = arith.constant 256 : i32
    %dma_start3A_84 = arith.constant 0 : i32
    %dma_start3A_85 = tpu.memref_slice %arg13[%dma_start3A_83, %dma_start3A_84] : memref<512x64xf32, #tpu.memory_space<vmem>> -> memref<128x64xf32, #tpu.memory_space<vmem>>
    %dma_start3A_86 = arith.constant 0 : i32
    %dma_start3A_87 = tpu.memref_slice %arg10[%dma_start3A_82, %dma_start3A_86] : memref<4x128xi32, #tpu.memory_space<vmem>> -> memref<1x128xi32, #tpu.memory_space<vmem>>
    %dma_start3A_88 = tpu.memref_squeeze %dma_start3A_87 : memref<1x128xi32, #tpu.memory_space<vmem>> -> memref<128xi32, #tpu.memory_space<vmem>>
    %dma_start3A_89 = arith.constant 0 : i32
    %dma_start3A_90 = arith.constant 0 : i32
    %dma_start3A_91 = tpu.memref_slice %arg5[%dma_start3A_89, %dma_start3A_90] : memref<1000000x64xf32, #tpu.memory_space<hbm>> -> memref<1000000x64xf32, #tpu.memory_space<hbm>>
    tpu.enqueue_indirect_dma source(%dma_start3A_91 : memref<1000000x64xf32, #tpu.memory_space<hbm>>) target(%dma_start3A_85 : memref<128x64xf32, #tpu.memory_space<vmem>>) offsets(%dma_start3A_88 : memref<128xi32, #tpu.memory_space<vmem>>) semaphore(%arg15 : memref<!tpu.dma_semaphore, #tpu.memory_space<semaphore_mem>>)
    %dma_start3A_92 = arith.constant 3 : i32
    %dma_start3A_93 = arith.constant 384 : i32
    %dma_start3A_94 = arith.constant 0 : i32
    %dma_start3A_95 = tpu.memref_slice %arg11[%dma_start3A_93, %dma_start3A_94] : memref<512x64xf32, #tpu.memory_space<vmem>> -> memref<128x64xf32, #tpu.memory_space<vmem>>
    %dma_start3A_96 = arith.constant 0 : i32
    %dma_start3A_97 = tpu.memref_slice %arg8[%dma_start3A_92, %dma_start3A_96] : memref<4x128xi32, #tpu.memory_space<vmem>> -> memref<1x128xi32, #tpu.memory_space<vmem>>
    %dma_start3A_98 = tpu.memref_squeeze %dma_start3A_97 : memref<1x128xi32, #tpu.memory_space<vmem>> -> memref<128xi32, #tpu.memory_space<vmem>>
    %dma_start3A_99 = arith.constant 0 : i32
    %dma_start3A_100 = arith.constant 0 : i32
    %dma_start3A_101 = tpu.memref_slice %arg5[%dma_start3A_99, %dma_start3A_100] : memref<1000000x64xf32, #tpu.memory_space<hbm>> -> memref<1000000x64xf32, #tpu.memory_space<hbm>>
    tpu.enqueue_indirect_dma source(%dma_start3A_101 : memref<1000000x64xf32, #tpu.memory_space<hbm>>) target(%dma_start3A_95 : memref<128x64xf32, #tpu.memory_space<vmem>>) offsets(%dma_start3A_98 : memref<128xi32, #tpu.memory_space<vmem>>) semaphore(%arg15 : memref<!tpu.dma_semaphore, #tpu.memory_space<semaphore_mem>>)
    %dma_start3A_102 = arith.constant 3 : i32
    %dma_start3A_103 = arith.constant 384 : i32
    %dma_start3A_104 = arith.constant 0 : i32
    %dma_start3A_105 = tpu.memref_slice %arg12[%dma_start3A_103, %dma_start3A_104] : memref<512x64xf32, #tpu.memory_space<vmem>> -> memref<128x64xf32, #tpu.memory_space<vmem>>
    %dma_start3A_106 = arith.constant 0 : i32
    %dma_start3A_107 = tpu.memref_slice %arg9[%dma_start3A_102, %dma_start3A_106] : memref<4x128xi32, #tpu.memory_space<vmem>> -> memref<1x128xi32, #tpu.memory_space<vmem>>
    %dma_start3A_108 = tpu.memref_squeeze %dma_start3A_107 : memref<1x128xi32, #tpu.memory_space<vmem>> -> memref<128xi32, #tpu.memory_space<vmem>>
    %dma_start3A_109 = arith.constant 0 : i32
    %dma_start3A_110 = arith.constant 0 : i32
    %dma_start3A_111 = tpu.memref_slice %arg6[%dma_start3A_109, %dma_start3A_110] : memref<1000x64xf32, #tpu.memory_space<hbm>> -> memref<1000x64xf32, #tpu.memory_space<hbm>>
    tpu.enqueue_indirect_dma source(%dma_start3A_111 : memref<1000x64xf32, #tpu.memory_space<hbm>>) target(%dma_start3A_105 : memref<128x64xf32, #tpu.memory_space<vmem>>) offsets(%dma_start3A_108 : memref<128xi32, #tpu.memory_space<vmem>>) semaphore(%arg15 : memref<!tpu.dma_semaphore, #tpu.memory_space<semaphore_mem>>)
    %dma_start3A_112 = arith.constant 3 : i32
    %dma_start3A_113 = arith.constant 384 : i32
    %dma_start3A_114 = arith.constant 0 : i32
    %dma_start3A_115 = tpu.memref_slice %arg13[%dma_start3A_113, %dma_start3A_114] : memref<512x64xf32, #tpu.memory_space<vmem>> -> memref<128x64xf32, #tpu.memory_space<vmem>>
    %dma_start3A_116 = arith.constant 0 : i32
    %dma_start3A_117 = tpu.memref_slice %arg10[%dma_start3A_112, %dma_start3A_116] : memref<4x128xi32, #tpu.memory_space<vmem>> -> memref<1x128xi32, #tpu.memory_space<vmem>>
    %dma_start3A_118 = tpu.memref_squeeze %dma_start3A_117 : memref<1x128xi32, #tpu.memory_space<vmem>> -> memref<128xi32, #tpu.memory_space<vmem>>
    %dma_start3A_119 = arith.constant 0 : i32
    %dma_start3A_120 = arith.constant 0 : i32
    %dma_start3A_121 = tpu.memref_slice %arg5[%dma_start3A_119, %dma_start3A_120] : memref<1000000x64xf32, #tpu.memory_space<hbm>> -> memref<1000000x64xf32, #tpu.memory_space<hbm>>
    tpu.enqueue_indirect_dma source(%dma_start3A_121 : memref<1000000x64xf32, #tpu.memory_space<hbm>>) target(%dma_start3A_115 : memref<128x64xf32, #tpu.memory_space<vmem>>) offsets(%dma_start3A_118 : memref<128xi32, #tpu.memory_space<vmem>>) semaphore(%arg15 : memref<!tpu.dma_semaphore, #tpu.memory_space<semaphore_mem>>)
    %dma_wait3A = arith.constant 0 : i32
    %dma_wait3A_122 = arith.constant 0 : i32
    %dma_wait3A_123 = arith.constant 0 : i32
    %dma_wait3A_124 = tpu.memref_slice %arg11[%dma_wait3A_122, %dma_wait3A_123] : memref<512x64xf32, #tpu.memory_space<vmem>> -> memref<128x64xf32, #tpu.memory_space<vmem>>
    %dma_wait3A_125 = arith.constant 0 : i32
    %dma_wait3A_126 = tpu.memref_slice %arg8[%dma_wait3A, %dma_wait3A_125] : memref<4x128xi32, #tpu.memory_space<vmem>> -> memref<1x128xi32, #tpu.memory_space<vmem>>
    %dma_wait3A_127 = tpu.memref_squeeze %dma_wait3A_126 : memref<1x128xi32, #tpu.memory_space<vmem>> -> memref<128xi32, #tpu.memory_space<vmem>>
    %dma_wait3A_128 = arith.constant 0 : i32
    %dma_wait3A_129 = arith.constant 0 : i32
    %dma_wait3A_130 = tpu.memref_slice %arg5[%dma_wait3A_128, %dma_wait3A_129] : memref<1000000x64xf32, #tpu.memory_space<hbm>> -> memref<1000000x64xf32, #tpu.memory_space<hbm>>
    tpu.wait_indirect_dma semaphore(%arg15 : memref<!tpu.dma_semaphore, #tpu.memory_space<semaphore_mem>>) src(%dma_wait3A_130 : memref<1000000x64xf32, #tpu.memory_space<hbm>>) dst(%dma_wait3A_124 : memref<128x64xf32, #tpu.memory_space<vmem>>)
    %dma_wait3A_131 = arith.constant 0 : i32
    %dma_wait3A_132 = arith.constant 0 : i32
    %dma_wait3A_133 = arith.constant 0 : i32
    %dma_wait3A_134 = tpu.memref_slice %arg12[%dma_wait3A_132, %dma_wait3A_133] : memref<512x64xf32, #tpu.memory_space<vmem>> -> memref<128x64xf32, #tpu.memory_space<vmem>>
    %dma_wait3A_135 = arith.constant 0 : i32
    %dma_wait3A_136 = tpu.memref_slice %arg9[%dma_wait3A_131, %dma_wait3A_135] : memref<4x128xi32, #tpu.memory_space<vmem>> -> memref<1x128xi32, #tpu.memory_space<vmem>>
    %dma_wait3A_137 = tpu.memref_squeeze %dma_wait3A_136 : memref<1x128xi32, #tpu.memory_space<vmem>> -> memref<128xi32, #tpu.memory_space<vmem>>
    %dma_wait3A_138 = arith.constant 0 : i32
    %dma_wait3A_139 = arith.constant 0 : i32
    %dma_wait3A_140 = tpu.memref_slice %arg6[%dma_wait3A_138, %dma_wait3A_139] : memref<1000x64xf32, #tpu.memory_space<hbm>> -> memref<1000x64xf32, #tpu.memory_space<hbm>>
    tpu.wait_indirect_dma semaphore(%arg15 : memref<!tpu.dma_semaphore, #tpu.memory_space<semaphore_mem>>) src(%dma_wait3A_140 : memref<1000x64xf32, #tpu.memory_space<hbm>>) dst(%dma_wait3A_134 : memref<128x64xf32, #tpu.memory_space<vmem>>)
    %dma_wait3A_141 = arith.constant 0 : i32
    %dma_wait3A_142 = arith.constant 0 : i32
    %dma_wait3A_143 = arith.constant 0 : i32
    %dma_wait3A_144 = tpu.memref_slice %arg13[%dma_wait3A_142, %dma_wait3A_143] : memref<512x64xf32, #tpu.memory_space<vmem>> -> memref<128x64xf32, #tpu.memory_space<vmem>>
    %dma_wait3A_145 = arith.constant 0 : i32
    %dma_wait3A_146 = tpu.memref_slice %arg10[%dma_wait3A_141, %dma_wait3A_145] : memref<4x128xi32, #tpu.memory_space<vmem>> -> memref<1x128xi32, #tpu.memory_space<vmem>>
    %dma_wait3A_147 = tpu.memref_squeeze %dma_wait3A_146 : memref<1x128xi32, #tpu.memory_space<vmem>> -> memref<128xi32, #tpu.memory_space<vmem>>
    %dma_wait3A_148 = arith.constant 0 : i32
    %dma_wait3A_149 = arith.constant 0 : i32
    %dma_wait3A_150 = tpu.memref_slice %arg5[%dma_wait3A_148, %dma_wait3A_149] : memref<1000000x64xf32, #tpu.memory_space<hbm>> -> memref<1000000x64xf32, #tpu.memory_space<hbm>>
    tpu.wait_indirect_dma semaphore(%arg15 : memref<!tpu.dma_semaphore, #tpu.memory_space<semaphore_mem>>) src(%dma_wait3A_150 : memref<1000000x64xf32, #tpu.memory_space<hbm>>) dst(%dma_wait3A_144 : memref<128x64xf32, #tpu.memory_space<vmem>>)
    %dma_wait3A_151 = arith.constant 1 : i32
    %dma_wait3A_152 = arith.constant 128 : i32
    %dma_wait3A_153 = arith.constant 0 : i32
    %dma_wait3A_154 = tpu.memref_slice %arg11[%dma_wait3A_152, %dma_wait3A_153] : memref<512x64xf32, #tpu.memory_space<vmem>> -> memref<128x64xf32, #tpu.memory_space<vmem>>
    %dma_wait3A_155 = arith.constant 0 : i32
    %dma_wait3A_156 = tpu.memref_slice %arg8[%dma_wait3A_151, %dma_wait3A_155] : memref<4x128xi32, #tpu.memory_space<vmem>> -> memref<1x128xi32, #tpu.memory_space<vmem>>
    %dma_wait3A_157 = tpu.memref_squeeze %dma_wait3A_156 : memref<1x128xi32, #tpu.memory_space<vmem>> -> memref<128xi32, #tpu.memory_space<vmem>>
    %dma_wait3A_158 = arith.constant 0 : i32
    %dma_wait3A_159 = arith.constant 0 : i32
    %dma_wait3A_160 = tpu.memref_slice %arg5[%dma_wait3A_158, %dma_wait3A_159] : memref<1000000x64xf32, #tpu.memory_space<hbm>> -> memref<1000000x64xf32, #tpu.memory_space<hbm>>
    tpu.wait_indirect_dma semaphore(%arg15 : memref<!tpu.dma_semaphore, #tpu.memory_space<semaphore_mem>>) src(%dma_wait3A_160 : memref<1000000x64xf32, #tpu.memory_space<hbm>>) dst(%dma_wait3A_154 : memref<128x64xf32, #tpu.memory_space<vmem>>)
    %dma_wait3A_161 = arith.constant 1 : i32
    %dma_wait3A_162 = arith.constant 128 : i32
    %dma_wait3A_163 = arith.constant 0 : i32
    %dma_wait3A_164 = tpu.memref_slice %arg12[%dma_wait3A_162, %dma_wait3A_163] : memref<512x64xf32, #tpu.memory_space<vmem>> -> memref<128x64xf32, #tpu.memory_space<vmem>>
    %dma_wait3A_165 = arith.constant 0 : i32
    %dma_wait3A_166 = tpu.memref_slice %arg9[%dma_wait3A_161, %dma_wait3A_165] : memref<4x128xi32, #tpu.memory_space<vmem>> -> memref<1x128xi32, #tpu.memory_space<vmem>>
    %dma_wait3A_167 = tpu.memref_squeeze %dma_wait3A_166 : memref<1x128xi32, #tpu.memory_space<vmem>> -> memref<128xi32, #tpu.memory_space<vmem>>
    %dma_wait3A_168 = arith.constant 0 : i32
    %dma_wait3A_169 = arith.constant 0 : i32
    %dma_wait3A_170 = tpu.memref_slice %arg6[%dma_wait3A_168, %dma_wait3A_169] : memref<1000x64xf32, #tpu.memory_space<hbm>> -> memref<1000x64xf32, #tpu.memory_space<hbm>>
    tpu.wait_indirect_dma semaphore(%arg15 : memref<!tpu.dma_semaphore, #tpu.memory_space<semaphore_mem>>) src(%dma_wait3A_170 : memref<1000x64xf32, #tpu.memory_space<hbm>>) dst(%dma_wait3A_164 : memref<128x64xf32, #tpu.memory_space<vmem>>)
    %dma_wait3A_171 = arith.constant 1 : i32
    %dma_wait3A_172 = arith.constant 128 : i32
    %dma_wait3A_173 = arith.constant 0 : i32
    %dma_wait3A_174 = tpu.memref_slice %arg13[%dma_wait3A_172, %dma_wait3A_173] : memref<512x64xf32, #tpu.memory_space<vmem>> -> memref<128x64xf32, #tpu.memory_space<vmem>>
    %dma_wait3A_175 = arith.constant 0 : i32
    %dma_wait3A_176 = tpu.memref_slice %arg10[%dma_wait3A_171, %dma_wait3A_175] : memref<4x128xi32, #tpu.memory_space<vmem>> -> memref<1x128xi32, #tpu.memory_space<vmem>>
    %dma_wait3A_177 = tpu.memref_squeeze %dma_wait3A_176 : memref<1x128xi32, #tpu.memory_space<vmem>> -> memref<128xi32, #tpu.memory_space<vmem>>
    %dma_wait3A_178 = arith.constant 0 : i32
    %dma_wait3A_179 = arith.constant 0 : i32
    %dma_wait3A_180 = tpu.memref_slice %arg5[%dma_wait3A_178, %dma_wait3A_179] : memref<1000000x64xf32, #tpu.memory_space<hbm>> -> memref<1000000x64xf32, #tpu.memory_space<hbm>>
    tpu.wait_indirect_dma semaphore(%arg15 : memref<!tpu.dma_semaphore, #tpu.memory_space<semaphore_mem>>) src(%dma_wait3A_180 : memref<1000000x64xf32, #tpu.memory_space<hbm>>) dst(%dma_wait3A_174 : memref<128x64xf32, #tpu.memory_space<vmem>>)
    %dma_wait3A_181 = arith.constant 2 : i32
    %dma_wait3A_182 = arith.constant 256 : i32
    %dma_wait3A_183 = arith.constant 0 : i32
    %dma_wait3A_184 = tpu.memref_slice %arg11[%dma_wait3A_182, %dma_wait3A_183] : memref<512x64xf32, #tpu.memory_space<vmem>> -> memref<128x64xf32, #tpu.memory_space<vmem>>
    %dma_wait3A_185 = arith.constant 0 : i32
    %dma_wait3A_186 = tpu.memref_slice %arg8[%dma_wait3A_181, %dma_wait3A_185] : memref<4x128xi32, #tpu.memory_space<vmem>> -> memref<1x128xi32, #tpu.memory_space<vmem>>
    %dma_wait3A_187 = tpu.memref_squeeze %dma_wait3A_186 : memref<1x128xi32, #tpu.memory_space<vmem>> -> memref<128xi32, #tpu.memory_space<vmem>>
    %dma_wait3A_188 = arith.constant 0 : i32
    %dma_wait3A_189 = arith.constant 0 : i32
    %dma_wait3A_190 = tpu.memref_slice %arg5[%dma_wait3A_188, %dma_wait3A_189] : memref<1000000x64xf32, #tpu.memory_space<hbm>> -> memref<1000000x64xf32, #tpu.memory_space<hbm>>
    tpu.wait_indirect_dma semaphore(%arg15 : memref<!tpu.dma_semaphore, #tpu.memory_space<semaphore_mem>>) src(%dma_wait3A_190 : memref<1000000x64xf32, #tpu.memory_space<hbm>>) dst(%dma_wait3A_184 : memref<128x64xf32, #tpu.memory_space<vmem>>)
    %dma_wait3A_191 = arith.constant 2 : i32
    %dma_wait3A_192 = arith.constant 256 : i32
    %dma_wait3A_193 = arith.constant 0 : i32
    %dma_wait3A_194 = tpu.memref_slice %arg12[%dma_wait3A_192, %dma_wait3A_193] : memref<512x64xf32, #tpu.memory_space<vmem>> -> memref<128x64xf32, #tpu.memory_space<vmem>>
    %dma_wait3A_195 = arith.constant 0 : i32
    %dma_wait3A_196 = tpu.memref_slice %arg9[%dma_wait3A_191, %dma_wait3A_195] : memref<4x128xi32, #tpu.memory_space<vmem>> -> memref<1x128xi32, #tpu.memory_space<vmem>>
    %dma_wait3A_197 = tpu.memref_squeeze %dma_wait3A_196 : memref<1x128xi32, #tpu.memory_space<vmem>> -> memref<128xi32, #tpu.memory_space<vmem>>
    %dma_wait3A_198 = arith.constant 0 : i32
    %dma_wait3A_199 = arith.constant 0 : i32
    %dma_wait3A_200 = tpu.memref_slice %arg6[%dma_wait3A_198, %dma_wait3A_199] : memref<1000x64xf32, #tpu.memory_space<hbm>> -> memref<1000x64xf32, #tpu.memory_space<hbm>>
    tpu.wait_indirect_dma semaphore(%arg15 : memref<!tpu.dma_semaphore, #tpu.memory_space<semaphore_mem>>) src(%dma_wait3A_200 : memref<1000x64xf32, #tpu.memory_space<hbm>>) dst(%dma_wait3A_194 : memref<128x64xf32, #tpu.memory_space<vmem>>)
    %dma_wait3A_201 = arith.constant 2 : i32
    %dma_wait3A_202 = arith.constant 256 : i32
    %dma_wait3A_203 = arith.constant 0 : i32
    %dma_wait3A_204 = tpu.memref_slice %arg13[%dma_wait3A_202, %dma_wait3A_203] : memref<512x64xf32, #tpu.memory_space<vmem>> -> memref<128x64xf32, #tpu.memory_space<vmem>>
    %dma_wait3A_205 = arith.constant 0 : i32
    %dma_wait3A_206 = tpu.memref_slice %arg10[%dma_wait3A_201, %dma_wait3A_205] : memref<4x128xi32, #tpu.memory_space<vmem>> -> memref<1x128xi32, #tpu.memory_space<vmem>>
    %dma_wait3A_207 = tpu.memref_squeeze %dma_wait3A_206 : memref<1x128xi32, #tpu.memory_space<vmem>> -> memref<128xi32, #tpu.memory_space<vmem>>
    %dma_wait3A_208 = arith.constant 0 : i32
    %dma_wait3A_209 = arith.constant 0 : i32
    %dma_wait3A_210 = tpu.memref_slice %arg5[%dma_wait3A_208, %dma_wait3A_209] : memref<1000000x64xf32, #tpu.memory_space<hbm>> -> memref<1000000x64xf32, #tpu.memory_space<hbm>>
    tpu.wait_indirect_dma semaphore(%arg15 : memref<!tpu.dma_semaphore, #tpu.memory_space<semaphore_mem>>) src(%dma_wait3A_210 : memref<1000000x64xf32, #tpu.memory_space<hbm>>) dst(%dma_wait3A_204 : memref<128x64xf32, #tpu.memory_space<vmem>>)
    %dma_wait3A_211 = arith.constant 3 : i32
    %dma_wait3A_212 = arith.constant 384 : i32
    %dma_wait3A_213 = arith.constant 0 : i32
    %dma_wait3A_214 = tpu.memref_slice %arg11[%dma_wait3A_212, %dma_wait3A_213] : memref<512x64xf32, #tpu.memory_space<vmem>> -> memref<128x64xf32, #tpu.memory_space<vmem>>
    %dma_wait3A_215 = arith.constant 0 : i32
    %dma_wait3A_216 = tpu.memref_slice %arg8[%dma_wait3A_211, %dma_wait3A_215] : memref<4x128xi32, #tpu.memory_space<vmem>> -> memref<1x128xi32, #tpu.memory_space<vmem>>
    %dma_wait3A_217 = tpu.memref_squeeze %dma_wait3A_216 : memref<1x128xi32, #tpu.memory_space<vmem>> -> memref<128xi32, #tpu.memory_space<vmem>>
    %dma_wait3A_218 = arith.constant 0 : i32
    %dma_wait3A_219 = arith.constant 0 : i32
    %dma_wait3A_220 = tpu.memref_slice %arg5[%dma_wait3A_218, %dma_wait3A_219] : memref<1000000x64xf32, #tpu.memory_space<hbm>> -> memref<1000000x64xf32, #tpu.memory_space<hbm>>
    tpu.wait_indirect_dma semaphore(%arg15 : memref<!tpu.dma_semaphore, #tpu.memory_space<semaphore_mem>>) src(%dma_wait3A_220 : memref<1000000x64xf32, #tpu.memory_space<hbm>>) dst(%dma_wait3A_214 : memref<128x64xf32, #tpu.memory_space<vmem>>)
    %dma_wait3A_221 = arith.constant 3 : i32
    %dma_wait3A_222 = arith.constant 384 : i32
    %dma_wait3A_223 = arith.constant 0 : i32
    %dma_wait3A_224 = tpu.memref_slice %arg12[%dma_wait3A_222, %dma_wait3A_223] : memref<512x64xf32, #tpu.memory_space<vmem>> -> memref<128x64xf32, #tpu.memory_space<vmem>>
    %dma_wait3A_225 = arith.constant 0 : i32
    %dma_wait3A_226 = tpu.memref_slice %arg9[%dma_wait3A_221, %dma_wait3A_225] : memref<4x128xi32, #tpu.memory_space<vmem>> -> memref<1x128xi32, #tpu.memory_space<vmem>>
    %dma_wait3A_227 = tpu.memref_squeeze %dma_wait3A_226 : memref<1x128xi32, #tpu.memory_space<vmem>> -> memref<128xi32, #tpu.memory_space<vmem>>
    %dma_wait3A_228 = arith.constant 0 : i32
    %dma_wait3A_229 = arith.constant 0 : i32
    %dma_wait3A_230 = tpu.memref_slice %arg6[%dma_wait3A_228, %dma_wait3A_229] : memref<1000x64xf32, #tpu.memory_space<hbm>> -> memref<1000x64xf32, #tpu.memory_space<hbm>>
    tpu.wait_indirect_dma semaphore(%arg15 : memref<!tpu.dma_semaphore, #tpu.memory_space<semaphore_mem>>) src(%dma_wait3A_230 : memref<1000x64xf32, #tpu.memory_space<hbm>>) dst(%dma_wait3A_224 : memref<128x64xf32, #tpu.memory_space<vmem>>)
    %dma_wait3A_231 = arith.constant 3 : i32
    %dma_wait3A_232 = arith.constant 384 : i32
    %dma_wait3A_233 = arith.constant 0 : i32
    %dma_wait3A_234 = tpu.memref_slice %arg13[%dma_wait3A_232, %dma_wait3A_233] : memref<512x64xf32, #tpu.memory_space<vmem>> -> memref<128x64xf32, #tpu.memory_space<vmem>>
    %dma_wait3A_235 = arith.constant 0 : i32
    %dma_wait3A_236 = tpu.memref_slice %arg10[%dma_wait3A_231, %dma_wait3A_235] : memref<4x128xi32, #tpu.memory_space<vmem>> -> memref<1x128xi32, #tpu.memory_space<vmem>>
    %dma_wait3A_237 = tpu.memref_squeeze %dma_wait3A_236 : memref<1x128xi32, #tpu.memory_space<vmem>> -> memref<128xi32, #tpu.memory_space<vmem>>
    %dma_wait3A_238 = arith.constant 0 : i32
    %dma_wait3A_239 = arith.constant 0 : i32
    %dma_wait3A_240 = tpu.memref_slice %arg5[%dma_wait3A_238, %dma_wait3A_239] : memref<1000000x64xf32, #tpu.memory_space<hbm>> -> memref<1000000x64xf32, #tpu.memory_space<hbm>>
    tpu.wait_indirect_dma semaphore(%arg15 : memref<!tpu.dma_semaphore, #tpu.memory_space<semaphore_mem>>) src(%dma_wait3A_240 : memref<1000000x64xf32, #tpu.memory_space<hbm>>) dst(%dma_wait3A_234 : memref<128x64xf32, #tpu.memory_space<vmem>>)
    %iota3A = tpu.iota {dimensions = array<i32: 0>} : vector<16xi32>
    %scan3A = arith.constant 0 : i32
    %scan3A_241 = arith.constant 0 : i32
    %scan3A_242 = arith.constant 32 : i32
    %scan3A_243 = arith.addi %scan3A_241, %scan3A_242 : i32
    %scan3A_244 = arith.constant 1 : i32
    scf.for %scan3A_246 = %scan3A_241 to %scan3A_243 step %scan3A_244  : i32 {
      %broadcast_in_dim3A = arith.constant 0.000000e+00 : f32
      %broadcast_in_dim3A_247 = vector.broadcast %broadcast_in_dim3A : f32 to vector<16xf32>
      %mul3A_248 = arith.constant 16 : i32
      %mul3A_249 = arith.muli %scan3A_246, %mul3A_248 : i32
      %add3A_250 = arith.constant 0 : i32
      %add3A_251 = arith.addi %mul3A_249, %add3A_250 : i32
      %broadcast_in_dim3A_252 = arith.constant 0.000000e+00 : f32
      %broadcast_in_dim3A_253 = vector.broadcast %broadcast_in_dim3A_252 : f32 to vector<16xf32>
      %get3A = arith.index_cast %add3A_251 : i32 to index
      %get3A_254 = arith.constant 0 : index
      %get3A_255 = tpu.vector_load %arg11[%get3A, %get3A_254] {strides = array<i32>} : memref<512x64xf32, #tpu.memory_space<vmem>>, vector<16xf32>,
      %get3A_256 = arith.index_cast %add3A_251 : i32 to index
      %get3A_257 = arith.constant 0 : index
      %get3A_258 = tpu.vector_load %arg12[%get3A_256, %get3A_257] {strides = array<i32>} : memref<512x64xf32, #tpu.memory_space<vmem>>, vector<16xf32>,
      %add3A_259 = arith.addf %get3A_255, %get3A_258 : vector<16xf32>
      %get3A_260 = arith.index_cast %add3A_251 : i32 to index
      %get3A_261 = arith.constant 0 : index
      %get3A_262 = tpu.vector_load %arg13[%get3A_260, %get3A_261] {strides = array<i32>} : memref<512x64xf32, #tpu.memory_space<vmem>>, vector<16xf32>,
      %sub3A = arith.subf %add3A_259, %get3A_262 : vector<16xf32>
      %abs3A = math.absf %sub3A : vector<16xf32>
      %add3A_263 = arith.addf %broadcast_in_dim3A_253, %abs3A : vector<16xf32>
      %get3A_264 = arith.index_cast %add3A_251 : i32 to index
      %get3A_265 = arith.constant 16 : index
      %get3A_266 = tpu.vector_load %arg11[%get3A_264, %get3A_265] {strides = array<i32>} : memref<512x64xf32, #tpu.memory_space<vmem>>, vector<16xf32>,
      %get3A_267 = arith.index_cast %add3A_251 : i32 to index
      %get3A_268 = arith.constant 16 : index
      %get3A_269 = tpu.vector_load %arg12[%get3A_267, %get3A_268] {strides = array<i32>} : memref<512x64xf32, #tpu.memory_space<vmem>>, vector<16xf32>,
      %add3A_270 = arith.addf %get3A_266, %get3A_269 : vector<16xf32>
      %get3A_271 = arith.index_cast %add3A_251 : i32 to index
      %get3A_272 = arith.constant 16 : index
      %get3A_273 = tpu.vector_load %arg13[%get3A_271, %get3A_272] {strides = array<i32>} : memref<512x64xf32, #tpu.memory_space<vmem>>, vector<16xf32>,
      %sub3A_274 = arith.subf %add3A_270, %get3A_273 : vector<16xf32>
      %abs3A_275 = math.absf %sub3A_274 : vector<16xf32>
      %add3A_276 = arith.addf %add3A_263, %abs3A_275 : vector<16xf32>
      %get3A_277 = arith.index_cast %add3A_251 : i32 to index
      %get3A_278 = arith.constant 32 : index
      %get3A_279 = tpu.vector_load %arg11[%get3A_277, %get3A_278] {strides = array<i32>} : memref<512x64xf32, #tpu.memory_space<vmem>>, vector<16xf32>,
      %get3A_280 = arith.index_cast %add3A_251 : i32 to index
      %get3A_281 = arith.constant 32 : index
      %get3A_282 = tpu.vector_load %arg12[%get3A_280, %get3A_281] {strides = array<i32>} : memref<512x64xf32, #tpu.memory_space<vmem>>, vector<16xf32>,
      %add3A_283 = arith.addf %get3A_279, %get3A_282 : vector<16xf32>
      %get3A_284 = arith.index_cast %add3A_251 : i32 to index
      %get3A_285 = arith.constant 32 : index
      %get3A_286 = tpu.vector_load %arg13[%get3A_284, %get3A_285] {strides = array<i32>} : memref<512x64xf32, #tpu.memory_space<vmem>>, vector<16xf32>,
      %sub3A_287 = arith.subf %add3A_283, %get3A_286 : vector<16xf32>
      %abs3A_288 = math.absf %sub3A_287 : vector<16xf32>
      %add3A_289 = arith.addf %add3A_276, %abs3A_288 : vector<16xf32>
      %get3A_290 = arith.index_cast %add3A_251 : i32 to index
      %get3A_291 = arith.constant 48 : index
      %get3A_292 = tpu.vector_load %arg11[%get3A_290, %get3A_291] {strides = array<i32>} : memref<512x64xf32, #tpu.memory_space<vmem>>, vector<16xf32>,
      %get3A_293 = arith.index_cast %add3A_251 : i32 to index
      %get3A_294 = arith.constant 48 : index
      %get3A_295 = tpu.vector_load %arg12[%get3A_293, %get3A_294] {strides = array<i32>} : memref<512x64xf32, #tpu.memory_space<vmem>>, vector<16xf32>,
      %add3A_296 = arith.addf %get3A_292, %get3A_295 : vector<16xf32>
      %get3A_297 = arith.index_cast %add3A_251 : i32 to index
      %get3A_298 = arith.constant 48 : index
      %get3A_299 = tpu.vector_load %arg13[%get3A_297, %get3A_298] {strides = array<i32>} : memref<512x64xf32, #tpu.memory_space<vmem>>, vector<16xf32>,
      %sub3A_300 = arith.subf %add3A_296, %get3A_299 : vector<16xf32>
      %abs3A_301 = math.absf %sub3A_300 : vector<16xf32>
      %add3A_302 = arith.addf %add3A_289, %abs3A_301 : vector<16xf32>
      %eq3A = arith.constant 0 : i32
      %eq3A_303 = vector.broadcast %eq3A : i32 to vector<16xi32>
      %eq3A_304 = arith.cmpi eq, %iota3A, %eq3A_303 : vector<16xi32>
      %reduce_sum3A = arith.constant true
      %reduce_sum3A_305 = vector.broadcast %reduce_sum3A : i1 to vector<16xi1>
      %reduce_sum3A_306 = tpu.scan <sum>, %add3A_302 masked %reduce_sum3A_305 : vector<16xf32>, vector<16xi1> -> vector<16xf32>
      %reduce_sum3A_307 = vector.extract %reduce_sum3A_306[15] : f32 from vector<16xf32>
      %broadcast_in_dim3A_308 = vector.broadcast %reduce_sum3A_307 : f32 to vector<16xf32>
      %select_n3A = arith.select %eq3A_304, %broadcast_in_dim3A_308, %broadcast_in_dim3A_247 : vector<16xi1>, vector<16xf32>
      %mul3A_309 = arith.constant 16 : i32
      %mul3A_310 = arith.muli %scan3A_246, %mul3A_309 : i32
      %add3A_311 = arith.constant 1 : i32
      %add3A_312 = arith.addi %mul3A_310, %add3A_311 : i32
      %broadcast_in_dim3A_313 = arith.constant 0.000000e+00 : f32
      %broadcast_in_dim3A_314 = vector.broadcast %broadcast_in_dim3A_313 : f32 to vector<16xf32>
      %get3A_315 = arith.index_cast %add3A_312 : i32 to index
      %get3A_316 = arith.constant 0 : index
      %get3A_317 = tpu.vector_load %arg11[%get3A_315, %get3A_316] {strides = array<i32>} : memref<512x64xf32, #tpu.memory_space<vmem>>, vector<16xf32>,
      %get3A_318 = arith.index_cast %add3A_312 : i32 to index
      %get3A_319 = arith.constant 0 : index
      %get3A_320 = tpu.vector_load %arg12[%get3A_318, %get3A_319] {strides = array<i32>} : memref<512x64xf32, #tpu.memory_space<vmem>>, vector<16xf32>,
      %add3A_321 = arith.addf %get3A_317, %get3A_320 : vector<16xf32>
      %get3A_322 = arith.index_cast %add3A_312 : i32 to index
      %get3A_323 = arith.constant 0 : index
      %get3A_324 = tpu.vector_load %arg13[%get3A_322, %get3A_323] {strides = array<i32>} : memref<512x64xf32, #tpu.memory_space<vmem>>, vector<16xf32>,
      %sub3A_325 = arith.subf %add3A_321, %get3A_324 : vector<16xf32>
      %abs3A_326 = math.absf %sub3A_325 : vector<16xf32>
      %add3A_327 = arith.addf %broadcast_in_dim3A_314, %abs3A_326 : vector<16xf32>
      %get3A_328 = arith.index_cast %add3A_312 : i32 to index
      %get3A_329 = arith.constant 16 : index
      %get3A_330 = tpu.vector_load %arg11[%get3A_328, %get3A_329] {strides = array<i32>} : memref<512x64xf32, #tpu.memory_space<vmem>>, vector<16xf32>,
      %get3A_331 = arith.index_cast %add3A_312 : i32 to index
      %get3A_332 = arith.constant 16 : index
      %get3A_333 = tpu.vector_load %arg12[%get3A_331, %get3A_332] {strides = array<i32>} : memref<512x64xf32, #tpu.memory_space<vmem>>, vector<16xf32>,
      %add3A_334 = arith.addf %get3A_330, %get3A_333 : vector<16xf32>
      %get3A_335 = arith.index_cast %add3A_312 : i32 to index
      %get3A_336 = arith.constant 16 : index
      %get3A_337 = tpu.vector_load %arg13[%get3A_335, %get3A_336] {strides = array<i32>} : memref<512x64xf32, #tpu.memory_space<vmem>>, vector<16xf32>,
      %sub3A_338 = arith.subf %add3A_334, %get3A_337 : vector<16xf32>
      %abs3A_339 = math.absf %sub3A_338 : vector<16xf32>
      %add3A_340 = arith.addf %add3A_327, %abs3A_339 : vector<16xf32>
      %get3A_341 = arith.index_cast %add3A_312 : i32 to index
      %get3A_342 = arith.constant 32 : index
      %get3A_343 = tpu.vector_load %arg11[%get3A_341, %get3A_342] {strides = array<i32>} : memref<512x64xf32, #tpu.memory_space<vmem>>, vector<16xf32>,
      %get3A_344 = arith.index_cast %add3A_312 : i32 to index
      %get3A_345 = arith.constant 32 : index
      %get3A_346 = tpu.vector_load %arg12[%get3A_344, %get3A_345] {strides = array<i32>} : memref<512x64xf32, #tpu.memory_space<vmem>>, vector<16xf32>,
      %add3A_347 = arith.addf %get3A_343, %get3A_346 : vector<16xf32>
      %get3A_348 = arith.index_cast %add3A_312 : i32 to index
      %get3A_349 = arith.constant 32 : index
      %get3A_350 = tpu.vector_load %arg13[%get3A_348, %get3A_349] {strides = array<i32>} : memref<512x64xf32, #tpu.memory_space<vmem>>, vector<16xf32>,
      %sub3A_351 = arith.subf %add3A_347, %get3A_350 : vector<16xf32>
      %abs3A_352 = math.absf %sub3A_351 : vector<16xf32>
      %add3A_353 = arith.addf %add3A_340, %abs3A_352 : vector<16xf32>
      %get3A_354 = arith.index_cast %add3A_312 : i32 to index
      %get3A_355 = arith.constant 48 : index
      %get3A_356 = tpu.vector_load %arg11[%get3A_354, %get3A_355] {strides = array<i32>} : memref<512x64xf32, #tpu.memory_space<vmem>>, vector<16xf32>,
      %get3A_357 = arith.index_cast %add3A_312 : i32 to index
      %get3A_358 = arith.constant 48 : index
      %get3A_359 = tpu.vector_load %arg12[%get3A_357, %get3A_358] {strides = array<i32>} : memref<512x64xf32, #tpu.memory_space<vmem>>, vector<16xf32>,
      %add3A_360 = arith.addf %get3A_356, %get3A_359 : vector<16xf32>
      %get3A_361 = arith.index_cast %add3A_312 : i32 to index
      %get3A_362 = arith.constant 48 : index
      %get3A_363 = tpu.vector_load %arg13[%get3A_361, %get3A_362] {strides = array<i32>} : memref<512x64xf32, #tpu.memory_space<vmem>>, vector<16xf32>,
      %sub3A_364 = arith.subf %add3A_360, %get3A_363 : vector<16xf32>
      %abs3A_365 = math.absf %sub3A_364 : vector<16xf32>
      %add3A_366 = arith.addf %add3A_353, %abs3A_365 : vector<16xf32>
      %eq3A_367 = arith.constant 1 : i32
      %eq3A_368 = vector.broadcast %eq3A_367 : i32 to vector<16xi32>
      %eq3A_369 = arith.cmpi eq, %iota3A, %eq3A_368 : vector<16xi32>
      %reduce_sum3A_370 = arith.constant true
      %reduce_sum3A_371 = vector.broadcast %reduce_sum3A_370 : i1 to vector<16xi1>
      %reduce_sum3A_372 = tpu.scan <sum>, %add3A_366 masked %reduce_sum3A_371 : vector<16xf32>, vector<16xi1> -> vector<16xf32>
      %reduce_sum3A_373 = vector.extract %reduce_sum3A_372[15] : f32 from vector<16xf32>
      %broadcast_in_dim3A_374 = vector.broadcast %reduce_sum3A_373 : f32 to vector<16xf32>
      %select_n3A_375 = arith.select %eq3A_369, %broadcast_in_dim3A_374, %select_n3A : vector<16xi1>, vector<16xf32>
      %mul3A_376 = arith.constant 16 : i32
      %mul3A_377 = arith.muli %scan3A_246, %mul3A_376 : i32
      %add3A_378 = arith.constant 2 : i32
      %add3A_379 = arith.addi %mul3A_377, %add3A_378 : i32
      %broadcast_in_dim3A_380 = arith.constant 0.000000e+00 : f32
      %broadcast_in_dim3A_381 = vector.broadcast %broadcast_in_dim3A_380 : f32 to vector<16xf32>
      %get3A_382 = arith.index_cast %add3A_379 : i32 to index
      %get3A_383 = arith.constant 0 : index
      %get3A_384 = tpu.vector_load %arg11[%get3A_382, %get3A_383] {strides = array<i32>} : memref<512x64xf32, #tpu.memory_space<vmem>>, vector<16xf32>,
      %get3A_385 = arith.index_cast %add3A_379 : i32 to index
      %get3A_386 = arith.constant 0 : index
      %get3A_387 = tpu.vector_load %arg12[%get3A_385, %get3A_386] {strides = array<i32>} : memref<512x64xf32, #tpu.memory_space<vmem>>, vector<16xf32>,
      %add3A_388 = arith.addf %get3A_384, %get3A_387 : vector<16xf32>
      %get3A_389 = arith.index_cast %add3A_379 : i32 to index
      %get3A_390 = arith.constant 0 : index
      %get3A_391 = tpu.vector_load %arg13[%get3A_389, %get3A_390] {strides = array<i32>} : memref<512x64xf32, #tpu.memory_space<vmem>>, vector<16xf32>,
      %sub3A_392 = arith.subf %add3A_388, %get3A_391 : vector<16xf32>
      %abs3A_393 = math.absf %sub3A_392 : vector<16xf32>
      %add3A_394 = arith.addf %broadcast_in_dim3A_381, %abs3A_393 : vector<16xf32>
      %get3A_395 = arith.index_cast %add3A_379 : i32 to index
      %get3A_396 = arith.constant 16 : index
      %get3A_397 = tpu.vector_load %arg11[%get3A_395, %get3A_396] {strides = array<i32>} : memref<512x64xf32, #tpu.memory_space<vmem>>, vector<16xf32>,
      %get3A_398 = arith.index_cast %add3A_379 : i32 to index
      %get3A_399 = arith.constant 16 : index
      %get3A_400 = tpu.vector_load %arg12[%get3A_398, %get3A_399] {strides = array<i32>} : memref<512x64xf32, #tpu.memory_space<vmem>>, vector<16xf32>,
      %add3A_401 = arith.addf %get3A_397, %get3A_400 : vector<16xf32>
      %get3A_402 = arith.index_cast %add3A_379 : i32 to index
      %get3A_403 = arith.constant 16 : index
      %get3A_404 = tpu.vector_load %arg13[%get3A_402, %get3A_403] {strides = array<i32>} : memref<512x64xf32, #tpu.memory_space<vmem>>, vector<16xf32>,
      %sub3A_405 = arith.subf %add3A_401, %get3A_404 : vector<16xf32>
      %abs3A_406 = math.absf %sub3A_405 : vector<16xf32>
      %add3A_407 = arith.addf %add3A_394, %abs3A_406 : vector<16xf32>
      %get3A_408 = arith.index_cast %add3A_379 : i32 to index
      %get3A_409 = arith.constant 32 : index
      %get3A_410 = tpu.vector_load %arg11[%get3A_408, %get3A_409] {strides = array<i32>} : memref<512x64xf32, #tpu.memory_space<vmem>>, vector<16xf32>,
      %get3A_411 = arith.index_cast %add3A_379 : i32 to index
      %get3A_412 = arith.constant 32 : index
      %get3A_413 = tpu.vector_load %arg12[%get3A_411, %get3A_412] {strides = array<i32>} : memref<512x64xf32, #tpu.memory_space<vmem>>, vector<16xf32>,
      %add3A_414 = arith.addf %get3A_410, %get3A_413 : vector<16xf32>
      %get3A_415 = arith.index_cast %add3A_379 : i32 to index
      %get3A_416 = arith.constant 32 : index
      %get3A_417 = tpu.vector_load %arg13[%get3A_415, %get3A_416] {strides = array<i32>} : memref<512x64xf32, #tpu.memory_space<vmem>>, vector<16xf32>,
      %sub3A_418 = arith.subf %add3A_414, %get3A_417 : vector<16xf32>
      %abs3A_419 = math.absf %sub3A_418 : vector<16xf32>
      %add3A_420 = arith.addf %add3A_407, %abs3A_419 : vector<16xf32>
      %get3A_421 = arith.index_cast %add3A_379 : i32 to index
      %get3A_422 = arith.constant 48 : index
      %get3A_423 = tpu.vector_load %arg11[%get3A_421, %get3A_422] {strides = array<i32>} : memref<512x64xf32, #tpu.memory_space<vmem>>, vector<16xf32>,
      %get3A_424 = arith.index_cast %add3A_379 : i32 to index
      %get3A_425 = arith.constant 48 : index
      %get3A_426 = tpu.vector_load %arg12[%get3A_424, %get3A_425] {strides = array<i32>} : memref<512x64xf32, #tpu.memory_space<vmem>>, vector<16xf32>,
      %add3A_427 = arith.addf %get3A_423, %get3A_426 : vector<16xf32>
      %get3A_428 = arith.index_cast %add3A_379 : i32 to index
      %get3A_429 = arith.constant 48 : index
      %get3A_430 = tpu.vector_load %arg13[%get3A_428, %get3A_429] {strides = array<i32>} : memref<512x64xf32, #tpu.memory_space<vmem>>, vector<16xf32>,
      %sub3A_431 = arith.subf %add3A_427, %get3A_430 : vector<16xf32>
      %abs3A_432 = math.absf %sub3A_431 : vector<16xf32>
      %add3A_433 = arith.addf %add3A_420, %abs3A_432 : vector<16xf32>
      %eq3A_434 = arith.constant 2 : i32
      %eq3A_435 = vector.broadcast %eq3A_434 : i32 to vector<16xi32>
      %eq3A_436 = arith.cmpi eq, %iota3A, %eq3A_435 : vector<16xi32>
      %reduce_sum3A_437 = arith.constant true
      %reduce_sum3A_438 = vector.broadcast %reduce_sum3A_437 : i1 to vector<16xi1>
      %reduce_sum3A_439 = tpu.scan <sum>, %add3A_433 masked %reduce_sum3A_438 : vector<16xf32>, vector<16xi1> -> vector<16xf32>
      %reduce_sum3A_440 = vector.extract %reduce_sum3A_439[15] : f32 from vector<16xf32>
      %broadcast_in_dim3A_441 = vector.broadcast %reduce_sum3A_440 : f32 to vector<16xf32>
      %select_n3A_442 = arith.select %eq3A_436, %broadcast_in_dim3A_441, %select_n3A_375 : vector<16xi1>, vector<16xf32>
      %mul3A_443 = arith.constant 16 : i32
      %mul3A_444 = arith.muli %scan3A_246, %mul3A_443 : i32
      %add3A_445 = arith.constant 3 : i32
      %add3A_446 = arith.addi %mul3A_444, %add3A_445 : i32
      %broadcast_in_dim3A_447 = arith.constant 0.000000e+00 : f32
      %broadcast_in_dim3A_448 = vector.broadcast %broadcast_in_dim3A_447 : f32 to vector<16xf32>
      %get3A_449 = arith.index_cast %add3A_446 : i32 to index
      %get3A_450 = arith.constant 0 : index
      %get3A_451 = tpu.vector_load %arg11[%get3A_449, %get3A_450] {strides = array<i32>} : memref<512x64xf32, #tpu.memory_space<vmem>>, vector<16xf32>,
      %get3A_452 = arith.index_cast %add3A_446 : i32 to index
      %get3A_453 = arith.constant 0 : index
      %get3A_454 = tpu.vector_load %arg12[%get3A_452, %get3A_453] {strides = array<i32>} : memref<512x64xf32, #tpu.memory_space<vmem>>, vector<16xf32>,
      %add3A_455 = arith.addf %get3A_451, %get3A_454 : vector<16xf32>
      %get3A_456 = arith.index_cast %add3A_446 : i32 to index
      %get3A_457 = arith.constant 0 : index
      %get3A_458 = tpu.vector_load %arg13[%get3A_456, %get3A_457] {strides = array<i32>} : memref<512x64xf32, #tpu.memory_space<vmem>>, vector<16xf32>,
      %sub3A_459 = arith.subf %add3A_455, %get3A_458 : vector<16xf32>
      %abs3A_460 = math.absf %sub3A_459 : vector<16xf32>
      %add3A_461 = arith.addf %broadcast_in_dim3A_448, %abs3A_460 : vector<16xf32>
      %get3A_462 = arith.index_cast %add3A_446 : i32 to index
      %get3A_463 = arith.constant 16 : index
      %get3A_464 = tpu.vector_load %arg11[%get3A_462, %get3A_463] {strides = array<i32>} : memref<512x64xf32, #tpu.memory_space<vmem>>, vector<16xf32>,
      %get3A_465 = arith.index_cast %add3A_446 : i32 to index
      %get3A_466 = arith.constant 16 : index
      %get3A_467 = tpu.vector_load %arg12[%get3A_465, %get3A_466] {strides = array<i32>} : memref<512x64xf32, #tpu.memory_space<vmem>>, vector<16xf32>,
      %add3A_468 = arith.addf %get3A_464, %get3A_467 : vector<16xf32>
      %get3A_469 = arith.index_cast %add3A_446 : i32 to index
      %get3A_470 = arith.constant 16 : index
      %get3A_471 = tpu.vector_load %arg13[%get3A_469, %get3A_470] {strides = array<i32>} : memref<512x64xf32, #tpu.memory_space<vmem>>, vector<16xf32>,
      %sub3A_472 = arith.subf %add3A_468, %get3A_471 : vector<16xf32>
      %abs3A_473 = math.absf %sub3A_472 : vector<16xf32>
      %add3A_474 = arith.addf %add3A_461, %abs3A_473 : vector<16xf32>
      %get3A_475 = arith.index_cast %add3A_446 : i32 to index
      %get3A_476 = arith.constant 32 : index
      %get3A_477 = tpu.vector_load %arg11[%get3A_475, %get3A_476] {strides = array<i32>} : memref<512x64xf32, #tpu.memory_space<vmem>>, vector<16xf32>,
      %get3A_478 = arith.index_cast %add3A_446 : i32 to index
      %get3A_479 = arith.constant 32 : index
      %get3A_480 = tpu.vector_load %arg12[%get3A_478, %get3A_479] {strides = array<i32>} : memref<512x64xf32, #tpu.memory_space<vmem>>, vector<16xf32>,
      %add3A_481 = arith.addf %get3A_477, %get3A_480 : vector<16xf32>
      %get3A_482 = arith.index_cast %add3A_446 : i32 to index
      %get3A_483 = arith.constant 32 : index
      %get3A_484 = tpu.vector_load %arg13[%get3A_482, %get3A_483] {strides = array<i32>} : memref<512x64xf32, #tpu.memory_space<vmem>>, vector<16xf32>,
      %sub3A_485 = arith.subf %add3A_481, %get3A_484 : vector<16xf32>
      %abs3A_486 = math.absf %sub3A_485 : vector<16xf32>
      %add3A_487 = arith.addf %add3A_474, %abs3A_486 : vector<16xf32>
      %get3A_488 = arith.index_cast %add3A_446 : i32 to index
      %get3A_489 = arith.constant 48 : index
      %get3A_490 = tpu.vector_load %arg11[%get3A_488, %get3A_489] {strides = array<i32>} : memref<512x64xf32, #tpu.memory_space<vmem>>, vector<16xf32>,
      %get3A_491 = arith.index_cast %add3A_446 : i32 to index
      %get3A_492 = arith.constant 48 : index
      %get3A_493 = tpu.vector_load %arg12[%get3A_491, %get3A_492] {strides = array<i32>} : memref<512x64xf32, #tpu.memory_space<vmem>>, vector<16xf32>,
      %add3A_494 = arith.addf %get3A_490, %get3A_493 : vector<16xf32>
      %get3A_495 = arith.index_cast %add3A_446 : i32 to index
      %get3A_496 = arith.constant 48 : index
      %get3A_497 = tpu.vector_load %arg13[%get3A_495, %get3A_496] {strides = array<i32>} : memref<512x64xf32, #tpu.memory_space<vmem>>, vector<16xf32>,
      %sub3A_498 = arith.subf %add3A_494, %get3A_497 : vector<16xf32>
      %abs3A_499 = math.absf %sub3A_498 : vector<16xf32>
      %add3A_500 = arith.addf %add3A_487, %abs3A_499 : vector<16xf32>
      %eq3A_501 = arith.constant 3 : i32
      %eq3A_502 = vector.broadcast %eq3A_501 : i32 to vector<16xi32>
      %eq3A_503 = arith.cmpi eq, %iota3A, %eq3A_502 : vector<16xi32>
      %reduce_sum3A_504 = arith.constant true
      %reduce_sum3A_505 = vector.broadcast %reduce_sum3A_504 : i1 to vector<16xi1>
      %reduce_sum3A_506 = tpu.scan <sum>, %add3A_500 masked %reduce_sum3A_505 : vector<16xf32>, vector<16xi1> -> vector<16xf32>
      %reduce_sum3A_507 = vector.extract %reduce_sum3A_506[15] : f32 from vector<16xf32>
      %broadcast_in_dim3A_508 = vector.broadcast %reduce_sum3A_507 : f32 to vector<16xf32>
      %select_n3A_509 = arith.select %eq3A_503, %broadcast_in_dim3A_508, %select_n3A_442 : vector<16xi1>, vector<16xf32>
      %mul3A_510 = arith.constant 16 : i32
      %mul3A_511 = arith.muli %scan3A_246, %mul3A_510 : i32
      %add3A_512 = arith.constant 4 : i32
      %add3A_513 = arith.addi %mul3A_511, %add3A_512 : i32
      %broadcast_in_dim3A_514 = arith.constant 0.000000e+00 : f32
      %broadcast_in_dim3A_515 = vector.broadcast %broadcast_in_dim3A_514 : f32 to vector<16xf32>
      %get3A_516 = arith.index_cast %add3A_513 : i32 to index
      %get3A_517 = arith.constant 0 : index
      %get3A_518 = tpu.vector_load %arg11[%get3A_516, %get3A_517] {strides = array<i32>} : memref<512x64xf32, #tpu.memory_space<vmem>>, vector<16xf32>,
      %get3A_519 = arith.index_cast %add3A_513 : i32 to index
      %get3A_520 = arith.constant 0 : index
      %get3A_521 = tpu.vector_load %arg12[%get3A_519, %get3A_520] {strides = array<i32>} : memref<512x64xf32, #tpu.memory_space<vmem>>, vector<16xf32>,
      %add3A_522 = arith.addf %get3A_518, %get3A_521 : vector<16xf32>
      %get3A_523 = arith.index_cast %add3A_513 : i32 to index
      %get3A_524 = arith.constant 0 : index
      %get3A_525 = tpu.vector_load %arg13[%get3A_523, %get3A_524] {strides = array<i32>} : memref<512x64xf32, #tpu.memory_space<vmem>>, vector<16xf32>,
      %sub3A_526 = arith.subf %add3A_522, %get3A_525 : vector<16xf32>
      %abs3A_527 = math.absf %sub3A_526 : vector<16xf32>
      %add3A_528 = arith.addf %broadcast_in_dim3A_515, %abs3A_527 : vector<16xf32>
      %get3A_529 = arith.index_cast %add3A_513 : i32 to index
      %get3A_530 = arith.constant 16 : index
      %get3A_531 = tpu.vector_load %arg11[%get3A_529, %get3A_530] {strides = array<i32>} : memref<512x64xf32, #tpu.memory_space<vmem>>, vector<16xf32>,
      %get3A_532 = arith.index_cast %add3A_513 : i32 to index
      %get3A_533 = arith.constant 16 : index
      %get3A_534 = tpu.vector_load %arg12[%get3A_532, %get3A_533] {strides = array<i32>} : memref<512x64xf32, #tpu.memory_space<vmem>>, vector<16xf32>,
      %add3A_535 = arith.addf %get3A_531, %get3A_534 : vector<16xf32>
      %get3A_536 = arith.index_cast %add3A_513 : i32 to index
      %get3A_537 = arith.constant 16 : index
      %get3A_538 = tpu.vector_load %arg13[%get3A_536, %get3A_537] {strides = array<i32>} : memref<512x64xf32, #tpu.memory_space<vmem>>, vector<16xf32>,
      %sub3A_539 = arith.subf %add3A_535, %get3A_538 : vector<16xf32>
      %abs3A_540 = math.absf %sub3A_539 : vector<16xf32>
      %add3A_541 = arith.addf %add3A_528, %abs3A_540 : vector<16xf32>
      %get3A_542 = arith.index_cast %add3A_513 : i32 to index
      %get3A_543 = arith.constant 32 : index
      %get3A_544 = tpu.vector_load %arg11[%get3A_542, %get3A_543] {strides = array<i32>} : memref<512x64xf32, #tpu.memory_space<vmem>>, vector<16xf32>,
      %get3A_545 = arith.index_cast %add3A_513 : i32 to index
      %get3A_546 = arith.constant 32 : index
      %get3A_547 = tpu.vector_load %arg12[%get3A_545, %get3A_546] {strides = array<i32>} : memref<512x64xf32, #tpu.memory_space<vmem>>, vector<16xf32>,
      %add3A_548 = arith.addf %get3A_544, %get3A_547 : vector<16xf32>
      %get3A_549 = arith.index_cast %add3A_513 : i32 to index
      %get3A_550 = arith.constant 32 : index
      %get3A_551 = tpu.vector_load %arg13[%get3A_549, %get3A_550] {strides = array<i32>} : memref<512x64xf32, #tpu.memory_space<vmem>>, vector<16xf32>,
      %sub3A_552 = arith.subf %add3A_548, %get3A_551 : vector<16xf32>
      %abs3A_553 = math.absf %sub3A_552 : vector<16xf32>
      %add3A_554 = arith.addf %add3A_541, %abs3A_553 : vector<16xf32>
      %get3A_555 = arith.index_cast %add3A_513 : i32 to index
      %get3A_556 = arith.constant 48 : index
      %get3A_557 = tpu.vector_load %arg11[%get3A_555, %get3A_556] {strides = array<i32>} : memref<512x64xf32, #tpu.memory_space<vmem>>, vector<16xf32>,
      %get3A_558 = arith.index_cast %add3A_513 : i32 to index
      %get3A_559 = arith.constant 48 : index
      %get3A_560 = tpu.vector_load %arg12[%get3A_558, %get3A_559] {strides = array<i32>} : memref<512x64xf32, #tpu.memory_space<vmem>>, vector<16xf32>,
      %add3A_561 = arith.addf %get3A_557, %get3A_560 : vector<16xf32>
      %get3A_562 = arith.index_cast %add3A_513 : i32 to index
      %get3A_563 = arith.constant 48 : index
      %get3A_564 = tpu.vector_load %arg13[%get3A_562, %get3A_563] {strides = array<i32>} : memref<512x64xf32, #tpu.memory_space<vmem>>, vector<16xf32>,
      %sub3A_565 = arith.subf %add3A_561, %get3A_564 : vector<16xf32>
      %abs3A_566 = math.absf %sub3A_565 : vector<16xf32>
      %add3A_567 = arith.addf %add3A_554, %abs3A_566 : vector<16xf32>
      %eq3A_568 = arith.constant 4 : i32
      %eq3A_569 = vector.broadcast %eq3A_568 : i32 to vector<16xi32>
      %eq3A_570 = arith.cmpi eq, %iota3A, %eq3A_569 : vector<16xi32>
      %reduce_sum3A_571 = arith.constant true
      %reduce_sum3A_572 = vector.broadcast %reduce_sum3A_571 : i1 to vector<16xi1>
      %reduce_sum3A_573 = tpu.scan <sum>, %add3A_567 masked %reduce_sum3A_572 : vector<16xf32>, vector<16xi1> -> vector<16xf32>
      %reduce_sum3A_574 = vector.extract %reduce_sum3A_573[15] : f32 from vector<16xf32>
      %broadcast_in_dim3A_575 = vector.broadcast %reduce_sum3A_574 : f32 to vector<16xf32>
      %select_n3A_576 = arith.select %eq3A_570, %broadcast_in_dim3A_575, %select_n3A_509 : vector<16xi1>, vector<16xf32>
      %mul3A_577 = arith.constant 16 : i32
      %mul3A_578 = arith.muli %scan3A_246, %mul3A_577 : i32
      %add3A_579 = arith.constant 5 : i32
      %add3A_580 = arith.addi %mul3A_578, %add3A_579 : i32
      %broadcast_in_dim3A_581 = arith.constant 0.000000e+00 : f32
      %broadcast_in_dim3A_582 = vector.broadcast %broadcast_in_dim3A_581 : f32 to vector<16xf32>
      %get3A_583 = arith.index_cast %add3A_580 : i32 to index
      %get3A_584 = arith.constant 0 : index
      %get3A_585 = tpu.vector_load %arg11[%get3A_583, %get3A_584] {strides = array<i32>} : memref<512x64xf32, #tpu.memory_space<vmem>>, vector<16xf32>,
      %get3A_586 = arith.index_cast %add3A_580 : i32 to index
      %get3A_587 = arith.constant 0 : index
      %get3A_588 = tpu.vector_load %arg12[%get3A_586, %get3A_587] {strides = array<i32>} : memref<512x64xf32, #tpu.memory_space<vmem>>, vector<16xf32>,
      %add3A_589 = arith.addf %get3A_585, %get3A_588 : vector<16xf32>
      %get3A_590 = arith.index_cast %add3A_580 : i32 to index
      %get3A_591 = arith.constant 0 : index
      %get3A_592 = tpu.vector_load %arg13[%get3A_590, %get3A_591] {strides = array<i32>} : memref<512x64xf32, #tpu.memory_space<vmem>>, vector<16xf32>,
      %sub3A_593 = arith.subf %add3A_589, %get3A_592 : vector<16xf32>
      %abs3A_594 = math.absf %sub3A_593 : vector<16xf32>
      %add3A_595 = arith.addf %broadcast_in_dim3A_582, %abs3A_594 : vector<16xf32>
      %get3A_596 = arith.index_cast %add3A_580 : i32 to index
      %get3A_597 = arith.constant 16 : index
      %get3A_598 = tpu.vector_load %arg11[%get3A_596, %get3A_597] {strides = array<i32>} : memref<512x64xf32, #tpu.memory_space<vmem>>, vector<16xf32>,
      %get3A_599 = arith.index_cast %add3A_580 : i32 to index
      %get3A_600 = arith.constant 16 : index
      %get3A_601 = tpu.vector_load %arg12[%get3A_599, %get3A_600] {strides = array<i32>} : memref<512x64xf32, #tpu.memory_space<vmem>>, vector<16xf32>,
      %add3A_602 = arith.addf %get3A_598, %get3A_601 : vector<16xf32>
      %get3A_603 = arith.index_cast %add3A_580 : i32 to index
      %get3A_604 = arith.constant 16 : index
      %get3A_605 = tpu.vector_load %arg13[%get3A_603, %get3A_604] {strides = array<i32>} : memref<512x64xf32, #tpu.memory_space<vmem>>, vector<16xf32>,
      %sub3A_606 = arith.subf %add3A_602, %get3A_605 : vector<16xf32>
      %abs3A_607 = math.absf %sub3A_606 : vector<16xf32>
      %add3A_608 = arith.addf %add3A_595, %abs3A_607 : vector<16xf32>
      %get3A_609 = arith.index_cast %add3A_580 : i32 to index
      %get3A_610 = arith.constant 32 : index
      %get3A_611 = tpu.vector_load %arg11[%get3A_609, %get3A_610] {strides = array<i32>} : memref<512x64xf32, #tpu.memory_space<vmem>>, vector<16xf32>,
      %get3A_612 = arith.index_cast %add3A_580 : i32 to index
      %get3A_613 = arith.constant 32 : index
      %get3A_614 = tpu.vector_load %arg12[%get3A_612, %get3A_613] {strides = array<i32>} : memref<512x64xf32, #tpu.memory_space<vmem>>, vector<16xf32>,
      %add3A_615 = arith.addf %get3A_611, %get3A_614 : vector<16xf32>
      %get3A_616 = arith.index_cast %add3A_580 : i32 to index
      %get3A_617 = arith.constant 32 : index
      %get3A_618 = tpu.vector_load %arg13[%get3A_616, %get3A_617] {strides = array<i32>} : memref<512x64xf32, #tpu.memory_space<vmem>>, vector<16xf32>,
      %sub3A_619 = arith.subf %add3A_615, %get3A_618 : vector<16xf32>
      %abs3A_620 = math.absf %sub3A_619 : vector<16xf32>
      %add3A_621 = arith.addf %add3A_608, %abs3A_620 : vector<16xf32>
      %get3A_622 = arith.index_cast %add3A_580 : i32 to index
      %get3A_623 = arith.constant 48 : index
      %get3A_624 = tpu.vector_load %arg11[%get3A_622, %get3A_623] {strides = array<i32>} : memref<512x64xf32, #tpu.memory_space<vmem>>, vector<16xf32>,
      %get3A_625 = arith.index_cast %add3A_580 : i32 to index
      %get3A_626 = arith.constant 48 : index
      %get3A_627 = tpu.vector_load %arg12[%get3A_625, %get3A_626] {strides = array<i32>} : memref<512x64xf32, #tpu.memory_space<vmem>>, vector<16xf32>,
      %add3A_628 = arith.addf %get3A_624, %get3A_627 : vector<16xf32>
      %get3A_629 = arith.index_cast %add3A_580 : i32 to index
      %get3A_630 = arith.constant 48 : index
      %get3A_631 = tpu.vector_load %arg13[%get3A_629, %get3A_630] {strides = array<i32>} : memref<512x64xf32, #tpu.memory_space<vmem>>, vector<16xf32>,
      %sub3A_632 = arith.subf %add3A_628, %get3A_631 : vector<16xf32>
      %abs3A_633 = math.absf %sub3A_632 : vector<16xf32>
      %add3A_634 = arith.addf %add3A_621, %abs3A_633 : vector<16xf32>
      %eq3A_635 = arith.constant 5 : i32
      %eq3A_636 = vector.broadcast %eq3A_635 : i32 to vector<16xi32>
      %eq3A_637 = arith.cmpi eq, %iota3A, %eq3A_636 : vector<16xi32>
      %reduce_sum3A_638 = arith.constant true
      %reduce_sum3A_639 = vector.broadcast %reduce_sum3A_638 : i1 to vector<16xi1>
      %reduce_sum3A_640 = tpu.scan <sum>, %add3A_634 masked %reduce_sum3A_639 : vector<16xf32>, vector<16xi1> -> vector<16xf32>
      %reduce_sum3A_641 = vector.extract %reduce_sum3A_640[15] : f32 from vector<16xf32>
      %broadcast_in_dim3A_642 = vector.broadcast %reduce_sum3A_641 : f32 to vector<16xf32>
      %select_n3A_643 = arith.select %eq3A_637, %broadcast_in_dim3A_642, %select_n3A_576 : vector<16xi1>, vector<16xf32>
      %mul3A_644 = arith.constant 16 : i32
      %mul3A_645 = arith.muli %scan3A_246, %mul3A_644 : i32
      %add3A_646 = arith.constant 6 : i32
      %add3A_647 = arith.addi %mul3A_645, %add3A_646 : i32
      %broadcast_in_dim3A_648 = arith.constant 0.000000e+00 : f32
      %broadcast_in_dim3A_649 = vector.broadcast %broadcast_in_dim3A_648 : f32 to vector<16xf32>
      %get3A_650 = arith.index_cast %add3A_647 : i32 to index
      %get3A_651 = arith.constant 0 : index
      %get3A_652 = tpu.vector_load %arg11[%get3A_650, %get3A_651] {strides = array<i32>} : memref<512x64xf32, #tpu.memory_space<vmem>>, vector<16xf32>,
      %get3A_653 = arith.index_cast %add3A_647 : i32 to index
      %get3A_654 = arith.constant 0 : index
      %get3A_655 = tpu.vector_load %arg12[%get3A_653, %get3A_654] {strides = array<i32>} : memref<512x64xf32, #tpu.memory_space<vmem>>, vector<16xf32>,
      %add3A_656 = arith.addf %get3A_652, %get3A_655 : vector<16xf32>
      %get3A_657 = arith.index_cast %add3A_647 : i32 to index
      %get3A_658 = arith.constant 0 : index
      %get3A_659 = tpu.vector_load %arg13[%get3A_657, %get3A_658] {strides = array<i32>} : memref<512x64xf32, #tpu.memory_space<vmem>>, vector<16xf32>,
      %sub3A_660 = arith.subf %add3A_656, %get3A_659 : vector<16xf32>
      %abs3A_661 = math.absf %sub3A_660 : vector<16xf32>
      %add3A_662 = arith.addf %broadcast_in_dim3A_649, %abs3A_661 : vector<16xf32>
      %get3A_663 = arith.index_cast %add3A_647 : i32 to index
      %get3A_664 = arith.constant 16 : index
      %get3A_665 = tpu.vector_load %arg11[%get3A_663, %get3A_664] {strides = array<i32>} : memref<512x64xf32, #tpu.memory_space<vmem>>, vector<16xf32>,
      %get3A_666 = arith.index_cast %add3A_647 : i32 to index
      %get3A_667 = arith.constant 16 : index
      %get3A_668 = tpu.vector_load %arg12[%get3A_666, %get3A_667] {strides = array<i32>} : memref<512x64xf32, #tpu.memory_space<vmem>>, vector<16xf32>,
      %add3A_669 = arith.addf %get3A_665, %get3A_668 : vector<16xf32>
      %get3A_670 = arith.index_cast %add3A_647 : i32 to index
      %get3A_671 = arith.constant 16 : index
      %get3A_672 = tpu.vector_load %arg13[%get3A_670, %get3A_671] {strides = array<i32>} : memref<512x64xf32, #tpu.memory_space<vmem>>, vector<16xf32>,
      %sub3A_673 = arith.subf %add3A_669, %get3A_672 : vector<16xf32>
      %abs3A_674 = math.absf %sub3A_673 : vector<16xf32>
      %add3A_675 = arith.addf %add3A_662, %abs3A_674 : vector<16xf32>
      %get3A_676 = arith.index_cast %add3A_647 : i32 to index
      %get3A_677 = arith.constant 32 : index
      %get3A_678 = tpu.vector_load %arg11[%get3A_676, %get3A_677] {strides = array<i32>} : memref<512x64xf32, #tpu.memory_space<vmem>>, vector<16xf32>,
      %get3A_679 = arith.index_cast %add3A_647 : i32 to index
      %get3A_680 = arith.constant 32 : index
      %get3A_681 = tpu.vector_load %arg12[%get3A_679, %get3A_680] {strides = array<i32>} : memref<512x64xf32, #tpu.memory_space<vmem>>, vector<16xf32>,
      %add3A_682 = arith.addf %get3A_678, %get3A_681 : vector<16xf32>
      %get3A_683 = arith.index_cast %add3A_647 : i32 to index
      %get3A_684 = arith.constant 32 : index
      %get3A_685 = tpu.vector_load %arg13[%get3A_683, %get3A_684] {strides = array<i32>} : memref<512x64xf32, #tpu.memory_space<vmem>>, vector<16xf32>,
      %sub3A_686 = arith.subf %add3A_682, %get3A_685 : vector<16xf32>
      %abs3A_687 = math.absf %sub3A_686 : vector<16xf32>
      %add3A_688 = arith.addf %add3A_675, %abs3A_687 : vector<16xf32>
      %get3A_689 = arith.index_cast %add3A_647 : i32 to index
      %get3A_690 = arith.constant 48 : index
      %get3A_691 = tpu.vector_load %arg11[%get3A_689, %get3A_690] {strides = array<i32>} : memref<512x64xf32, #tpu.memory_space<vmem>>, vector<16xf32>,
      %get3A_692 = arith.index_cast %add3A_647 : i32 to index
      %get3A_693 = arith.constant 48 : index
      %get3A_694 = tpu.vector_load %arg12[%get3A_692, %get3A_693] {strides = array<i32>} : memref<512x64xf32, #tpu.memory_space<vmem>>, vector<16xf32>,
      %add3A_695 = arith.addf %get3A_691, %get3A_694 : vector<16xf32>
      %get3A_696 = arith.index_cast %add3A_647 : i32 to index
      %get3A_697 = arith.constant 48 : index
      %get3A_698 = tpu.vector_load %arg13[%get3A_696, %get3A_697] {strides = array<i32>} : memref<512x64xf32, #tpu.memory_space<vmem>>, vector<16xf32>,
      %sub3A_699 = arith.subf %add3A_695, %get3A_698 : vector<16xf32>
      %abs3A_700 = math.absf %sub3A_699 : vector<16xf32>
      %add3A_701 = arith.addf %add3A_688, %abs3A_700 : vector<16xf32>
      %eq3A_702 = arith.constant 6 : i32
      %eq3A_703 = vector.broadcast %eq3A_702 : i32 to vector<16xi32>
      %eq3A_704 = arith.cmpi eq, %iota3A, %eq3A_703 : vector<16xi32>
      %reduce_sum3A_705 = arith.constant true
      %reduce_sum3A_706 = vector.broadcast %reduce_sum3A_705 : i1 to vector<16xi1>
      %reduce_sum3A_707 = tpu.scan <sum>, %add3A_701 masked %reduce_sum3A_706 : vector<16xf32>, vector<16xi1> -> vector<16xf32>
      %reduce_sum3A_708 = vector.extract %reduce_sum3A_707[15] : f32 from vector<16xf32>
      %broadcast_in_dim3A_709 = vector.broadcast %reduce_sum3A_708 : f32 to vector<16xf32>
      %select_n3A_710 = arith.select %eq3A_704, %broadcast_in_dim3A_709, %select_n3A_643 : vector<16xi1>, vector<16xf32>
      %mul3A_711 = arith.constant 16 : i32
      %mul3A_712 = arith.muli %scan3A_246, %mul3A_711 : i32
      %add3A_713 = arith.constant 7 : i32
      %add3A_714 = arith.addi %mul3A_712, %add3A_713 : i32
      %broadcast_in_dim3A_715 = arith.constant 0.000000e+00 : f32
      %broadcast_in_dim3A_716 = vector.broadcast %broadcast_in_dim3A_715 : f32 to vector<16xf32>
      %get3A_717 = arith.index_cast %add3A_714 : i32 to index
      %get3A_718 = arith.constant 0 : index
      %get3A_719 = tpu.vector_load %arg11[%get3A_717, %get3A_718] {strides = array<i32>} : memref<512x64xf32, #tpu.memory_space<vmem>>, vector<16xf32>,
      %get3A_720 = arith.index_cast %add3A_714 : i32 to index
      %get3A_721 = arith.constant 0 : index
      %get3A_722 = tpu.vector_load %arg12[%get3A_720, %get3A_721] {strides = array<i32>} : memref<512x64xf32, #tpu.memory_space<vmem>>, vector<16xf32>,
      %add3A_723 = arith.addf %get3A_719, %get3A_722 : vector<16xf32>
      %get3A_724 = arith.index_cast %add3A_714 : i32 to index
      %get3A_725 = arith.constant 0 : index
      %get3A_726 = tpu.vector_load %arg13[%get3A_724, %get3A_725] {strides = array<i32>} : memref<512x64xf32, #tpu.memory_space<vmem>>, vector<16xf32>,
      %sub3A_727 = arith.subf %add3A_723, %get3A_726 : vector<16xf32>
      %abs3A_728 = math.absf %sub3A_727 : vector<16xf32>
      %add3A_729 = arith.addf %broadcast_in_dim3A_716, %abs3A_728 : vector<16xf32>
      %get3A_730 = arith.index_cast %add3A_714 : i32 to index
      %get3A_731 = arith.constant 16 : index
      %get3A_732 = tpu.vector_load %arg11[%get3A_730, %get3A_731] {strides = array<i32>} : memref<512x64xf32, #tpu.memory_space<vmem>>, vector<16xf32>,
      %get3A_733 = arith.index_cast %add3A_714 : i32 to index
      %get3A_734 = arith.constant 16 : index
      %get3A_735 = tpu.vector_load %arg12[%get3A_733, %get3A_734] {strides = array<i32>} : memref<512x64xf32, #tpu.memory_space<vmem>>, vector<16xf32>,
      %add3A_736 = arith.addf %get3A_732, %get3A_735 : vector<16xf32>
      %get3A_737 = arith.index_cast %add3A_714 : i32 to index
      %get3A_738 = arith.constant 16 : index
      %get3A_739 = tpu.vector_load %arg13[%get3A_737, %get3A_738] {strides = array<i32>} : memref<512x64xf32, #tpu.memory_space<vmem>>, vector<16xf32>,
      %sub3A_740 = arith.subf %add3A_736, %get3A_739 : vector<16xf32>
      %abs3A_741 = math.absf %sub3A_740 : vector<16xf32>
      %add3A_742 = arith.addf %add3A_729, %abs3A_741 : vector<16xf32>
      %get3A_743 = arith.index_cast %add3A_714 : i32 to index
      %get3A_744 = arith.constant 32 : index
      %get3A_745 = tpu.vector_load %arg11[%get3A_743, %get3A_744] {strides = array<i32>} : memref<512x64xf32, #tpu.memory_space<vmem>>, vector<16xf32>,
      %get3A_746 = arith.index_cast %add3A_714 : i32 to index
      %get3A_747 = arith.constant 32 : index
      %get3A_748 = tpu.vector_load %arg12[%get3A_746, %get3A_747] {strides = array<i32>} : memref<512x64xf32, #tpu.memory_space<vmem>>, vector<16xf32>,
      %add3A_749 = arith.addf %get3A_745, %get3A_748 : vector<16xf32>
      %get3A_750 = arith.index_cast %add3A_714 : i32 to index
      %get3A_751 = arith.constant 32 : index
      %get3A_752 = tpu.vector_load %arg13[%get3A_750, %get3A_751] {strides = array<i32>} : memref<512x64xf32, #tpu.memory_space<vmem>>, vector<16xf32>,
      %sub3A_753 = arith.subf %add3A_749, %get3A_752 : vector<16xf32>
      %abs3A_754 = math.absf %sub3A_753 : vector<16xf32>
      %add3A_755 = arith.addf %add3A_742, %abs3A_754 : vector<16xf32>
      %get3A_756 = arith.index_cast %add3A_714 : i32 to index
      %get3A_757 = arith.constant 48 : index
      %get3A_758 = tpu.vector_load %arg11[%get3A_756, %get3A_757] {strides = array<i32>} : memref<512x64xf32, #tpu.memory_space<vmem>>, vector<16xf32>,
      %get3A_759 = arith.index_cast %add3A_714 : i32 to index
      %get3A_760 = arith.constant 48 : index
      %get3A_761 = tpu.vector_load %arg12[%get3A_759, %get3A_760] {strides = array<i32>} : memref<512x64xf32, #tpu.memory_space<vmem>>, vector<16xf32>,
      %add3A_762 = arith.addf %get3A_758, %get3A_761 : vector<16xf32>
      %get3A_763 = arith.index_cast %add3A_714 : i32 to index
      %get3A_764 = arith.constant 48 : index
      %get3A_765 = tpu.vector_load %arg13[%get3A_763, %get3A_764] {strides = array<i32>} : memref<512x64xf32, #tpu.memory_space<vmem>>, vector<16xf32>,
      %sub3A_766 = arith.subf %add3A_762, %get3A_765 : vector<16xf32>
      %abs3A_767 = math.absf %sub3A_766 : vector<16xf32>
      %add3A_768 = arith.addf %add3A_755, %abs3A_767 : vector<16xf32>
      %eq3A_769 = arith.constant 7 : i32
      %eq3A_770 = vector.broadcast %eq3A_769 : i32 to vector<16xi32>
      %eq3A_771 = arith.cmpi eq, %iota3A, %eq3A_770 : vector<16xi32>
      %reduce_sum3A_772 = arith.constant true
      %reduce_sum3A_773 = vector.broadcast %reduce_sum3A_772 : i1 to vector<16xi1>
      %reduce_sum3A_774 = tpu.scan <sum>, %add3A_768 masked %reduce_sum3A_773 : vector<16xf32>, vector<16xi1> -> vector<16xf32>
      %reduce_sum3A_775 = vector.extract %reduce_sum3A_774[15] : f32 from vector<16xf32>
      %broadcast_in_dim3A_776 = vector.broadcast %reduce_sum3A_775 : f32 to vector<16xf32>
      %select_n3A_777 = arith.select %eq3A_771, %broadcast_in_dim3A_776, %select_n3A_710 : vector<16xi1>, vector<16xf32>
      %mul3A_778 = arith.constant 16 : i32
      %mul3A_779 = arith.muli %scan3A_246, %mul3A_778 : i32
      %add3A_780 = arith.constant 8 : i32
      %add3A_781 = arith.addi %mul3A_779, %add3A_780 : i32
      %broadcast_in_dim3A_782 = arith.constant 0.000000e+00 : f32
      %broadcast_in_dim3A_783 = vector.broadcast %broadcast_in_dim3A_782 : f32 to vector<16xf32>
      %get3A_784 = arith.index_cast %add3A_781 : i32 to index
      %get3A_785 = arith.constant 0 : index
      %get3A_786 = tpu.vector_load %arg11[%get3A_784, %get3A_785] {strides = array<i32>} : memref<512x64xf32, #tpu.memory_space<vmem>>, vector<16xf32>,
      %get3A_787 = arith.index_cast %add3A_781 : i32 to index
      %get3A_788 = arith.constant 0 : index
      %get3A_789 = tpu.vector_load %arg12[%get3A_787, %get3A_788] {strides = array<i32>} : memref<512x64xf32, #tpu.memory_space<vmem>>, vector<16xf32>,
      %add3A_790 = arith.addf %get3A_786, %get3A_789 : vector<16xf32>
      %get3A_791 = arith.index_cast %add3A_781 : i32 to index
      %get3A_792 = arith.constant 0 : index
      %get3A_793 = tpu.vector_load %arg13[%get3A_791, %get3A_792] {strides = array<i32>} : memref<512x64xf32, #tpu.memory_space<vmem>>, vector<16xf32>,
      %sub3A_794 = arith.subf %add3A_790, %get3A_793 : vector<16xf32>
      %abs3A_795 = math.absf %sub3A_794 : vector<16xf32>
      %add3A_796 = arith.addf %broadcast_in_dim3A_783, %abs3A_795 : vector<16xf32>
      %get3A_797 = arith.index_cast %add3A_781 : i32 to index
      %get3A_798 = arith.constant 16 : index
      %get3A_799 = tpu.vector_load %arg11[%get3A_797, %get3A_798] {strides = array<i32>} : memref<512x64xf32, #tpu.memory_space<vmem>>, vector<16xf32>,
      %get3A_800 = arith.index_cast %add3A_781 : i32 to index
      %get3A_801 = arith.constant 16 : index
      %get3A_802 = tpu.vector_load %arg12[%get3A_800, %get3A_801] {strides = array<i32>} : memref<512x64xf32, #tpu.memory_space<vmem>>, vector<16xf32>,
      %add3A_803 = arith.addf %get3A_799, %get3A_802 : vector<16xf32>
      %get3A_804 = arith.index_cast %add3A_781 : i32 to index
      %get3A_805 = arith.constant 16 : index
      %get3A_806 = tpu.vector_load %arg13[%get3A_804, %get3A_805] {strides = array<i32>} : memref<512x64xf32, #tpu.memory_space<vmem>>, vector<16xf32>,
      %sub3A_807 = arith.subf %add3A_803, %get3A_806 : vector<16xf32>
      %abs3A_808 = math.absf %sub3A_807 : vector<16xf32>
      %add3A_809 = arith.addf %add3A_796, %abs3A_808 : vector<16xf32>
      %get3A_810 = arith.index_cast %add3A_781 : i32 to index
      %get3A_811 = arith.constant 32 : index
      %get3A_812 = tpu.vector_load %arg11[%get3A_810, %get3A_811] {strides = array<i32>} : memref<512x64xf32, #tpu.memory_space<vmem>>, vector<16xf32>,
      %get3A_813 = arith.index_cast %add3A_781 : i32 to index
      %get3A_814 = arith.constant 32 : index
      %get3A_815 = tpu.vector_load %arg12[%get3A_813, %get3A_814] {strides = array<i32>} : memref<512x64xf32, #tpu.memory_space<vmem>>, vector<16xf32>,
      %add3A_816 = arith.addf %get3A_812, %get3A_815 : vector<16xf32>
      %get3A_817 = arith.index_cast %add3A_781 : i32 to index
      %get3A_818 = arith.constant 32 : index
      %get3A_819 = tpu.vector_load %arg13[%get3A_817, %get3A_818] {strides = array<i32>} : memref<512x64xf32, #tpu.memory_space<vmem>>, vector<16xf32>,
      %sub3A_820 = arith.subf %add3A_816, %get3A_819 : vector<16xf32>
      %abs3A_821 = math.absf %sub3A_820 : vector<16xf32>
      %add3A_822 = arith.addf %add3A_809, %abs3A_821 : vector<16xf32>
      %get3A_823 = arith.index_cast %add3A_781 : i32 to index
      %get3A_824 = arith.constant 48 : index
      %get3A_825 = tpu.vector_load %arg11[%get3A_823, %get3A_824] {strides = array<i32>} : memref<512x64xf32, #tpu.memory_space<vmem>>, vector<16xf32>,
      %get3A_826 = arith.index_cast %add3A_781 : i32 to index
      %get3A_827 = arith.constant 48 : index
      %get3A_828 = tpu.vector_load %arg12[%get3A_826, %get3A_827] {strides = array<i32>} : memref<512x64xf32, #tpu.memory_space<vmem>>, vector<16xf32>,
      %add3A_829 = arith.addf %get3A_825, %get3A_828 : vector<16xf32>
      %get3A_830 = arith.index_cast %add3A_781 : i32 to index
      %get3A_831 = arith.constant 48 : index
      %get3A_832 = tpu.vector_load %arg13[%get3A_830, %get3A_831] {strides = array<i32>} : memref<512x64xf32, #tpu.memory_space<vmem>>, vector<16xf32>,
      %sub3A_833 = arith.subf %add3A_829, %get3A_832 : vector<16xf32>
      %abs3A_834 = math.absf %sub3A_833 : vector<16xf32>
      %add3A_835 = arith.addf %add3A_822, %abs3A_834 : vector<16xf32>
      %eq3A_836 = arith.constant 8 : i32
      %eq3A_837 = vector.broadcast %eq3A_836 : i32 to vector<16xi32>
      %eq3A_838 = arith.cmpi eq, %iota3A, %eq3A_837 : vector<16xi32>
      %reduce_sum3A_839 = arith.constant true
      %reduce_sum3A_840 = vector.broadcast %reduce_sum3A_839 : i1 to vector<16xi1>
      %reduce_sum3A_841 = tpu.scan <sum>, %add3A_835 masked %reduce_sum3A_840 : vector<16xf32>, vector<16xi1> -> vector<16xf32>
      %reduce_sum3A_842 = vector.extract %reduce_sum3A_841[15] : f32 from vector<16xf32>
      %broadcast_in_dim3A_843 = vector.broadcast %reduce_sum3A_842 : f32 to vector<16xf32>
      %select_n3A_844 = arith.select %eq3A_838, %broadcast_in_dim3A_843, %select_n3A_777 : vector<16xi1>, vector<16xf32>
      %mul3A_845 = arith.constant 16 : i32
      %mul3A_846 = arith.muli %scan3A_246, %mul3A_845 : i32
      %add3A_847 = arith.constant 9 : i32
      %add3A_848 = arith.addi %mul3A_846, %add3A_847 : i32
      %broadcast_in_dim3A_849 = arith.constant 0.000000e+00 : f32
      %broadcast_in_dim3A_850 = vector.broadcast %broadcast_in_dim3A_849 : f32 to vector<16xf32>
      %get3A_851 = arith.index_cast %add3A_848 : i32 to index
      %get3A_852 = arith.constant 0 : index
      %get3A_853 = tpu.vector_load %arg11[%get3A_851, %get3A_852] {strides = array<i32>} : memref<512x64xf32, #tpu.memory_space<vmem>>, vector<16xf32>,
      %get3A_854 = arith.index_cast %add3A_848 : i32 to index
      %get3A_855 = arith.constant 0 : index
      %get3A_856 = tpu.vector_load %arg12[%get3A_854, %get3A_855] {strides = array<i32>} : memref<512x64xf32, #tpu.memory_space<vmem>>, vector<16xf32>,
      %add3A_857 = arith.addf %get3A_853, %get3A_856 : vector<16xf32>
      %get3A_858 = arith.index_cast %add3A_848 : i32 to index
      %get3A_859 = arith.constant 0 : index
      %get3A_860 = tpu.vector_load %arg13[%get3A_858, %get3A_859] {strides = array<i32>} : memref<512x64xf32, #tpu.memory_space<vmem>>, vector<16xf32>,
      %sub3A_861 = arith.subf %add3A_857, %get3A_860 : vector<16xf32>
      %abs3A_862 = math.absf %sub3A_861 : vector<16xf32>
      %add3A_863 = arith.addf %broadcast_in_dim3A_850, %abs3A_862 : vector<16xf32>
      %get3A_864 = arith.index_cast %add3A_848 : i32 to index
      %get3A_865 = arith.constant 16 : index
      %get3A_866 = tpu.vector_load %arg11[%get3A_864, %get3A_865] {strides = array<i32>} : memref<512x64xf32, #tpu.memory_space<vmem>>, vector<16xf32>,
      %get3A_867 = arith.index_cast %add3A_848 : i32 to index
      %get3A_868 = arith.constant 16 : index
      %get3A_869 = tpu.vector_load %arg12[%get3A_867, %get3A_868] {strides = array<i32>} : memref<512x64xf32, #tpu.memory_space<vmem>>, vector<16xf32>,
      %add3A_870 = arith.addf %get3A_866, %get3A_869 : vector<16xf32>
      %get3A_871 = arith.index_cast %add3A_848 : i32 to index
      %get3A_872 = arith.constant 16 : index
      %get3A_873 = tpu.vector_load %arg13[%get3A_871, %get3A_872] {strides = array<i32>} : memref<512x64xf32, #tpu.memory_space<vmem>>, vector<16xf32>,
      %sub3A_874 = arith.subf %add3A_870, %get3A_873 : vector<16xf32>
      %abs3A_875 = math.absf %sub3A_874 : vector<16xf32>
      %add3A_876 = arith.addf %add3A_863, %abs3A_875 : vector<16xf32>
      %get3A_877 = arith.index_cast %add3A_848 : i32 to index
      %get3A_878 = arith.constant 32 : index
      %get3A_879 = tpu.vector_load %arg11[%get3A_877, %get3A_878] {strides = array<i32>} : memref<512x64xf32, #tpu.memory_space<vmem>>, vector<16xf32>,
      %get3A_880 = arith.index_cast %add3A_848 : i32 to index
      %get3A_881 = arith.constant 32 : index
      %get3A_882 = tpu.vector_load %arg12[%get3A_880, %get3A_881] {strides = array<i32>} : memref<512x64xf32, #tpu.memory_space<vmem>>, vector<16xf32>,
      %add3A_883 = arith.addf %get3A_879, %get3A_882 : vector<16xf32>
      %get3A_884 = arith.index_cast %add3A_848 : i32 to index
      %get3A_885 = arith.constant 32 : index
      %get3A_886 = tpu.vector_load %arg13[%get3A_884, %get3A_885] {strides = array<i32>} : memref<512x64xf32, #tpu.memory_space<vmem>>, vector<16xf32>,
      %sub3A_887 = arith.subf %add3A_883, %get3A_886 : vector<16xf32>
      %abs3A_888 = math.absf %sub3A_887 : vector<16xf32>
      %add3A_889 = arith.addf %add3A_876, %abs3A_888 : vector<16xf32>
      %get3A_890 = arith.index_cast %add3A_848 : i32 to index
      %get3A_891 = arith.constant 48 : index
      %get3A_892 = tpu.vector_load %arg11[%get3A_890, %get3A_891] {strides = array<i32>} : memref<512x64xf32, #tpu.memory_space<vmem>>, vector<16xf32>,
      %get3A_893 = arith.index_cast %add3A_848 : i32 to index
      %get3A_894 = arith.constant 48 : index
      %get3A_895 = tpu.vector_load %arg12[%get3A_893, %get3A_894] {strides = array<i32>} : memref<512x64xf32, #tpu.memory_space<vmem>>, vector<16xf32>,
      %add3A_896 = arith.addf %get3A_892, %get3A_895 : vector<16xf32>
      %get3A_897 = arith.index_cast %add3A_848 : i32 to index
      %get3A_898 = arith.constant 48 : index
      %get3A_899 = tpu.vector_load %arg13[%get3A_897, %get3A_898] {strides = array<i32>} : memref<512x64xf32, #tpu.memory_space<vmem>>, vector<16xf32>,
      %sub3A_900 = arith.subf %add3A_896, %get3A_899 : vector<16xf32>
      %abs3A_901 = math.absf %sub3A_900 : vector<16xf32>
      %add3A_902 = arith.addf %add3A_889, %abs3A_901 : vector<16xf32>
      %eq3A_903 = arith.constant 9 : i32
      %eq3A_904 = vector.broadcast %eq3A_903 : i32 to vector<16xi32>
      %eq3A_905 = arith.cmpi eq, %iota3A, %eq3A_904 : vector<16xi32>
      %reduce_sum3A_906 = arith.constant true
      %reduce_sum3A_907 = vector.broadcast %reduce_sum3A_906 : i1 to vector<16xi1>
      %reduce_sum3A_908 = tpu.scan <sum>, %add3A_902 masked %reduce_sum3A_907 : vector<16xf32>, vector<16xi1> -> vector<16xf32>
      %reduce_sum3A_909 = vector.extract %reduce_sum3A_908[15] : f32 from vector<16xf32>
      %broadcast_in_dim3A_910 = vector.broadcast %reduce_sum3A_909 : f32 to vector<16xf32>
      %select_n3A_911 = arith.select %eq3A_905, %broadcast_in_dim3A_910, %select_n3A_844 : vector<16xi1>, vector<16xf32>
      %mul3A_912 = arith.constant 16 : i32
      %mul3A_913 = arith.muli %scan3A_246, %mul3A_912 : i32
      %add3A_914 = arith.constant 10 : i32
      %add3A_915 = arith.addi %mul3A_913, %add3A_914 : i32
      %broadcast_in_dim3A_916 = arith.constant 0.000000e+00 : f32
      %broadcast_in_dim3A_917 = vector.broadcast %broadcast_in_dim3A_916 : f32 to vector<16xf32>
      %get3A_918 = arith.index_cast %add3A_915 : i32 to index
      %get3A_919 = arith.constant 0 : index
      %get3A_920 = tpu.vector_load %arg11[%get3A_918, %get3A_919] {strides = array<i32>} : memref<512x64xf32, #tpu.memory_space<vmem>>, vector<16xf32>,
      %get3A_921 = arith.index_cast %add3A_915 : i32 to index
      %get3A_922 = arith.constant 0 : index
      %get3A_923 = tpu.vector_load %arg12[%get3A_921, %get3A_922] {strides = array<i32>} : memref<512x64xf32, #tpu.memory_space<vmem>>, vector<16xf32>,
      %add3A_924 = arith.addf %get3A_920, %get3A_923 : vector<16xf32>
      %get3A_925 = arith.index_cast %add3A_915 : i32 to index
      %get3A_926 = arith.constant 0 : index
      %get3A_927 = tpu.vector_load %arg13[%get3A_925, %get3A_926] {strides = array<i32>} : memref<512x64xf32, #tpu.memory_space<vmem>>, vector<16xf32>,
      %sub3A_928 = arith.subf %add3A_924, %get3A_927 : vector<16xf32>
      %abs3A_929 = math.absf %sub3A_928 : vector<16xf32>
      %add3A_930 = arith.addf %broadcast_in_dim3A_917, %abs3A_929 : vector<16xf32>
      %get3A_931 = arith.index_cast %add3A_915 : i32 to index
      %get3A_932 = arith.constant 16 : index
      %get3A_933 = tpu.vector_load %arg11[%get3A_931, %get3A_932] {strides = array<i32>} : memref<512x64xf32, #tpu.memory_space<vmem>>, vector<16xf32>,
      %get3A_934 = arith.index_cast %add3A_915 : i32 to index
      %get3A_935 = arith.constant 16 : index
      %get3A_936 = tpu.vector_load %arg12[%get3A_934, %get3A_935] {strides = array<i32>} : memref<512x64xf32, #tpu.memory_space<vmem>>, vector<16xf32>,
      %add3A_937 = arith.addf %get3A_933, %get3A_936 : vector<16xf32>
      %get3A_938 = arith.index_cast %add3A_915 : i32 to index
      %get3A_939 = arith.constant 16 : index
      %get3A_940 = tpu.vector_load %arg13[%get3A_938, %get3A_939] {strides = array<i32>} : memref<512x64xf32, #tpu.memory_space<vmem>>, vector<16xf32>,
      %sub3A_941 = arith.subf %add3A_937, %get3A_940 : vector<16xf32>
      %abs3A_942 = math.absf %sub3A_941 : vector<16xf32>
      %add3A_943 = arith.addf %add3A_930, %abs3A_942 : vector<16xf32>
      %get3A_944 = arith.index_cast %add3A_915 : i32 to index
      %get3A_945 = arith.constant 32 : index
      %get3A_946 = tpu.vector_load %arg11[%get3A_944, %get3A_945] {strides = array<i32>} : memref<512x64xf32, #tpu.memory_space<vmem>>, vector<16xf32>,
      %get3A_947 = arith.index_cast %add3A_915 : i32 to index
      %get3A_948 = arith.constant 32 : index
      %get3A_949 = tpu.vector_load %arg12[%get3A_947, %get3A_948] {strides = array<i32>} : memref<512x64xf32, #tpu.memory_space<vmem>>, vector<16xf32>,
      %add3A_950 = arith.addf %get3A_946, %get3A_949 : vector<16xf32>
      %get3A_951 = arith.index_cast %add3A_915 : i32 to index
      %get3A_952 = arith.constant 32 : index
      %get3A_953 = tpu.vector_load %arg13[%get3A_951, %get3A_952] {strides = array<i32>} : memref<512x64xf32, #tpu.memory_space<vmem>>, vector<16xf32>,
      %sub3A_954 = arith.subf %add3A_950, %get3A_953 : vector<16xf32>
      %abs3A_955 = math.absf %sub3A_954 : vector<16xf32>
      %add3A_956 = arith.addf %add3A_943, %abs3A_955 : vector<16xf32>
      %get3A_957 = arith.index_cast %add3A_915 : i32 to index
      %get3A_958 = arith.constant 48 : index
      %get3A_959 = tpu.vector_load %arg11[%get3A_957, %get3A_958] {strides = array<i32>} : memref<512x64xf32, #tpu.memory_space<vmem>>, vector<16xf32>,
      %get3A_960 = arith.index_cast %add3A_915 : i32 to index
      %get3A_961 = arith.constant 48 : index
      %get3A_962 = tpu.vector_load %arg12[%get3A_960, %get3A_961] {strides = array<i32>} : memref<512x64xf32, #tpu.memory_space<vmem>>, vector<16xf32>,
      %add3A_963 = arith.addf %get3A_959, %get3A_962 : vector<16xf32>
      %get3A_964 = arith.index_cast %add3A_915 : i32 to index
      %get3A_965 = arith.constant 48 : index
      %get3A_966 = tpu.vector_load %arg13[%get3A_964, %get3A_965] {strides = array<i32>} : memref<512x64xf32, #tpu.memory_space<vmem>>, vector<16xf32>,
      %sub3A_967 = arith.subf %add3A_963, %get3A_966 : vector<16xf32>
      %abs3A_968 = math.absf %sub3A_967 : vector<16xf32>
      %add3A_969 = arith.addf %add3A_956, %abs3A_968 : vector<16xf32>
      %eq3A_970 = arith.constant 10 : i32
      %eq3A_971 = vector.broadcast %eq3A_970 : i32 to vector<16xi32>
      %eq3A_972 = arith.cmpi eq, %iota3A, %eq3A_971 : vector<16xi32>
      %reduce_sum3A_973 = arith.constant true
      %reduce_sum3A_974 = vector.broadcast %reduce_sum3A_973 : i1 to vector<16xi1>
      %reduce_sum3A_975 = tpu.scan <sum>, %add3A_969 masked %reduce_sum3A_974 : vector<16xf32>, vector<16xi1> -> vector<16xf32>
      %reduce_sum3A_976 = vector.extract %reduce_sum3A_975[15] : f32 from vector<16xf32>
      %broadcast_in_dim3A_977 = vector.broadcast %reduce_sum3A_976 : f32 to vector<16xf32>
      %select_n3A_978 = arith.select %eq3A_972, %broadcast_in_dim3A_977, %select_n3A_911 : vector<16xi1>, vector<16xf32>
      %mul3A_979 = arith.constant 16 : i32
      %mul3A_980 = arith.muli %scan3A_246, %mul3A_979 : i32
      %add3A_981 = arith.constant 11 : i32
      %add3A_982 = arith.addi %mul3A_980, %add3A_981 : i32
      %broadcast_in_dim3A_983 = arith.constant 0.000000e+00 : f32
      %broadcast_in_dim3A_984 = vector.broadcast %broadcast_in_dim3A_983 : f32 to vector<16xf32>
      %get3A_985 = arith.index_cast %add3A_982 : i32 to index
      %get3A_986 = arith.constant 0 : index
      %get3A_987 = tpu.vector_load %arg11[%get3A_985, %get3A_986] {strides = array<i32>} : memref<512x64xf32, #tpu.memory_space<vmem>>, vector<16xf32>,
      %get3A_988 = arith.index_cast %add3A_982 : i32 to index
      %get3A_989 = arith.constant 0 : index
      %get3A_990 = tpu.vector_load %arg12[%get3A_988, %get3A_989] {strides = array<i32>} : memref<512x64xf32, #tpu.memory_space<vmem>>, vector<16xf32>,
      %add3A_991 = arith.addf %get3A_987, %get3A_990 : vector<16xf32>
      %get3A_992 = arith.index_cast %add3A_982 : i32 to index
      %get3A_993 = arith.constant 0 : index
      %get3A_994 = tpu.vector_load %arg13[%get3A_992, %get3A_993] {strides = array<i32>} : memref<512x64xf32, #tpu.memory_space<vmem>>, vector<16xf32>,
      %sub3A_995 = arith.subf %add3A_991, %get3A_994 : vector<16xf32>
      %abs3A_996 = math.absf %sub3A_995 : vector<16xf32>
      %add3A_997 = arith.addf %broadcast_in_dim3A_984, %abs3A_996 : vector<16xf32>
      %get3A_998 = arith.index_cast %add3A_982 : i32 to index
      %get3A_999 = arith.constant 16 : index
      %get3A_1000 = tpu.vector_load %arg11[%get3A_998, %get3A_999] {strides = array<i32>} : memref<512x64xf32, #tpu.memory_space<vmem>>, vector<16xf32>,
      %get3A_1001 = arith.index_cast %add3A_982 : i32 to index
      %get3A_1002 = arith.constant 16 : index
      %get3A_1003 = tpu.vector_load %arg12[%get3A_1001, %get3A_1002] {strides = array<i32>} : memref<512x64xf32, #tpu.memory_space<vmem>>, vector<16xf32>,
      %add3A_1004 = arith.addf %get3A_1000, %get3A_1003 : vector<16xf32>
      %get3A_1005 = arith.index_cast %add3A_982 : i32 to index
      %get3A_1006 = arith.constant 16 : index
      %get3A_1007 = tpu.vector_load %arg13[%get3A_1005, %get3A_1006] {strides = array<i32>} : memref<512x64xf32, #tpu.memory_space<vmem>>, vector<16xf32>,
      %sub3A_1008 = arith.subf %add3A_1004, %get3A_1007 : vector<16xf32>
      %abs3A_1009 = math.absf %sub3A_1008 : vector<16xf32>
      %add3A_1010 = arith.addf %add3A_997, %abs3A_1009 : vector<16xf32>
      %get3A_1011 = arith.index_cast %add3A_982 : i32 to index
      %get3A_1012 = arith.constant 32 : index
      %get3A_1013 = tpu.vector_load %arg11[%get3A_1011, %get3A_1012] {strides = array<i32>} : memref<512x64xf32, #tpu.memory_space<vmem>>, vector<16xf32>,
      %get3A_1014 = arith.index_cast %add3A_982 : i32 to index
      %get3A_1015 = arith.constant 32 : index
      %get3A_1016 = tpu.vector_load %arg12[%get3A_1014, %get3A_1015] {strides = array<i32>} : memref<512x64xf32, #tpu.memory_space<vmem>>, vector<16xf32>,
      %add3A_1017 = arith.addf %get3A_1013, %get3A_1016 : vector<16xf32>
      %get3A_1018 = arith.index_cast %add3A_982 : i32 to index
      %get3A_1019 = arith.constant 32 : index
      %get3A_1020 = tpu.vector_load %arg13[%get3A_1018, %get3A_1019] {strides = array<i32>} : memref<512x64xf32, #tpu.memory_space<vmem>>, vector<16xf32>,
      %sub3A_1021 = arith.subf %add3A_1017, %get3A_1020 : vector<16xf32>
      %abs3A_1022 = math.absf %sub3A_1021 : vector<16xf32>
      %add3A_1023 = arith.addf %add3A_1010, %abs3A_1022 : vector<16xf32>
      %get3A_1024 = arith.index_cast %add3A_982 : i32 to index
      %get3A_1025 = arith.constant 48 : index
      %get3A_1026 = tpu.vector_load %arg11[%get3A_1024, %get3A_1025] {strides = array<i32>} : memref<512x64xf32, #tpu.memory_space<vmem>>, vector<16xf32>,
      %get3A_1027 = arith.index_cast %add3A_982 : i32 to index
      %get3A_1028 = arith.constant 48 : index
      %get3A_1029 = tpu.vector_load %arg12[%get3A_1027, %get3A_1028] {strides = array<i32>} : memref<512x64xf32, #tpu.memory_space<vmem>>, vector<16xf32>,
      %add3A_1030 = arith.addf %get3A_1026, %get3A_1029 : vector<16xf32>
      %get3A_1031 = arith.index_cast %add3A_982 : i32 to index
      %get3A_1032 = arith.constant 48 : index
      %get3A_1033 = tpu.vector_load %arg13[%get3A_1031, %get3A_1032] {strides = array<i32>} : memref<512x64xf32, #tpu.memory_space<vmem>>, vector<16xf32>,
      %sub3A_1034 = arith.subf %add3A_1030, %get3A_1033 : vector<16xf32>
      %abs3A_1035 = math.absf %sub3A_1034 : vector<16xf32>
      %add3A_1036 = arith.addf %add3A_1023, %abs3A_1035 : vector<16xf32>
      %eq3A_1037 = arith.constant 11 : i32
      %eq3A_1038 = vector.broadcast %eq3A_1037 : i32 to vector<16xi32>
      %eq3A_1039 = arith.cmpi eq, %iota3A, %eq3A_1038 : vector<16xi32>
      %reduce_sum3A_1040 = arith.constant true
      %reduce_sum3A_1041 = vector.broadcast %reduce_sum3A_1040 : i1 to vector<16xi1>
      %reduce_sum3A_1042 = tpu.scan <sum>, %add3A_1036 masked %reduce_sum3A_1041 : vector<16xf32>, vector<16xi1> -> vector<16xf32>
      %reduce_sum3A_1043 = vector.extract %reduce_sum3A_1042[15] : f32 from vector<16xf32>
      %broadcast_in_dim3A_1044 = vector.broadcast %reduce_sum3A_1043 : f32 to vector<16xf32>
      %select_n3A_1045 = arith.select %eq3A_1039, %broadcast_in_dim3A_1044, %select_n3A_978 : vector<16xi1>, vector<16xf32>
      %mul3A_1046 = arith.constant 16 : i32
      %mul3A_1047 = arith.muli %scan3A_246, %mul3A_1046 : i32
      %add3A_1048 = arith.constant 12 : i32
      %add3A_1049 = arith.addi %mul3A_1047, %add3A_1048 : i32
      %broadcast_in_dim3A_1050 = arith.constant 0.000000e+00 : f32
      %broadcast_in_dim3A_1051 = vector.broadcast %broadcast_in_dim3A_1050 : f32 to vector<16xf32>
      %get3A_1052 = arith.index_cast %add3A_1049 : i32 to index
      %get3A_1053 = arith.constant 0 : index
      %get3A_1054 = tpu.vector_load %arg11[%get3A_1052, %get3A_1053] {strides = array<i32>} : memref<512x64xf32, #tpu.memory_space<vmem>>, vector<16xf32>,
      %get3A_1055 = arith.index_cast %add3A_1049 : i32 to index
      %get3A_1056 = arith.constant 0 : index
      %get3A_1057 = tpu.vector_load %arg12[%get3A_1055, %get3A_1056] {strides = array<i32>} : memref<512x64xf32, #tpu.memory_space<vmem>>, vector<16xf32>,
      %add3A_1058 = arith.addf %get3A_1054, %get3A_1057 : vector<16xf32>
      %get3A_1059 = arith.index_cast %add3A_1049 : i32 to index
      %get3A_1060 = arith.constant 0 : index
      %get3A_1061 = tpu.vector_load %arg13[%get3A_1059, %get3A_1060] {strides = array<i32>} : memref<512x64xf32, #tpu.memory_space<vmem>>, vector<16xf32>,
      %sub3A_1062 = arith.subf %add3A_1058, %get3A_1061 : vector<16xf32>
      %abs3A_1063 = math.absf %sub3A_1062 : vector<16xf32>
      %add3A_1064 = arith.addf %broadcast_in_dim3A_1051, %abs3A_1063 : vector<16xf32>
      %get3A_1065 = arith.index_cast %add3A_1049 : i32 to index
      %get3A_1066 = arith.constant 16 : index
      %get3A_1067 = tpu.vector_load %arg11[%get3A_1065, %get3A_1066] {strides = array<i32>} : memref<512x64xf32, #tpu.memory_space<vmem>>, vector<16xf32>,
      %get3A_1068 = arith.index_cast %add3A_1049 : i32 to index
      %get3A_1069 = arith.constant 16 : index
      %get3A_1070 = tpu.vector_load %arg12[%get3A_1068, %get3A_1069] {strides = array<i32>} : memref<512x64xf32, #tpu.memory_space<vmem>>, vector<16xf32>,
      %add3A_1071 = arith.addf %get3A_1067, %get3A_1070 : vector<16xf32>
      %get3A_1072 = arith.index_cast %add3A_1049 : i32 to index
      %get3A_1073 = arith.constant 16 : index
      %get3A_1074 = tpu.vector_load %arg13[%get3A_1072, %get3A_1073] {strides = array<i32>} : memref<512x64xf32, #tpu.memory_space<vmem>>, vector<16xf32>,
      %sub3A_1075 = arith.subf %add3A_1071, %get3A_1074 : vector<16xf32>
      %abs3A_1076 = math.absf %sub3A_1075 : vector<16xf32>
      %add3A_1077 = arith.addf %add3A_1064, %abs3A_1076 : vector<16xf32>
      %get3A_1078 = arith.index_cast %add3A_1049 : i32 to index
      %get3A_1079 = arith.constant 32 : index
      %get3A_1080 = tpu.vector_load %arg11[%get3A_1078, %get3A_1079] {strides = array<i32>} : memref<512x64xf32, #tpu.memory_space<vmem>>, vector<16xf32>,
      %get3A_1081 = arith.index_cast %add3A_1049 : i32 to index
      %get3A_1082 = arith.constant 32 : index
      %get3A_1083 = tpu.vector_load %arg12[%get3A_1081, %get3A_1082] {strides = array<i32>} : memref<512x64xf32, #tpu.memory_space<vmem>>, vector<16xf32>,
      %add3A_1084 = arith.addf %get3A_1080, %get3A_1083 : vector<16xf32>
      %get3A_1085 = arith.index_cast %add3A_1049 : i32 to index
      %get3A_1086 = arith.constant 32 : index
      %get3A_1087 = tpu.vector_load %arg13[%get3A_1085, %get3A_1086] {strides = array<i32>} : memref<512x64xf32, #tpu.memory_space<vmem>>, vector<16xf32>,
      %sub3A_1088 = arith.subf %add3A_1084, %get3A_1087 : vector<16xf32>
      %abs3A_1089 = math.absf %sub3A_1088 : vector<16xf32>
      %add3A_1090 = arith.addf %add3A_1077, %abs3A_1089 : vector<16xf32>
      %get3A_1091 = arith.index_cast %add3A_1049 : i32 to index
      %get3A_1092 = arith.constant 48 : index
      %get3A_1093 = tpu.vector_load %arg11[%get3A_1091, %get3A_1092] {strides = array<i32>} : memref<512x64xf32, #tpu.memory_space<vmem>>, vector<16xf32>,
      %get3A_1094 = arith.index_cast %add3A_1049 : i32 to index
      %get3A_1095 = arith.constant 48 : index
      %get3A_1096 = tpu.vector_load %arg12[%get3A_1094, %get3A_1095] {strides = array<i32>} : memref<512x64xf32, #tpu.memory_space<vmem>>, vector<16xf32>,
      %add3A_1097 = arith.addf %get3A_1093, %get3A_1096 : vector<16xf32>
      %get3A_1098 = arith.index_cast %add3A_1049 : i32 to index
      %get3A_1099 = arith.constant 48 : index
      %get3A_1100 = tpu.vector_load %arg13[%get3A_1098, %get3A_1099] {strides = array<i32>} : memref<512x64xf32, #tpu.memory_space<vmem>>, vector<16xf32>,
      %sub3A_1101 = arith.subf %add3A_1097, %get3A_1100 : vector<16xf32>
      %abs3A_1102 = math.absf %sub3A_1101 : vector<16xf32>
      %add3A_1103 = arith.addf %add3A_1090, %abs3A_1102 : vector<16xf32>
      %eq3A_1104 = arith.constant 12 : i32
      %eq3A_1105 = vector.broadcast %eq3A_1104 : i32 to vector<16xi32>
      %eq3A_1106 = arith.cmpi eq, %iota3A, %eq3A_1105 : vector<16xi32>
      %reduce_sum3A_1107 = arith.constant true
      %reduce_sum3A_1108 = vector.broadcast %reduce_sum3A_1107 : i1 to vector<16xi1>
      %reduce_sum3A_1109 = tpu.scan <sum>, %add3A_1103 masked %reduce_sum3A_1108 : vector<16xf32>, vector<16xi1> -> vector<16xf32>
      %reduce_sum3A_1110 = vector.extract %reduce_sum3A_1109[15] : f32 from vector<16xf32>
      %broadcast_in_dim3A_1111 = vector.broadcast %reduce_sum3A_1110 : f32 to vector<16xf32>
      %select_n3A_1112 = arith.select %eq3A_1106, %broadcast_in_dim3A_1111, %select_n3A_1045 : vector<16xi1>, vector<16xf32>
      %mul3A_1113 = arith.constant 16 : i32
      %mul3A_1114 = arith.muli %scan3A_246, %mul3A_1113 : i32
      %add3A_1115 = arith.constant 13 : i32
      %add3A_1116 = arith.addi %mul3A_1114, %add3A_1115 : i32
      %broadcast_in_dim3A_1117 = arith.constant 0.000000e+00 : f32
      %broadcast_in_dim3A_1118 = vector.broadcast %broadcast_in_dim3A_1117 : f32 to vector<16xf32>
      %get3A_1119 = arith.index_cast %add3A_1116 : i32 to index
      %get3A_1120 = arith.constant 0 : index
      %get3A_1121 = tpu.vector_load %arg11[%get3A_1119, %get3A_1120] {strides = array<i32>} : memref<512x64xf32, #tpu.memory_space<vmem>>, vector<16xf32>,
      %get3A_1122 = arith.index_cast %add3A_1116 : i32 to index
      %get3A_1123 = arith.constant 0 : index
      %get3A_1124 = tpu.vector_load %arg12[%get3A_1122, %get3A_1123] {strides = array<i32>} : memref<512x64xf32, #tpu.memory_space<vmem>>, vector<16xf32>,
      %add3A_1125 = arith.addf %get3A_1121, %get3A_1124 : vector<16xf32>
      %get3A_1126 = arith.index_cast %add3A_1116 : i32 to index
      %get3A_1127 = arith.constant 0 : index
      %get3A_1128 = tpu.vector_load %arg13[%get3A_1126, %get3A_1127] {strides = array<i32>} : memref<512x64xf32, #tpu.memory_space<vmem>>, vector<16xf32>,
      %sub3A_1129 = arith.subf %add3A_1125, %get3A_1128 : vector<16xf32>
      %abs3A_1130 = math.absf %sub3A_1129 : vector<16xf32>
      %add3A_1131 = arith.addf %broadcast_in_dim3A_1118, %abs3A_1130 : vector<16xf32>
      %get3A_1132 = arith.index_cast %add3A_1116 : i32 to index
      %get3A_1133 = arith.constant 16 : index
      %get3A_1134 = tpu.vector_load %arg11[%get3A_1132, %get3A_1133] {strides = array<i32>} : memref<512x64xf32, #tpu.memory_space<vmem>>, vector<16xf32>,
      %get3A_1135 = arith.index_cast %add3A_1116 : i32 to index
      %get3A_1136 = arith.constant 16 : index
      %get3A_1137 = tpu.vector_load %arg12[%get3A_1135, %get3A_1136] {strides = array<i32>} : memref<512x64xf32, #tpu.memory_space<vmem>>, vector<16xf32>,
      %add3A_1138 = arith.addf %get3A_1134, %get3A_1137 : vector<16xf32>
      %get3A_1139 = arith.index_cast %add3A_1116 : i32 to index
      %get3A_1140 = arith.constant 16 : index
      %get3A_1141 = tpu.vector_load %arg13[%get3A_1139, %get3A_1140] {strides = array<i32>} : memref<512x64xf32, #tpu.memory_space<vmem>>, vector<16xf32>,
      %sub3A_1142 = arith.subf %add3A_1138, %get3A_1141 : vector<16xf32>
      %abs3A_1143 = math.absf %sub3A_1142 : vector<16xf32>
      %add3A_1144 = arith.addf %add3A_1131, %abs3A_1143 : vector<16xf32>
      %get3A_1145 = arith.index_cast %add3A_1116 : i32 to index
      %get3A_1146 = arith.constant 32 : index
      %get3A_1147 = tpu.vector_load %arg11[%get3A_1145, %get3A_1146] {strides = array<i32>} : memref<512x64xf32, #tpu.memory_space<vmem>>, vector<16xf32>,
      %get3A_1148 = arith.index_cast %add3A_1116 : i32 to index
      %get3A_1149 = arith.constant 32 : index
      %get3A_1150 = tpu.vector_load %arg12[%get3A_1148, %get3A_1149] {strides = array<i32>} : memref<512x64xf32, #tpu.memory_space<vmem>>, vector<16xf32>,
      %add3A_1151 = arith.addf %get3A_1147, %get3A_1150 : vector<16xf32>
      %get3A_1152 = arith.index_cast %add3A_1116 : i32 to index
      %get3A_1153 = arith.constant 32 : index
      %get3A_1154 = tpu.vector_load %arg13[%get3A_1152, %get3A_1153] {strides = array<i32>} : memref<512x64xf32, #tpu.memory_space<vmem>>, vector<16xf32>,
      %sub3A_1155 = arith.subf %add3A_1151, %get3A_1154 : vector<16xf32>
      %abs3A_1156 = math.absf %sub3A_1155 : vector<16xf32>
      %add3A_1157 = arith.addf %add3A_1144, %abs3A_1156 : vector<16xf32>
      %get3A_1158 = arith.index_cast %add3A_1116 : i32 to index
      %get3A_1159 = arith.constant 48 : index
      %get3A_1160 = tpu.vector_load %arg11[%get3A_1158, %get3A_1159] {strides = array<i32>} : memref<512x64xf32, #tpu.memory_space<vmem>>, vector<16xf32>,
      %get3A_1161 = arith.index_cast %add3A_1116 : i32 to index
      %get3A_1162 = arith.constant 48 : index
      %get3A_1163 = tpu.vector_load %arg12[%get3A_1161, %get3A_1162] {strides = array<i32>} : memref<512x64xf32, #tpu.memory_space<vmem>>, vector<16xf32>,
      %add3A_1164 = arith.addf %get3A_1160, %get3A_1163 : vector<16xf32>
      %get3A_1165 = arith.index_cast %add3A_1116 : i32 to index
      %get3A_1166 = arith.constant 48 : index
      %get3A_1167 = tpu.vector_load %arg13[%get3A_1165, %get3A_1166] {strides = array<i32>} : memref<512x64xf32, #tpu.memory_space<vmem>>, vector<16xf32>,
      %sub3A_1168 = arith.subf %add3A_1164, %get3A_1167 : vector<16xf32>
      %abs3A_1169 = math.absf %sub3A_1168 : vector<16xf32>
      %add3A_1170 = arith.addf %add3A_1157, %abs3A_1169 : vector<16xf32>
      %eq3A_1171 = arith.constant 13 : i32
      %eq3A_1172 = vector.broadcast %eq3A_1171 : i32 to vector<16xi32>
      %eq3A_1173 = arith.cmpi eq, %iota3A, %eq3A_1172 : vector<16xi32>
      %reduce_sum3A_1174 = arith.constant true
      %reduce_sum3A_1175 = vector.broadcast %reduce_sum3A_1174 : i1 to vector<16xi1>
      %reduce_sum3A_1176 = tpu.scan <sum>, %add3A_1170 masked %reduce_sum3A_1175 : vector<16xf32>, vector<16xi1> -> vector<16xf32>
      %reduce_sum3A_1177 = vector.extract %reduce_sum3A_1176[15] : f32 from vector<16xf32>
      %broadcast_in_dim3A_1178 = vector.broadcast %reduce_sum3A_1177 : f32 to vector<16xf32>
      %select_n3A_1179 = arith.select %eq3A_1173, %broadcast_in_dim3A_1178, %select_n3A_1112 : vector<16xi1>, vector<16xf32>
      %mul3A_1180 = arith.constant 16 : i32
      %mul3A_1181 = arith.muli %scan3A_246, %mul3A_1180 : i32
      %add3A_1182 = arith.constant 14 : i32
      %add3A_1183 = arith.addi %mul3A_1181, %add3A_1182 : i32
      %broadcast_in_dim3A_1184 = arith.constant 0.000000e+00 : f32
      %broadcast_in_dim3A_1185 = vector.broadcast %broadcast_in_dim3A_1184 : f32 to vector<16xf32>
      %get3A_1186 = arith.index_cast %add3A_1183 : i32 to index
      %get3A_1187 = arith.constant 0 : index
      %get3A_1188 = tpu.vector_load %arg11[%get3A_1186, %get3A_1187] {strides = array<i32>} : memref<512x64xf32, #tpu.memory_space<vmem>>, vector<16xf32>,
      %get3A_1189 = arith.index_cast %add3A_1183 : i32 to index
      %get3A_1190 = arith.constant 0 : index
      %get3A_1191 = tpu.vector_load %arg12[%get3A_1189, %get3A_1190] {strides = array<i32>} : memref<512x64xf32, #tpu.memory_space<vmem>>, vector<16xf32>,
      %add3A_1192 = arith.addf %get3A_1188, %get3A_1191 : vector<16xf32>
      %get3A_1193 = arith.index_cast %add3A_1183 : i32 to index
      %get3A_1194 = arith.constant 0 : index
      %get3A_1195 = tpu.vector_load %arg13[%get3A_1193, %get3A_1194] {strides = array<i32>} : memref<512x64xf32, #tpu.memory_space<vmem>>, vector<16xf32>,
      %sub3A_1196 = arith.subf %add3A_1192, %get3A_1195 : vector<16xf32>
      %abs3A_1197 = math.absf %sub3A_1196 : vector<16xf32>
      %add3A_1198 = arith.addf %broadcast_in_dim3A_1185, %abs3A_1197 : vector<16xf32>
      %get3A_1199 = arith.index_cast %add3A_1183 : i32 to index
      %get3A_1200 = arith.constant 16 : index
      %get3A_1201 = tpu.vector_load %arg11[%get3A_1199, %get3A_1200] {strides = array<i32>} : memref<512x64xf32, #tpu.memory_space<vmem>>, vector<16xf32>,
      %get3A_1202 = arith.index_cast %add3A_1183 : i32 to index
      %get3A_1203 = arith.constant 16 : index
      %get3A_1204 = tpu.vector_load %arg12[%get3A_1202, %get3A_1203] {strides = array<i32>} : memref<512x64xf32, #tpu.memory_space<vmem>>, vector<16xf32>,
      %add3A_1205 = arith.addf %get3A_1201, %get3A_1204 : vector<16xf32>
      %get3A_1206 = arith.index_cast %add3A_1183 : i32 to index
      %get3A_1207 = arith.constant 16 : index
      %get3A_1208 = tpu.vector_load %arg13[%get3A_1206, %get3A_1207] {strides = array<i32>} : memref<512x64xf32, #tpu.memory_space<vmem>>, vector<16xf32>,
      %sub3A_1209 = arith.subf %add3A_1205, %get3A_1208 : vector<16xf32>
      %abs3A_1210 = math.absf %sub3A_1209 : vector<16xf32>
      %add3A_1211 = arith.addf %add3A_1198, %abs3A_1210 : vector<16xf32>
      %get3A_1212 = arith.index_cast %add3A_1183 : i32 to index
      %get3A_1213 = arith.constant 32 : index
      %get3A_1214 = tpu.vector_load %arg11[%get3A_1212, %get3A_1213] {strides = array<i32>} : memref<512x64xf32, #tpu.memory_space<vmem>>, vector<16xf32>,
      %get3A_1215 = arith.index_cast %add3A_1183 : i32 to index
      %get3A_1216 = arith.constant 32 : index
      %get3A_1217 = tpu.vector_load %arg12[%get3A_1215, %get3A_1216] {strides = array<i32>} : memref<512x64xf32, #tpu.memory_space<vmem>>, vector<16xf32>,
      %add3A_1218 = arith.addf %get3A_1214, %get3A_1217 : vector<16xf32>
      %get3A_1219 = arith.index_cast %add3A_1183 : i32 to index
      %get3A_1220 = arith.constant 32 : index
      %get3A_1221 = tpu.vector_load %arg13[%get3A_1219, %get3A_1220] {strides = array<i32>} : memref<512x64xf32, #tpu.memory_space<vmem>>, vector<16xf32>,
      %sub3A_1222 = arith.subf %add3A_1218, %get3A_1221 : vector<16xf32>
      %abs3A_1223 = math.absf %sub3A_1222 : vector<16xf32>
      %add3A_1224 = arith.addf %add3A_1211, %abs3A_1223 : vector<16xf32>
      %get3A_1225 = arith.index_cast %add3A_1183 : i32 to index
      %get3A_1226 = arith.constant 48 : index
      %get3A_1227 = tpu.vector_load %arg11[%get3A_1225, %get3A_1226] {strides = array<i32>} : memref<512x64xf32, #tpu.memory_space<vmem>>, vector<16xf32>,
      %get3A_1228 = arith.index_cast %add3A_1183 : i32 to index
      %get3A_1229 = arith.constant 48 : index
      %get3A_1230 = tpu.vector_load %arg12[%get3A_1228, %get3A_1229] {strides = array<i32>} : memref<512x64xf32, #tpu.memory_space<vmem>>, vector<16xf32>,
      %add3A_1231 = arith.addf %get3A_1227, %get3A_1230 : vector<16xf32>
      %get3A_1232 = arith.index_cast %add3A_1183 : i32 to index
      %get3A_1233 = arith.constant 48 : index
      %get3A_1234 = tpu.vector_load %arg13[%get3A_1232, %get3A_1233] {strides = array<i32>} : memref<512x64xf32, #tpu.memory_space<vmem>>, vector<16xf32>,
      %sub3A_1235 = arith.subf %add3A_1231, %get3A_1234 : vector<16xf32>
      %abs3A_1236 = math.absf %sub3A_1235 : vector<16xf32>
      %add3A_1237 = arith.addf %add3A_1224, %abs3A_1236 : vector<16xf32>
      %eq3A_1238 = arith.constant 14 : i32
      %eq3A_1239 = vector.broadcast %eq3A_1238 : i32 to vector<16xi32>
      %eq3A_1240 = arith.cmpi eq, %iota3A, %eq3A_1239 : vector<16xi32>
      %reduce_sum3A_1241 = arith.constant true
      %reduce_sum3A_1242 = vector.broadcast %reduce_sum3A_1241 : i1 to vector<16xi1>
      %reduce_sum3A_1243 = tpu.scan <sum>, %add3A_1237 masked %reduce_sum3A_1242 : vector<16xf32>, vector<16xi1> -> vector<16xf32>
      %reduce_sum3A_1244 = vector.extract %reduce_sum3A_1243[15] : f32 from vector<16xf32>
      %broadcast_in_dim3A_1245 = vector.broadcast %reduce_sum3A_1244 : f32 to vector<16xf32>
      %select_n3A_1246 = arith.select %eq3A_1240, %broadcast_in_dim3A_1245, %select_n3A_1179 : vector<16xi1>, vector<16xf32>
      %mul3A_1247 = arith.constant 16 : i32
      %mul3A_1248 = arith.muli %scan3A_246, %mul3A_1247 : i32
      %add3A_1249 = arith.constant 15 : i32
      %add3A_1250 = arith.addi %mul3A_1248, %add3A_1249 : i32
      %broadcast_in_dim3A_1251 = arith.constant 0.000000e+00 : f32
      %broadcast_in_dim3A_1252 = vector.broadcast %broadcast_in_dim3A_1251 : f32 to vector<16xf32>
      %get3A_1253 = arith.index_cast %add3A_1250 : i32 to index
      %get3A_1254 = arith.constant 0 : index
      %get3A_1255 = tpu.vector_load %arg11[%get3A_1253, %get3A_1254] {strides = array<i32>} : memref<512x64xf32, #tpu.memory_space<vmem>>, vector<16xf32>,
      %get3A_1256 = arith.index_cast %add3A_1250 : i32 to index
      %get3A_1257 = arith.constant 0 : index
      %get3A_1258 = tpu.vector_load %arg12[%get3A_1256, %get3A_1257] {strides = array<i32>} : memref<512x64xf32, #tpu.memory_space<vmem>>, vector<16xf32>,
      %add3A_1259 = arith.addf %get3A_1255, %get3A_1258 : vector<16xf32>
      %get3A_1260 = arith.index_cast %add3A_1250 : i32 to index
      %get3A_1261 = arith.constant 0 : index
      %get3A_1262 = tpu.vector_load %arg13[%get3A_1260, %get3A_1261] {strides = array<i32>} : memref<512x64xf32, #tpu.memory_space<vmem>>, vector<16xf32>,
      %sub3A_1263 = arith.subf %add3A_1259, %get3A_1262 : vector<16xf32>
      %abs3A_1264 = math.absf %sub3A_1263 : vector<16xf32>
      %add3A_1265 = arith.addf %broadcast_in_dim3A_1252, %abs3A_1264 : vector<16xf32>
      %get3A_1266 = arith.index_cast %add3A_1250 : i32 to index
      %get3A_1267 = arith.constant 16 : index
      %get3A_1268 = tpu.vector_load %arg11[%get3A_1266, %get3A_1267] {strides = array<i32>} : memref<512x64xf32, #tpu.memory_space<vmem>>, vector<16xf32>,
      %get3A_1269 = arith.index_cast %add3A_1250 : i32 to index
      %get3A_1270 = arith.constant 16 : index
      %get3A_1271 = tpu.vector_load %arg12[%get3A_1269, %get3A_1270] {strides = array<i32>} : memref<512x64xf32, #tpu.memory_space<vmem>>, vector<16xf32>,
      %add3A_1272 = arith.addf %get3A_1268, %get3A_1271 : vector<16xf32>
      %get3A_1273 = arith.index_cast %add3A_1250 : i32 to index
      %get3A_1274 = arith.constant 16 : index
      %get3A_1275 = tpu.vector_load %arg13[%get3A_1273, %get3A_1274] {strides = array<i32>} : memref<512x64xf32, #tpu.memory_space<vmem>>, vector<16xf32>,
      %sub3A_1276 = arith.subf %add3A_1272, %get3A_1275 : vector<16xf32>
      %abs3A_1277 = math.absf %sub3A_1276 : vector<16xf32>
      %add3A_1278 = arith.addf %add3A_1265, %abs3A_1277 : vector<16xf32>
      %get3A_1279 = arith.index_cast %add3A_1250 : i32 to index
      %get3A_1280 = arith.constant 32 : index
      %get3A_1281 = tpu.vector_load %arg11[%get3A_1279, %get3A_1280] {strides = array<i32>} : memref<512x64xf32, #tpu.memory_space<vmem>>, vector<16xf32>,
      %get3A_1282 = arith.index_cast %add3A_1250 : i32 to index
      %get3A_1283 = arith.constant 32 : index
      %get3A_1284 = tpu.vector_load %arg12[%get3A_1282, %get3A_1283] {strides = array<i32>} : memref<512x64xf32, #tpu.memory_space<vmem>>, vector<16xf32>,
      %add3A_1285 = arith.addf %get3A_1281, %get3A_1284 : vector<16xf32>
      %get3A_1286 = arith.index_cast %add3A_1250 : i32 to index
      %get3A_1287 = arith.constant 32 : index
      %get3A_1288 = tpu.vector_load %arg13[%get3A_1286, %get3A_1287] {strides = array<i32>} : memref<512x64xf32, #tpu.memory_space<vmem>>, vector<16xf32>,
      %sub3A_1289 = arith.subf %add3A_1285, %get3A_1288 : vector<16xf32>
      %abs3A_1290 = math.absf %sub3A_1289 : vector<16xf32>
      %add3A_1291 = arith.addf %add3A_1278, %abs3A_1290 : vector<16xf32>
      %get3A_1292 = arith.index_cast %add3A_1250 : i32 to index
      %get3A_1293 = arith.constant 48 : index
      %get3A_1294 = tpu.vector_load %arg11[%get3A_1292, %get3A_1293] {strides = array<i32>} : memref<512x64xf32, #tpu.memory_space<vmem>>, vector<16xf32>,
      %get3A_1295 = arith.index_cast %add3A_1250 : i32 to index
      %get3A_1296 = arith.constant 48 : index
      %get3A_1297 = tpu.vector_load %arg12[%get3A_1295, %get3A_1296] {strides = array<i32>} : memref<512x64xf32, #tpu.memory_space<vmem>>, vector<16xf32>,
      %add3A_1298 = arith.addf %get3A_1294, %get3A_1297 : vector<16xf32>
      %get3A_1299 = arith.index_cast %add3A_1250 : i32 to index
      %get3A_1300 = arith.constant 48 : index
      %get3A_1301 = tpu.vector_load %arg13[%get3A_1299, %get3A_1300] {strides = array<i32>} : memref<512x64xf32, #tpu.memory_space<vmem>>, vector<16xf32>,
      %sub3A_1302 = arith.subf %add3A_1298, %get3A_1301 : vector<16xf32>
      %abs3A_1303 = math.absf %sub3A_1302 : vector<16xf32>
      %add3A_1304 = arith.addf %add3A_1291, %abs3A_1303 : vector<16xf32>
      %eq3A_1305 = arith.constant 15 : i32
      %eq3A_1306 = vector.broadcast %eq3A_1305 : i32 to vector<16xi32>
      %eq3A_1307 = arith.cmpi eq, %iota3A, %eq3A_1306 : vector<16xi32>
      %reduce_sum3A_1308 = arith.constant true
      %reduce_sum3A_1309 = vector.broadcast %reduce_sum3A_1308 : i1 to vector<16xi1>
      %reduce_sum3A_1310 = tpu.scan <sum>, %add3A_1304 masked %reduce_sum3A_1309 : vector<16xf32>, vector<16xi1> -> vector<16xf32>
      %reduce_sum3A_1311 = vector.extract %reduce_sum3A_1310[15] : f32 from vector<16xf32>
      %broadcast_in_dim3A_1312 = vector.broadcast %reduce_sum3A_1311 : f32 to vector<16xf32>
      %select_n3A_1313 = arith.select %eq3A_1307, %broadcast_in_dim3A_1312, %select_n3A_1246 : vector<16xi1>, vector<16xf32>
      %mul3A_1314 = arith.constant 16 : i32
      %mul3A_1315 = arith.muli %scan3A_246, %mul3A_1314 : i32
      %swap3A = arith.index_cast %mul3A_1315 : i32 to index
      %swap3A_1316 = tpu.vector_load %arg14[%swap3A] {strides = array<i32>} : memref<512xf32, #tpu.memory_space<vmem>>, vector<16xf32>,
      tpu.vector_store %arg14[%swap3A], %select_n3A_1313 {strides = array<i32>} : memref<512xf32, #tpu.memory_space<vmem>>, vector<16xf32>,
    }
    %scan3A_245 = arith.constant 32 : i32
    "tpu.region"() ({
      %run_scoped3A = tpu.sem_alloc : memref<!tpu.dma_semaphore, #tpu.memory_space<semaphore_mem>>
      %dma_start3A_246 = tpu.memref_slice %arg7[%mul3A_2] : memref<16384xf32, #tpu.memory_space<hbm>> -> memref<512xf32, #tpu.memory_space<hbm>>
      %dma_start3A_247 = tpu.memref_slice %arg7[%mul3A_2] : memref<16384xf32, #tpu.memory_space<hbm>> -> memref<512xf32, #tpu.memory_space<hbm>>
      tpu.enqueue_dma source(%arg14 : memref<512xf32, #tpu.memory_space<vmem>>) target(%dma_start3A_247 : memref<512xf32, #tpu.memory_space<hbm>>) target_semaphore(%run_scoped3A : memref<!tpu.dma_semaphore, #tpu.memory_space<semaphore_mem>>)
      %dma_wait3A_248 = tpu.memref_slice %arg7[%mul3A_2] : memref<16384xf32, #tpu.memory_space<hbm>> -> memref<512xf32, #tpu.memory_space<hbm>>
      %dma_wait3A_249 = tpu.memref_slice %arg7[%mul3A_2] : memref<16384xf32, #tpu.memory_space<hbm>> -> memref<512xf32, #tpu.memory_space<hbm>>
      tpu.wait_dma2 semaphore(%run_scoped3A : memref<!tpu.dma_semaphore, #tpu.memory_space<semaphore_mem>>) src(%arg14 : memref<512xf32, #tpu.memory_space<vmem>>) dst(%dma_wait3A_249 : memref<512xf32, #tpu.memory_space<hbm>>)
      tpu.yield
    }) : () -> ()
    return
  }
}

</mosaic_0001>

<sc_bundles>
// kernel: kernel.3.cloned.1.call-start
scs
__scs_entry_jumppad:
0x0: {  	(pc) =	sbr.rel $0x88, $3  }
0x1: {  	(tag) =	ssettag $0x0;
	lr =	simm.s32 $0x1  }
0x2: {  	[smem:$0x3F9C] =	sst lr;
	_ =	strace $0xD0000000  }
0x3: {  	_ = 	snop  }
0x4: {  	_ = 	snop  }
0x5: {  	_ = 	snop  }
0x6: {  	_ = 	snop  }
0x7: {  	_ = 	snop  }
__scs_overlays_trampoline_lowered:
0x8: {  	[smem:$0x3FAB] =	sst s0  }
0x9: {  	[smem:$0x3FAC] =	sst s1  }
0xa: {  	[smem:$0x3FAD] =	sst s2  }
0xb: {  	[smem:$0x3FAE] =	sst s3  }
0xc: {  	[smem:$0x3FAF] =	sst s4  }
0xd: {  	[smem:$0x3FB0] =	sst s5  }
0xe: {  	[smem:$0x3FB1] =	sst s6  }
0xf: {  	[smem:$0x3FB2] =	sst s7  }
0x10: {  	[smem:$0x3FB3] =	sst s8  }
0x11: {  	[smem:$0x3FB4] =	sst s9;
	s0 =	simm.s32 @!p0 $0x0  }
0x12: {  	s1 =	sld [smem:$0x3F9A];
	s0 =	simm.s32 @p0 $0x1  }
0x13: {  	[smem:$0x3FB5] =	sst s0;
	s0 =	simm.s32 @!p1 $0x0  }
0x14: {  	s2 =	sld [smem:$0x3F99];
	s0 =	simm.s32 @p1 $0x1  }
0x15: {  	[smem:$0x3FB6] =	sst s0;
	s0 =	simm.s32 @!p2 $0x0  }
0x16: {  	s3 =	sld [smem:$0x3FDB];
	s0 =	simm.s32 @p2 $0x1  }
0x17: {  	s4 =	simm.s32 $0x1BF5;
	[smem:$0x3FB8] =	sst s0  }
0x18: {  	s0 =	sld [smem:$0x3F9B];
	_ =	swait.ge [sflag:s4], $0x0  }
0x19: {  	s7 =	sld [smem:$0x3F9C]  }
0x1a: {  	s8 =	sadd.s32 $0xFFFFE003, lr  }
0x1b: {  	s9 =	sadd.s32 $0xFFFFFEF7, lr;
	s5 =	simm.s32 $0xFFFFFFFF;
	p2 =	slt.u32 s8, $0xFFFFF086  }
0x1c: {  	p1 =	slt.u32 s9, $0xF7A;
	s5 =	simm.s32 @!p2 $0x0  }
0x1d: {  	s5 =	simm.s32 @p1 $0x1;
	p0 =	seq.s32 s7, s2  }
0x1e: {  	s7 =	smul.u32 @!p0 $0xF7A, s2;
	p2 =	seq.s32 @!p0 s5, $0x0  }
0x1f: {  	s9 =	smul.u32 $0xF7A, s1;
	s8 =	simm.s32 @!p0 $0x1BF5;
	p2 =	por !p2, p0  }
0x20: {  	[sflag:s8] =	ssyncset.s32 @!p0 $0xFFFFF086;
	s6 =	sadd.s32 @!p0 s3, s7;
	s7 =	simm.s32 @!p0 $0x108  }
0x21: {  	s3 =	sadd.s32 s3, s9;
	s6 =	sadd.s32 @!p0 $0x88, s6;
	s7 =	simm.s32 @p2 $0x1082  }
0x22: {  	[simem:s7], [sflag:s8] =	dma.local @!p0 [hbm:s6], $0xF7A  }
0x23: {  	s9 =	sor.u32 $0xD0000000, s2;
	s6 =	simm.s32 $0x108;
	_ =	swait.ge @!p0 [sflag:s8], $0x0  }
0x24: {  	s3 =	sadd.s32 $0x88, s3;
	s6 =	simm.s32 @!p1 $0x1082;
	[sflag:s4] =	ssyncset.s32 $0xFFFFF086  }
0x25: {  	[simem:s6], [sflag:s4] =	dma.local [hbm:s3], $0xF7A  }
0x26: {  	[smem:$0x3F9C] =	sst s1;
	(tag) =	ssettag s2;
	_ =	strace s9  }
0x27: {  	s1 =	sld [smem:$0x3FAC]  }
0x28: {  	s2 =	sld [smem:$0x3FAD]  }
0x29: {  	s4 =	sld [smem:$0x3FAF]  }
0x2a: {  	p0 =	seq.s32 s5, $0x0;
	s5 =	sld [smem:$0x3FB0]  }
0x2b: {  	s6 =	sld [smem:$0x3FB1]  }
0x2c: {  	s7 =	sld [smem:$0x3FB2]  }
0x2d: {  	s3 =	simm.s32 $0x108;
	s8 =	sld [smem:$0x3FB3]  }
0x2e: {  	s3 =	simm.s32 @!p0 $0x1082;
	s9 =	sld [smem:$0x3FB4]  }
0x2f: {  	lr =	sadd.s32 s0, s3;
	s0 =	sld [smem:$0x3FAB]  }
0x30: {  	s3 =	sld [smem:$0x3FAE]  }
0x31: {  	[smem:$0x3FB7] =	sst s10  }
0x32: {  	s10 =	sld [smem:$0x3FB5];
	_ =	sdelay $0x3  }
0x33: {  	p0 =	seq.s32 s10, $0x1;
	s10 =	sld [smem:$0x3FB7];
	_ =	sdelay $0x3  }
0x34: {  	[smem:$0x3FB7] =	sst s10  }
0x35: {  	s10 =	sld [smem:$0x3FB6];
	_ =	sdelay $0x3  }
0x36: {  	p1 =	seq.s32 s10, $0x1;
	s10 =	sld [smem:$0x3FB7];
	_ =	sdelay $0x3  }
0x37: {  	[smem:$0x3FB7] =	sst s10  }
0x38: {  	s10 =	sld [smem:$0x3FB8]  }
0x39: {  	_ = 	snop;
	(pc) =	sbr.ind lr, $3  }
0x3a: {  	_ = 	snop  }
0x3b: {  	_ = 	snop  }
0x3c: {  	p2 =	seq.s32 s10, $0x1;
	s10 =	sld [smem:$0x3FB7]  }
0x3d: {  	_ =	shalt  }
0x3e: {  	_ =	shalt  }
0x3f: {  	_ =	shalt  }
0x40: {  	_ =	shalt  }
0x41: {  	_ =	shalt  }
0x42: {  	_ =	shalt  }
0x43: {  	_ =	shalt  }
0x44: {  	_ =	shalt  }
0x45: {  	_ =	shalt  }
0x46: {  	_ =	shalt  }
0x47: {  	_ =	shalt  }
0x48: {  	_ =	shalt  }
0x49: {  	_ =	shalt  }
0x4a: {  	_ =	shalt  }
0x4b: {  	_ =	shalt  }
0x4c: {  	_ =	shalt  }
0x4d: {  	_ =	shalt  }
0x4e: {  	_ =	shalt  }
0x4f: {  	_ =	shalt  }
0x50: {  	_ =	shalt  }
0x51: {  	_ =	shalt  }
0x52: {  	_ =	shalt  }
0x53: {  	_ =	shalt  }
0x54: {  	_ =	shalt  }
0x55: {  	_ =	shalt  }
0x56: {  	_ =	shalt  }
0x57: {  	_ =	shalt  }
0x58: {  	_ =	shalt  }
0x59: {  	_ =	shalt  }
0x5a: {  	_ =	shalt  }
0x5b: {  	_ =	shalt  }
0x5c: {  	_ =	shalt  }
0x5d: {  	_ =	shalt  }
0x5e: {  	_ =	shalt  }
0x5f: {  	_ =	shalt  }
0x60: {  	_ =	shalt  }
0x61: {  	_ =	shalt  }
0x62: {  	_ =	shalt  }
0x63: {  	_ =	shalt  }
0x64: {  	_ =	shalt  }
0x65: {  	_ =	shalt  }
0x66: {  	_ =	shalt  }
0x67: {  	_ =	shalt  }
0x68: {  	_ =	shalt  }
0x69: {  	_ =	shalt  }
0x6a: {  	_ =	shalt  }
0x6b: {  	_ =	shalt  }
0x6c: {  	_ =	shalt  }
0x6d: {  	_ =	shalt  }
0x6e: {  	_ =	shalt  }
0x6f: {  	_ =	shalt  }
0x70: {  	_ =	shalt  }
0x71: {  	_ =	shalt  }
0x72: {  	_ =	shalt  }
0x73: {  	_ =	shalt  }
0x74: {  	_ =	shalt  }
0x75: {  	_ =	shalt  }
0x76: {  	_ =	shalt  }
0x77: {  	_ =	shalt  }
0x78: {  	_ =	shalt  }
0x79: {  	_ =	shalt  }
0x7a: {  	_ =	shalt  }
0x7b: {  	_ =	shalt  }
0x7c: {  	_ =	shalt  }
0x7d: {  	_ =	shalt  }
0x7e: {  	_ =	shalt  }
0x7f: {  	_ =	shalt  }
0x80: {  	_ =	shalt  }
0x81: {  	_ =	shalt  }
0x82: {  	_ =	shalt  }
0x83: {  	_ =	shalt  }
0x84: {  	_ =	shalt  }
0x85: {  	_ =	shalt  }
0x86: {  	_ =	shalt  }
0x87: {  	_ =	shalt  }
.Lfunc_end0:
.L_simem_size_0:
called_computation_lowered:
.L_overlay_start_0:
0x88: {  	s2 =	sld [smem:$0x3FD9]  }
0x89: {  	s3 =	sld [smem:$0x3FFE];
	_ =	sdelay $0x1  }
0x8a: {  	s1 =	srdreg.scid  }
0x8b: {  	s0 =	sand.u32 $0x1, s1  }
0x8c: {  	s17 =	sshll.u32 s0, $0xA;
	s2 =	sadd.s32 s3, s2  }
0x8d: {  	s2 =	sadd.s32 s2, s17  }
0x8e: {  	[smem:$0x3FC3] =	sst s2  }
0x8f: {  	_ = 	snop  }
0x90: {  	s2 =	sld [smem:$0x3FC9]  }
0x91: {  	s18 =	sld [smem:$0x3FC8]  }
0x92: {  	s4 =	sld [smem:$0x3FC7]  }
0x93: {  	s5 =	sld [smem:$0x3FD0];
	(tm) =	ssettm $0x1  }
0x94: {  	s6 =	sld [smem:$0x3FFB];
	_ =	sdelay $0x3  }
0x95: {  	_ =	strace s6  }
0x96: {  	s6 =	sld [smem:$0x3FFC];
	_ =	sdelay $0x3  }
0x97: {  	_ =	strace s6  }
0x98: {  	s6 =	sld [smem:$0x3FFD];
	_ =	sdelay $0x3  }
0x99: {  	_ =	strace s6  }
0x9a: {  	_ =	strace $0x8FFFFFFF  }
0x9b: {  	s19 =	sld [smem:$0x3FDB];
	_ =	sdelay $0x1  }
0x9c: {  	s7 =	simm.s32 $_scs_section_size  }
0x9d: {  	s8 =	simm.s32 $_size__tile_overlayer_lowered;
	s9 =	simm.s32 $_tile_overlayer_lowered  }
0x9e: {  	s22 =	simm.s32 $0x1BFF;
	s21 =	sshll.u32 s9, $0x1;
	s6 =	sadd.s32 s7, s19  }
0x9f: {  	s10 =	simm.s32 $0x0;
	s20 =	sshll.u32 s8, $0x1;
	s8 =	sadd.s32 s21, s6  }
0xa0: {  	[timem:s10], [sflag:s22] =	dma.local [hbm:s8], s20  }
0xa1: {  	_ =	swait.ge [sflag:s22], s20  }
0xa2: {  	s7 =	ssub.s32 $0x0, s20;
	[sflag:s22] =	ssyncset.done $0x0  }
0xa3: {  	[sflag:s22] =	ssyncadd.s32 s7;
	_ =	sdelay $0x1  }
0xa4: {  	s23 =	simm.s32 $0x1B8B  }
0xa5: {  	_ =	swait.ge [sflag:s23], $0x1  }
0xa6: {  	[sflag:s23] =	ssyncset.done $0x0  }
0xa7: {  	s25 =	simm.s32 $0x1B8E;
	s24 =	sld [smem:$0x3FFE];
	[sflag:s23] =	ssyncadd.s32 $0xFFFFFFFF  }
0xa8: {  	s26 =	simm.s32 $execute0_lowered;
	[smem:$0x3FD2] =	sst s25  }
0xa9: {  	s8 =	sshll.u32 s26, $0x1;
	_ =	strace $0x80000046;
	[dreg:$0x1] =	wrdreg $0xFFFFFFFF  }
0xaa: {  	s28 =	simm.s32 $_size_execute0_lowered;
	s6 =	sadd.s32 s6, s8;
	[dreg:$0x0] =	wrdreg $0x0  }
0xab: {  	s8 =	sshll.u32 s28, $0x1;
	[dreg:$0x2] =	wrdreg s6  }
0xac: {  	[dreg:$0x3] =	wrdreg s8  }
0xad: {  	[dreg:$0x4] =	wrdreg $0xC0  }
0xae: {  	_ =	task [dreg:s10], $0x5FFFF  }
0xaf: {  	[dreg:$0x1] =	wrdreg $0xFFFFFFFF  }
0xb0: {  	[dreg:$0x0] =	wrdreg $0x60  }
0xb1: {  	[dreg:$0x2] =	wrdreg s2  }
0xb2: {  	[dreg:$0x3] =	wrdreg s18  }
0xb3: {  	[dreg:$0x4] =	wrdreg s4  }
0xb4: {  	[dreg:$0x5] =	wrdreg s24  }
0xb5: {  	[dreg:$0x6] =	wrdreg s5  }
0xb6: {  	[dreg:$0x7] =	wrdreg $0x9  }
0xb7: {  	_ =	task.clear_ibuf [dreg:s10], $0x8FFFF;
	_ =	strace $0x90000046  }
0xb8: {  	s29 =	simm.s32 $0x9;
	_ =	strace $0x80000048  }
0xb9: {  	_ =	swait.ge [sflag:s29], $0x1  }
0xba: {  	[sflag:s29] =	ssyncadd.s32 $0xFFFFFFFF  }
0xbb: {  	_ =	strace $0x90000048  }
0xbc: {  	_ =	sfence  }
0xbd: {  	s30 =	sld [smem:$0x0];
	_ =	sdelay $0x2  }
0xbe: {  	s31 =	sshll.u32 s1, $0xD;
	s1 =	sshrl.u32 s1, $0x2  }
0xbf: {  	s3 =	sand.u32 $0x4000, s31;
	s1 =	sadd.s32 s1, s30  }
0xc0: {  	s0 =	sor.u32 s3, s0;
	s1 =	sshll.u32 s1, $0x11  }
0xc1: {  	s0 =	sor.u32 s1, s0  }
0xc2: {  	s0 =	sadd.s32 $0x8F2B, s0  }
0xc3: {  	[sflag:s0] =	ssyncadd.remote.s32 $0x1  }
0xc4: {  	_ =	sfence.sel $0xFFFF  }
0xc5: {  	[dreg:$0x0] =	wrdreg $0xFFFFFFFF;
	(pc) =	sbr.abs _section_cstart, $3  }
0xc6: {  	[dreg:$0x1] =	wrdreg $0xFFFFFFFF  }
0xc7: {  	_ =	task.clear_ibuf [dreg:s10], $0x2FFFF;
	_ =	strace $0x9FFFFFFF  }
0xc8: {  	(tm) =	ssettm $0x7FFFFFFF  }
0xc9: {  	_ =	shalt  }
tec
execute0_lowered:
.L_overlay_start_1:
0x0: {  	(tag) =	ssettag $0x1  }
0x1: {  	s0 =	rddreg [dreg:$0x0]  }
0x2: {  	s2 =	rddreg [dreg:$0x1]  }
0x3: {  	s7 =	rddreg [dreg:$0x2]  }
0x4: {  	s4 =	rddreg [dreg:$0x3]  }
0x5: {  	s8 =	rddreg [dreg:$0x4]  }
0x6: {  	s1 =	simm.s32 $0x0;
	s5 =	srdreg.scid;
	s9 =	stileid.u32  }
0x7: {  	s11 =	simm.s32 $0x200;
	s12 =	simm.s32 $0x400;
	s13 =	simm.s32 $0x80  }
0x8: {  	s21 =	simm.s32 $0x12600;
	s22 =	simm.s32 $0x100;
	s23 =	simm.s32 $0x4600  }
0x9: {  	s24 =	simm.s32 $0x300;
	s25 =	simm.s32 $0xC600;
	s26 =	simm.s32 $0x500  }
0xa: {  	s28 =	simm.s32 $0x14600;
	s29 =	simm.s32 $0x180;
	s30 =	simm.s32 $0x6600  }
0xb: {  	s31 =	simm.s32 $0x380;
	s14 =	simm.s32 $0x16600;
	s15 =	simm.s32 $0x1  }
0xc: {  	s16 =	simm.s32 $0x18600;
	s17 =	simm.s32 $0x0;
	[smem:$0x7FF] =	sst s1  }
0xd: {  	s3 =	sadd.s32 $0xF42A00, s4;
	s5 =	sand.u32 $0x1, s5;
	s9 =	sshll.u32 s9, $0x7  }
0xe: {  	vm0 =	vmmov $0x1;
	vm1 =	vmmov $0x3;
	vm2 =	vmmov $0x7;
	s4 =	sadd.s32 $0x600, s4;
	s6 =	ssub.s32 $0x2, s5;
	s5 =	sshll.u32 s5, $0x6  }
0xf: {  	vm3 =	vmmov $0xf;
	vm4 =	vmmov $0x1f;
	vm5 =	vmmov $0x3f;
	_ =	strace $0x80000047;
	s10 =	sshrl.u32 s6, $0x1;
	s9 =	sor.u32 s5, s9  }
0x10: {  	vm6 =	vmmov $0x7f;
	vm7 =	vmmov $0xff;
	vm8 =	vmmov $0x1ff;
	s10 =	ssub.s32 s6, s10;
	s5 =	sadd.s32 s0, s9;
	s6 =	sadd.s32 s2, s9  }
0x11: {  	vm9 =	vmmov $0x3ff;
	vm10 =	vmmov $0x7ff;
	vm11 =	vmmov $0xfff;
	s7 =	sadd.s32 s7, s9;
	s8 =	sadd.s32 s8, s9;
	s0 =	simm.s32 $0xE600  }
0x12: {  	vm12 =	vmmov $0x1fff;
	vm13 =	vmmov $0x3fff;
	vm14 =	vmmov $0x7fff;
	s2 =	simm.s32 $0x580;
	s9 =	smax.u32 s10, $0x1;
	s10 =	simm.s32 $0x2  }
.LBB2_1:
0x13: {  	[tilespmem:s1], [sflag:$0x2] =	stream.linear.gather [hbm4b:s5+s1], $0x200, $0x38;
	[tilespmem:$0x18800] =	vst v63  }
0x14: {  	_ =	swait.ge [sflag:s10], $0x200  }
0x15: {  	[sflag:s10] =	ssyncset.done $0x0  }
0x16: {  	[sflag:s10] =	ssyncadd.s32 $0xFFFFFE00  }
0x17: {  	[tilespmem:s11], [sflag:$0x2] =	stream.linear.gather [hbm4b:s6+s1], $0x200, $0x38;
	[tilespmem:$0x18800] =	vst v63  }
0x18: {  	_ =	swait.ge [sflag:s10], $0x200  }
0x19: {  	[sflag:s10] =	ssyncset.done $0x0  }
0x1a: {  	[sflag:s10] =	ssyncadd.s32 $0xFFFFFE00  }
0x1b: {  	[tilespmem:s12], [sflag:$0x2] =	stream.linear.gather [hbm4b:s7+s1], $0x200, $0x38;
	[tilespmem:$0x18800] =	vst v63  }
0x1c: {  	_ =	swait.ge [sflag:s10], $0x200  }
0x1d: {  	[sflag:s10] =	ssyncset.done $0x0  }
0x1e: {  	s18 =	simm.s32 $0x600;
	[sflag:s10] =	ssyncadd.s32 $0xFFFFFE00  }
0x1f: {  	[tilespmem:s18], [sflag:$0x1] =	stream.indirect.gather [hbm4b:s3+s13], $0x40, s1, s13, $0xb8;
	[tilespmem:$0x18800] =	vst v63  }
0x20: {  	s19 =	simm.s32 $0x8600  }
0x21: {  	[tilespmem:s19], [sflag:$0x1] =	stream.indirect.gather [hbm4b:s4+s13], $0x40, s11, s13, $0xb8;
	[tilespmem:$0x18800] =	vst v63  }
0x22: {  	s20 =	simm.s32 $0x10600  }
0x23: {  	[tilespmem:s20], [sflag:$0x1] =	stream.indirect.gather [hbm4b:s3+s13], $0x40, s12, s13, $0xb8;
	[tilespmem:$0x18800] =	vst v63  }
0x24: {  	s19 =	simm.s32 $0x2600  }
0x25: {  	[tilespmem:s19], [sflag:$0x1] =	stream.indirect.gather [hbm4b:s3+s13], $0x40, s13, s13, $0xb8;
	[tilespmem:$0x18800] =	vst v63  }
0x26: {  	s20 =	simm.s32 $0x280;
	s19 =	simm.s32 $0xA600  }
0x27: {  	[tilespmem:s19], [sflag:$0x1] =	stream.indirect.gather [hbm4b:s4+s13], $0x40, s20, s13, $0xb8;
	[tilespmem:$0x18800] =	vst v63  }
0x28: {  	s19 =	simm.s32 $0x480  }
0x29: {  	[tilespmem:s21], [sflag:$0x1] =	stream.indirect.gather [hbm4b:s3+s13], $0x40, s19, s13, $0xb8;
	[tilespmem:$0x18800] =	vst v63  }
0x2a: {  	_ = 	snop  }
0x2b: {  	[tilespmem:s23], [sflag:$0x1] =	stream.indirect.gather [hbm4b:s3+s13], $0x40, s22, s13, $0xb8;
	[tilespmem:$0x18800] =	vst v63  }
0x2c: {  	_ = 	snop  }
0x2d: {  	[tilespmem:s25], [sflag:$0x1] =	stream.indirect.gather [hbm4b:s4+s13], $0x40, s24, s13, $0xb8;
	[tilespmem:$0x18800] =	vst v63  }
0x2e: {  	_ = 	snop  }
0x2f: {  	[tilespmem:s28], [sflag:$0x1] =	stream.indirect.gather [hbm4b:s3+s13], $0x40, s26, s13, $0xb8;
	[tilespmem:$0x18800] =	vst v63  }
0x30: {  	_ = 	snop  }
0x31: {  	[tilespmem:s30], [sflag:$0x1] =	stream.indirect.gather [hbm4b:s3+s13], $0x40, s29, s13, $0xb8;
	[tilespmem:$0x18800] =	vst v63  }
0x32: {  	_ = 	snop  }
0x33: {  	[tilespmem:s0], [sflag:$0x1] =	stream.indirect.gather [hbm4b:s4+s13], $0x40, s31, s13, $0xb8;
	[tilespmem:$0x18800] =	vst v63  }
0x34: {  	_ = 	snop  }
0x35: {  	[tilespmem:s14], [sflag:$0x1] =	stream.indirect.gather [hbm4b:s3+s13], $0x40, s2, s13, $0xb8;
	[tilespmem:$0x18800] =	vst v63  }
0x36: {  	_ =	swait.ge [sflag:s15], $0x2000  }
0x37: {  	[sflag:s15] =	ssyncset.done $0x0  }
0x38: {  	[sflag:s15] =	ssyncadd.s32 $0xFFFFE000  }
0x39: {  	_ =	swait.ge [sflag:s15], $0x2000  }
0x3a: {  	[sflag:s15] =	ssyncset.done $0x0  }
0x3b: {  	[sflag:s15] =	ssyncadd.s32 $0xFFFFE000  }
0x3c: {  	_ =	swait.ge [sflag:s15], $0x2000  }
0x3d: {  	[sflag:s15] =	ssyncset.done $0x0  }
0x3e: {  	[sflag:s15] =	ssyncadd.s32 $0xFFFFE000  }
0x3f: {  	_ =	swait.ge [sflag:s15], $0x2000  }
0x40: {  	[sflag:s15] =	ssyncset.done $0x0  }
0x41: {  	[sflag:s15] =	ssyncadd.s32 $0xFFFFE000  }
0x42: {  	_ =	swait.ge [sflag:s15], $0x2000  }
0x43: {  	[sflag:s15] =	ssyncset.done $0x0  }
0x44: {  	[sflag:s15] =	ssyncadd.s32 $0xFFFFE000  }
0x45: {  	_ =	swait.ge [sflag:s15], $0x2000  }
0x46: {  	[sflag:s15] =	ssyncset.done $0x0  }
0x47: {  	[sflag:s15] =	ssyncadd.s32 $0xFFFFE000  }
0x48: {  	_ =	swait.ge [sflag:s15], $0x2000  }
0x49: {  	[sflag:s15] =	ssyncset.done $0x0  }
0x4a: {  	[sflag:s15] =	ssyncadd.s32 $0xFFFFE000  }
0x4b: {  	_ =	swait.ge [sflag:s15], $0x2000  }
0x4c: {  	[sflag:s15] =	ssyncset.done $0x0  }
0x4d: {  	[sflag:s15] =	ssyncadd.s32 $0xFFFFE000  }
0x4e: {  	_ =	swait.ge [sflag:s15], $0x2000  }
0x4f: {  	[sflag:s15] =	ssyncset.done $0x0  }
0x50: {  	[sflag:s15] =	ssyncadd.s32 $0xFFFFE000  }
0x51: {  	_ =	swait.ge [sflag:s15], $0x2000  }
0x52: {  	[sflag:s15] =	ssyncset.done $0x0  }
0x53: {  	[sflag:s15] =	ssyncadd.s32 $0xFFFFE000  }
0x54: {  	_ =	swait.ge [sflag:s15], $0x2000  }
0x55: {  	[sflag:s15] =	ssyncset.done $0x0  }
0x56: {  	[sflag:s15] =	ssyncadd.s32 $0xFFFFE000  }
0x57: {  	_ =	swait.ge [sflag:s15], $0x2000  }
0x58: {  	[sflag:s15] =	ssyncset.done $0x0  }
0x59: {  	s20 =	simm.s32 $0x0;
	[sflag:s15] =	ssyncadd.s32 $0xFFFFE000  }
0x5a: {  	v39 =	vld [tilespmem:s20+$0x109F0]  }
0x5b: {  	v0 =	vld [tilespmem:s20+$0x9F0]  }
0x5c: {  	v45 =	vld [tilespmem:s20+$0x89F0]  }
0x5d: {  	v46 =	vld [tilespmem:s20+$0x109B0]  }
0x5e: {  	v59 =	vld [tilespmem:s20+$0x109C0]  }
0x5f: {  	v17 =	vld [tilespmem:s20+$0x9E0]  }
0x60: {  	v16 =	vld [tilespmem:s20+$0x89E0]  }
0x61: {  	v48 =	vld [tilespmem:s20+$0x109A0]  }
0x62: {  	v23 =	vld [tilespmem:s20+$0x9B0]  }
0x63: {  	v20 =	vld [tilespmem:s20+$0x89B0]  }
0x64: {  	v31 =	vld [tilespmem:s20+$0x9C0]  }
0x65: {  	v36 =	vld [tilespmem:s20+$0x89C0]  }
0x66: {  	v51 =	vld [tilespmem:s20+$0x9D0]  }
0x67: {  	v56 =	vld [tilespmem:s20+$0x89D0]  }
0x68: {  	v63 =	vld [tilespmem:s20+$0x10930]  }
0x69: {  	v58 =	vld [tilespmem:s20+$0x10960]  }
0x6a: {  	v55 =	vld [tilespmem:s20+$0x970]  }
0x6b: {  	v54 =	vld [tilespmem:s20+$0x8970]  }
0x6c: {  	v12 =	vld [tilespmem:s20+$0x10980]  }
0x6d: {  	v13 =	vld [tilespmem:s20+$0x10990]  }
0x6e: {  	v15 =	vld [tilespmem:s20+$0x9A0]  }
0x6f: {  	v14 =	vld [tilespmem:s20+$0x89A0]  }
0x70: {  	v1 =	vld [tilespmem:s20+$0x108F0]  }
0x71: {  	v22 =	vld [tilespmem:s20+$0x930]  }
0x72: {  	v19 =	vld [tilespmem:s20+$0x8930]  }
0x73: {  	v21 =	vld [tilespmem:s20+$0x960]  }
0x74: {  	v18 =	vld [tilespmem:s20+$0x8960]  }
0x75: {  	v3 =	vld [tilespmem:s20+$0x980]  }
0x76: {  	v29 =	vld [tilespmem:s20+$0x10820]  }
0x77: {  	v2 =	vld [tilespmem:s20+$0x8980]  }
0x78: {  	v27 =	vld [tilespmem:s20+$0x8990]  }
0x79: {  	v4 =	vld [tilespmem:s20+$0x108E0]  }
0x7a: {  	v35 =	vld [tilespmem:s20+$0x8F0]  }
0x7b: {  	[tilespmem:$0x1FB90] =	vst v29;
	v29 =	vld [tilespmem:s20+$0x10840]  }
0x7c: {  	v28 =	vld [tilespmem:s20+$0x88F0]  }
0x7d: {  	v42 =	vld [tilespmem:s20+$0x10900]  }
0x7e: {  	v47 =	vld [tilespmem:s20+$0x10910]  }
0x7f: {  	v26 =	vld [tilespmem:s20+$0x920]  }
0x80: {  	[tilespmem:$0x1FAB0] =	vst v29;
	v29 =	vld [tilespmem:s20+$0x10850]  }
0x81: {  	v24 =	vld [tilespmem:s20+$0x8920]  }
0x82: {  	v33 =	vld [tilespmem:s20+$0x940]  }
0x83: {  	v25 =	vld [tilespmem:s20+$0x8940]  }
0x84: {  	v50 =	vld [tilespmem:s20+$0x108C0]  }
0x85: {  	[tilespmem:$0x1FAE0] =	vst v29;
	v29 =	vld [tilespmem:s20+$0x860]  }
0x86: {  	v49 =	vld [tilespmem:s20+$0x108D0]  }
0x87: {  	v44 =	vld [tilespmem:s20+$0x8E0]  }
0x88: {  	v43 =	vld [tilespmem:s20+$0x88E0]  }
0x89: {  	[tilespmem:$0x1FA00] =	vst v4;
	v4 =	vld [tilespmem:s20+$0x950]  }
0x8a: {  	[tilespmem:$0x1FA90] =	vst v29;
	v29 =	vld [tilespmem:s20+$0x8860]  }
0x8b: {  	v5 =	vld [tilespmem:s20+$0x900]  }
0x8c: {  	v7 =	vld [tilespmem:s20+$0x910]  }
0x8d: {  	v6 =	vld [tilespmem:s20+$0x8910]  }
0x8e: {  	[tilespmem:$0x1FA10] =	vst v4;
	v4 =	vld [tilespmem:s20+$0x8950]  }
0x8f: {  	[tilespmem:$0x1FAA0] =	vst v29;
	v29 =	vld [tilespmem:s20+$0x880]  }
0x90: {  	v8 =	vld [tilespmem:s20+$0x10830]  }
0x91: {  	v61 =	vld [tilespmem:s20+$0x870]  }
0x92: {  	v57 =	vld [tilespmem:s20+$0x8870]  }
0x93: {  	[tilespmem:$0x1FA20] =	vst v4;
	v4 =	vld [tilespmem:s20+$0x10870]  }
0x94: {  	[tilespmem:$0x1FAC0] =	vst v29;
	v29 =	vld [tilespmem:s20+$0x8880]  }
0x95: {  	v60 =	vld [tilespmem:s20+$0x88A0]  }
0x96: {  	v11 =	vld [tilespmem:s20+$0x8C0]  }
0x97: {  	[tilespmem:$0x1FA80] =	vst v8;
	v8 =	vld [tilespmem:s20+$0x10860]  }
0x98: {  	[tilespmem:$0x1FA60] =	vst v4;
	v4 =	vld [tilespmem:s20+$0x108A0]  }
0x99: {  	[tilespmem:$0x1FAD0] =	vst v29;
	v29 =	vld [tilespmem:s20+$0x890]  }
0x9a: {  	v10 =	vld [tilespmem:s20+$0x8D0]  }
0x9b: {  	[tilespmem:$0x1F9D0] =	vst v1;
	v1 =	vld [tilespmem:s20+$0x10920]  }
0x9c: {  	[tilespmem:$0x1FAF0] =	vst v8;
	v8 =	vld [tilespmem:s20+$0x10880]  }
0x9d: {  	[tilespmem:$0x1FA70] =	vst v4;
	v4 =	vld [tilespmem:s20+$0x8B0]  }
0x9e: {  	[tilespmem:$0x1FB10] =	vst v29;
	v29 =	vld [tilespmem:s20+$0x8890]  }
0x9f: {  	v9 =	vld [tilespmem:s20+$0x88D0]  }
0xa0: {  	[tilespmem:$0x1F9E0] =	vst v1;
	v1 =	vld [tilespmem:s20+$0x10940]  }
0xa1: {  	[tilespmem:$0x1FB00] =	vst v8;
	v8 =	vld [tilespmem:s20+$0x8A0]  }
0xa2: {  	[tilespmem:$0x1FA30] =	vst v4;
	v4 =	vld [tilespmem:s20+$0x88B0]  }
0xa3: {  	[tilespmem:$0x1FB20] =	vst v29;
	v29 =	vld [tilespmem:s20+$0x107B0]  }
0xa4: {  	v53 =	vld [tilespmem:s20+$0x830]  }
0xa5: {  	v52 =	vld [tilespmem:s20+$0x8830];
	[tilespmem:$0x1F9F0] =	vst v1  }
0xa6: {  	v1 =	vld [tilespmem:s20+$0x990];
	[tilespmem:$0x1FA50] =	vst v8  }
0xa7: {  	v8 =	vld [tilespmem:s20+$0x88C0];
	[tilespmem:$0x1FA40] =	vst v4  }
0xa8: {  	v4 =	vld [tilespmem:s20+$0x8900];
	[tilespmem:$0x1FC00] =	vst v29  }
0xa9: {  	v29 =	vld [tilespmem:s20+$0x107E0]  }
0xaa: {  	v32 =	vld [tilespmem:s20+$0x840]  }
0xab: {  	v34 =	vld [tilespmem:s20+$0x850]  }
0xac: {  	v0 =	vadd.f32 v45, v0;
	v2 =	vadd.f32 v2, v3;
	v30 =	vld [tilespmem:s20+$0x8850]  }
0xad: {  	v1 =	vadd.f32 v27, v1;
	v37 =	vld [tilespmem:s20+$0x10770]  }
0xae: {  	v0 =	vsub.f32 v0, v39;
	v12 =	vsub.f32 v2, v12;
	v62 =	vld [tilespmem:s20+$0x107A0]  }
0xaf: {  	v1 =	vsub.f32 v1, v13;
	v13 =	vadd.f32 v14, v15;
	v40 =	vld [tilespmem:s20+$0x7B0]  }
0xb0: {  	v12 =	vand.u32 $0x7FFFFFFF, v12;
	v41 =	vld [tilespmem:s20+$0x87B0]  }
0xb1: {  	v1 =	vand.u32 $0x7FFFFFFF, v1;
	v13 =	vsub.f32 v13, v48;
	[tilespmem:$0x1FCD0] =	vst v0;
	v0 =	vadd.f32 v20, v23;
	v38 =	vld [tilespmem:s20+$0x8810]  }
0xb2: {  	v1 =	vadd.f32 v1, v12;
	v45 =	vld [tilespmem:s20+$0x87C0]  }
0xb3: {  	v13 =	vand.u32 $0x7FFFFFFF, v13;
	v27 =	vld [tilespmem:s20+$0x7D0];
	v0 =	vsub.f32 v0, v46  }
0xb4: {  	v16 =	vadd.f32 v16, v17;
	v13 =	vadd.f32 v13, v1;
	v3 =	vld [tilespmem:s20+$0x87D0]  }
0xb5: {  	v2 =	vld [tilespmem:s20+$0x106F0];
	v0 =	vand.u32 $0x7FFFFFFF, v0  }
0xb6: {  	[tilespmem:$0x1FCB0] =	vst v16;
	v17 =	vld [tilespmem:s20+$0x10720];
	v16 =	vadd.f32 v0, v13;
	v0 =	vadd.f32 v4, v5  }
0xb7: {  	[tilespmem:$0x1FC10] =	vst v29;
	v29 =	vld [tilespmem:s20+$0x7F0]  }
0xb8: {  	v5 =	vadd.f32 v6, v7;
	v7 =	vsub.f32 v0, v42;
	v0 =	vld [tilespmem:$0x1F9D0]  }
0xb9: {  	v14 =	vadd.f32 v36, v31;
	v31 =	vld [tilespmem:s20+$0x730]  }
0xba: {  	v36 =	vld [tilespmem:s20+$0x8730]  }
0xbb: {  	v39 =	vld [tilespmem:s20+$0x10740];
	v4 =	vadd.f32 v28, v35  }
0xbc: {  	v12 =	vsub.f32 v14, v59;
	[tilespmem:$0x1FB70] =	vst v29;
	v29 =	vld [tilespmem:s20+$0x87F0]  }
0xbd: {  	v14 =	vadd.f32 v18, v21;
	v18 =	vsub.f32 v4, v0;
	v0 =	vld [tilespmem:$0x1F9E0]  }
0xbe: {  	v4 =	vld [tilespmem:$0x1F9F0]  }
0xbf: {  	v21 =	vld [tilespmem:s20+$0x760]  }
0xc0: {  	v48 =	vld [tilespmem:s20+$0x8760];
	v6 =	vadd.f32 v24, v26;
	v5 =	vsub.f32 v5, v47  }
0xc1: {  	v9 =	vadd.f32 v9, v10;
	v13 =	vadd.f32 v25, v33;
	[tilespmem:$0x1FB80] =	vst v29;
	v29 =	vld [tilespmem:s20+$0x10800]  }
0xc2: {  	v20 =	vld [tilespmem:s20+$0x780];
	v7 =	vand.u32 $0x7FFFFFFF, v7;
	v5 =	vand.u32 $0x7FFFFFFF, v5;
	v15 =	vsub.f32 v6, v0  }
0xc3: {  	v6 =	vsub.f32 v13, v4;
	v13 =	vadd.f32 v5, v7;
	v7 =	vld [tilespmem:$0x1FA00]  }
0xc4: {  	v8 =	vadd.f32 v8, v11;
	v10 =	vld [tilespmem:s20+$0x6F0]  }
0xc5: {  	v9 =	vsub.f32 v9, v49;
	[tilespmem:$0x1FCC0] =	vst v12;
	v12 =	vadd.f32 v19, v22;
	v19 =	vld [tilespmem:$0x1FA20]  }
0xc6: {  	v11 =	vadd.f32 v43, v44;
	v8 =	vsub.f32 v8, v50;
	[tilespmem:$0x1FB30] =	vst v29;
	v29 =	vld [tilespmem:s20+$0x10810]  }
0xc7: {  	v9 =	vand.u32 $0x7FFFFFFF, v9;
	v43 =	vld [tilespmem:s20+$0x8740];
	v15 =	vand.u32 $0x7FFFFFFF, v15  }
0xc8: {  	v44 =	vld [tilespmem:s20+$0x750];
	v13 =	vadd.f32 v15, v13;
	v15 =	vand.u32 $0x7FFFFFFF, v8;
	v11 =	vsub.f32 v11, v7  }
0xc9: {  	v49 =	vld [tilespmem:s20+$0x10630];
	v9 =	vadd.f32 v9, v15  }
0xca: {  	v22 =	vld [tilespmem:$0x1FAA0];
	v11 =	vand.u32 $0x7FFFFFFF, v11  }
0xcb: {  	v11 =	vadd.f32 v11, v9;
	[tilespmem:$0x1FB40] =	vst v29;
	v29 =	vld [tilespmem:s20+$0x820]  }
0xcc: {  	v23 =	vld [tilespmem:$0x1FAD0];
	v18 =	vand.u32 $0x7FFFFFFF, v18  }
0xcd: {  	v12 =	vsub.f32 v12, v63;
	v18 =	vadd.f32 v18, v11;
	v11 =	vld [tilespmem:$0x1FA80]  }
0xce: {  	v1 =	vadd.f32 v54, v55;
	v55 =	vld [tilespmem:s20+$0x8700]  }
0xcf: {  	v46 =	vadd.f32 v56, v51;
	v56 =	vld [tilespmem:s20+$0x10750];
	v12 =	vand.u32 $0x7FFFFFFF, v12  }
0xd0: {  	v15 =	vadd.f32 v12, v13;
	v13 =	vadd.f32 v52, v53;
	[tilespmem:$0x1FB50] =	vst v29;
	v29 =	vld [tilespmem:s20+$0x8820]  }
0xd1: {  	v51 =	vld [tilespmem:s20+$0x106C0]  }
0xd2: {  	v50 =	vsub.f32 v13, v11;
	v13 =	vld [tilespmem:$0x1FA90]  }
0xd3: {  	v7 =	vld [tilespmem:$0x1FA10]  }
0xd4: {  	v28 =	vld [tilespmem:s20+$0x8780]  }
0xd5: {  	[tilespmem:$0x1FB60] =	vst v29;
	v29 =	vld [tilespmem:s20+$0x8840]  }
0xd6: {  	v8 =	vld [tilespmem:$0x1FA30]  }
0xd7: {  	v13 =	vadd.f32 v22, v13;
	v22 =	vld [tilespmem:$0x1FAB0]  }
0xd8: {  	v7 =	vadd.f32 v19, v7;
	v19 =	vld [tilespmem:$0x1FA40]  }
0xd9: {  	[tilespmem:$0x1FC60] =	vst v62;
	v62 =	vld [tilespmem:s20+$0x107C0]  }
0xda: {  	v9 =	vld [tilespmem:$0x1FA60];
	v11 =	vadd.f32 v29, v32  }
0xdb: {  	v24 =	vld [tilespmem:s20+$0x790]  }
0xdc: {  	v22 =	vsub.f32 v11, v22;
	v11 =	vld [tilespmem:$0x1FAC0]  }
0xdd: {  	v12 =	vld [tilespmem:$0x1FA50];
	v8 =	vadd.f32 v19, v8;
	v19 =	vadd.f32 v57, v61  }
0xde: {  	[tilespmem:$0x1FC70] =	vst v62;
	v62 =	vld [tilespmem:s20+$0x10760]  }
0xdf: {  	v19 =	vsub.f32 v19, v9;
	v9 =	vld [tilespmem:$0x1FA70]  }
0xe0: {  	v25 =	vld [tilespmem:s20+$0x8790]  }
0xe1: {  	v11 =	vadd.f32 v23, v11;
	v23 =	vld [tilespmem:$0x1FAE0]  }
0xe2: {  	v26 =	vld [tilespmem:s20+$0x86F0];
	v12 =	vadd.f32 v60, v12  }
0xe3: {  	[tilespmem:$0x1FCA0] =	vst v62;
	v62 =	vld [tilespmem:s20+$0x770]  }
0xe4: {  	v33 =	vld [tilespmem:s20+$0x720];
	v9 =	vsub.f32 v12, v9;
	v12 =	vadd.f32 v30, v34  }
0xe5: {  	[tilespmem:$0x1FBA0] =	vst v40;
	v40 =	vld [tilespmem:s20+$0x7E0]  }
0xe6: {  	v12 =	vsub.f32 v12, v23;
	v23 =	vld [tilespmem:$0x1FAF0]  }
0xe7: {  	[tilespmem:$0x1FBB0] =	vst v41;
	v41 =	vld [tilespmem:s20+$0x87E0]  }
0xe8: {  	[tilespmem:$0x1FBE0] =	vst v62;
	v62 =	vld [tilespmem:s20+$0x8770]  }
0xe9: {  	[tilespmem:$0x1FC20] =	vst v37;
	v37 =	vld [tilespmem:s20+$0x8800]  }
0xea: {  	v14 =	vsub.f32 v14, v58;
	v58 =	vand.u32 $0x7FFFFFFF, v12;
	v12 =	vld [tilespmem:$0x1FB10]  }
0xeb: {  	v57 =	vsub.f32 v13, v23;
	v23 =	vld [tilespmem:$0x1FB20]  }
0xec: {  	[tilespmem:$0x1FBD0] =	vst v41;
	v41 =	vld [tilespmem:s20+$0x800]  }
0xed: {  	[tilespmem:$0x1FBF0] =	vst v62;
	v62 =	vld [tilespmem:s20+$0x10780]  }
0xee: {  	v13 =	vld [tilespmem:$0x1FB00]  }
0xef: {  	v35 =	vld [tilespmem:s20+$0x8720]  }
0xf0: {  	v12 =	vadd.f32 v23, v12;
	v23 =	vld [tilespmem:$0x1FB30]  }
0xf1: {  	v31 =	vadd.f32 v36, v31;
	v36 =	vld [tilespmem:s20+$0x10600]  }
0xf2: {  	[tilespmem:$0x1FBC0] =	vst v40;
	v40 =	vld [tilespmem:s20+$0x810]  }
0xf3: {  	[tilespmem:$0x1FC80] =	vst v62;
	v62 =	vld [tilespmem:s20+$0x10790];
	v11 =	vsub.f32 v11, v13;
	v13 =	vadd.f32 v37, v41  }
0xf4: {  	v42 =	vld [tilespmem:s20+$0x740]  }
0xf5: {  	v59 =	vsub.f32 v13, v23;
	v13 =	vld [tilespmem:$0x1FB40]  }
0xf6: {  	v47 =	vld [tilespmem:s20+$0x8750]  }
0xf7: {  	v28 =	vadd.f32 v28, v20;
	v20 =	vld [tilespmem:$0x1FC60]  }
0xf8: {  	v38 =	vadd.f32 v38, v40;
	[tilespmem:$0x1FC90] =	vst v62;
	v62 =	vld [tilespmem:s20+$0x7A0]  }
0xf9: {  	v23 =	vld [tilespmem:$0x1FB60]  }
0xfa: {  	v38 =	vsub.f32 v38, v13;
	v13 =	vld [tilespmem:$0x1FB50]  }
0xfb: {  	v10 =	vadd.f32 v26, v10;
	v26 =	vadd.f32 v35, v33;
	v33 =	vld [tilespmem:s20+$0x8620]  }
0xfc: {  	v35 =	vld [tilespmem:s20+$0x600]  }
0xfd: {  	v63 =	vld [tilespmem:$0x1FBD0]  }
0xfe: {  	[tilespmem:$0x1FC30] =	vst v62;
	v62 =	vld [tilespmem:s20+$0x87A0]  }
0xff: {  	v22 =	vand.u32 $0x7FFFFFFF, v22;
	v60 =	vadd.f32 v23, v13;
	v13 =	vld [tilespmem:$0x1FB70]  }
0x100: {  	v22 =	vadd.f32 v58, v22;
	v23 =	vld [tilespmem:$0x1FB80]  }
0x101: {  	v42 =	vadd.f32 v43, v42;
	v43 =	vld [tilespmem:s20+$0x86A0];
	v34 =	vand.u32 $0x7FFFFFFF, v57  }
0x102: {  	v44 =	vadd.f32 v47, v44;
	v47 =	vld [tilespmem:s20+$0x6C0];
	v22 =	vadd.f32 v34, v22  }
0x103: {  	v19 =	vand.u32 $0x7FFFFFFF, v19;
	[tilespmem:$0x1FC40] =	vst v62;
	v62 =	vld [tilespmem:s20+$0x7C0]  }
0x104: {  	v22 =	vadd.f32 v19, v22;
	v19 =	vld [tilespmem:$0x1FBA0]  }
0x105: {  	v13 =	vadd.f32 v23, v13;
	v23 =	vld [tilespmem:$0x1FBB0]  }
0x106: {  	v2 =	vsub.f32 v10, v2;
	v10 =	vsub.f32 v26, v17;
	v26 =	vld [tilespmem:s20+$0x8660]  }
0x107: {  	v3 =	vadd.f32 v3, v27;
	v27 =	vsub.f32 v42, v39;
	v39 =	vld [tilespmem:s20+$0x86C0]  }
0x108: {  	v42 =	vsub.f32 v44, v56;
	v56 =	vld [tilespmem:s20+$0x6D0]  }
0x109: {  	[tilespmem:$0x1FC50] =	vst v62;
	v62 =	vld [tilespmem:$0x1FB90]  }
0x10a: {  	v19 =	vadd.f32 v23, v19;
	v23 =	vld [tilespmem:$0x1FBC0]  }
0x10b: {  	v40 =	vld [tilespmem:s20+$0x86E0]  }
0x10c: {  	v0 =	vld [tilespmem:s20+$0x106B0]  }
0x10d: {  	v4 =	vld [tilespmem:s20+$0x106E0]  }
0x10e: {  	v54 =	vsub.f32 v60, v62;
	v60 =	vld [tilespmem:$0x1FBF0]  }
0x10f: {  	v58 =	vadd.f32 v63, v23;
	v23 =	vld [tilespmem:$0x1FBE0]  }
0x110: {  	v5 =	vld [tilespmem:s20+$0x10700]  }
0x111: {  	v21 =	vadd.f32 v48, v21;
	v27 =	vand.u32 $0x7FFFFFFF, v27;
	v42 =	vand.u32 $0x7FFFFFFF, v42;
	v48 =	vld [tilespmem:$0x1FCA0]  }
0x112: {  	v27 =	vadd.f32 v42, v27;
	v42 =	vld [tilespmem:s20+$0x10610]  }
0x113: {  	v63 =	vld [tilespmem:$0x1FC40]  }
0x114: {  	v61 =	vand.u32 $0x7FFFFFFF, v59;
	v38 =	vand.u32 $0x7FFFFFFF, v38;
	v59 =	vadd.f32 v60, v23;
	v23 =	vld [tilespmem:$0x1FC30]  }
0x115: {  	v30 =	vld [tilespmem:s20+$0x6B0];
	v34 =	vadd.f32 v38, v61  }
0x116: {  	v32 =	vld [tilespmem:s20+$0x86B0];
	v54 =	vand.u32 $0x7FFFFFFF, v54  }
0x117: {  	v53 =	vld [tilespmem:s20+$0x700];
	v34 =	vadd.f32 v54, v34  }
0x118: {  	v52 =	vld [tilespmem:s20+$0x710];
	v21 =	vsub.f32 v21, v48;
	v50 =	vand.u32 $0x7FFFFFFF, v50  }
0x119: {  	v34 =	vadd.f32 v50, v34;
	v50 =	vadd.f32 v63, v23;
	v23 =	vld [tilespmem:$0x1FC50]  }
0x11a: {  	v48 =	vld [tilespmem:s20+$0x620];
	v21 =	vand.u32 $0x7FFFFFFF, v21  }
0x11b: {  	v21 =	vadd.f32 v21, v27;
	v29 =	vld [tilespmem:s20+$0x106A0];
	v27 =	vadd.f32 v32, v30  }
0x11c: {  	v32 =	vld [tilespmem:s20+$0x8680]  }
0x11d: {  	v0 =	vsub.f32 v27, v0;
	v27 =	vld [tilespmem:s20+$0x8600]  }
0x11e: {  	v45 =	vadd.f32 v45, v23;
	v23 =	vld [tilespmem:$0x1FC80]  }
0x11f: {  	v61 =	vld [tilespmem:$0x1FC00]  }
0x120: {  	v57 =	vld [tilespmem:s20+$0x10620]  }
0x121: {  	v37 =	vld [tilespmem:s20+$0x106D0]  }
0x122: {  	v62 =	vld [tilespmem:$0x1FC20]  }
0x123: {  	v28 =	vsub.f32 v28, v23;
	v23 =	vld [tilespmem:$0x1FC90]  }
0x124: {  	v54 =	vsub.f32 v19, v61;
	v19 =	vld [tilespmem:$0x1FC10]  }
0x125: {  	v41 =	vld [tilespmem:s20+$0x6E0]  }
0x126: {  	v24 =	vadd.f32 v25, v24;
	v38 =	vld [tilespmem:s20+$0x8710]  }
0x127: {  	v61 =	vld [tilespmem:s20+$0x8630]  }
0x128: {  	v60 =	vld [tilespmem:s20+$0x630];
	v24 =	vsub.f32 v24, v23  }
0x129: {  	v19 =	vsub.f32 v58, v19;
	v58 =	vsub.f32 v59, v62;
	v59 =	vld [tilespmem:s20+$0x670]  }
0x12a: {  	v62 =	vld [tilespmem:s20+$0x8670];
	v28 =	vand.u32 $0x7FFFFFFF, v28;
	v24 =	vand.u32 $0x7FFFFFFF, v24  }
0x12b: {  	v24 =	vadd.f32 v24, v28;
	v28 =	vld [tilespmem:s20+$0x86D0]  }
0x12c: {  	v25 =	vsub.f32 v50, v20;
	v20 =	vld [tilespmem:$0x1FC70]  }
0x12d: {  	v30 =	vadd.f32 v39, v47;
	v27 =	vadd.f32 v27, v35;
	v17 =	vand.u32 $0x7FFFFFFF, v58;
	v58 =	vld [tilespmem:s20+$0x8690]  }
0x12e: {  	v17 =	vadd.f32 v17, v21;
	v21 =	vld [tilespmem:s20+$0x680]  }
0x12f: {  	v30 =	vsub.f32 v30, v51;
	v27 =	vsub.f32 v27, v36;
	v63 =	vld [tilespmem:s20+$0x10680]  }
0x130: {  	v38 =	vadd.f32 v38, v52;
	v50 =	vld [tilespmem:s20+$0x10690];
	v25 =	vand.u32 $0x7FFFFFFF, v25;
	v28 =	vadd.f32 v28, v56  }
0x131: {  	v20 =	vsub.f32 v45, v20;
	v45 =	vld [tilespmem:s20+$0x6A0];
	v24 =	vadd.f32 v25, v24  }
0x132: {  	v25 =	vand.u32 $0x7FFFFFFF, v54;
	v54 =	vadd.f32 v40, v41;
	v40 =	vld [tilespmem:s20+$0x690];
	v28 =	vsub.f32 v28, v37  }
0x133: {  	v30 =	vand.u32 $0x7FFFFFFF, v30;
	v21 =	vadd.f32 v32, v21;
	v24 =	vadd.f32 v25, v24;
	v25 =	vld [tilespmem:s20+$0x660]  }
0x134: {  	v4 =	vsub.f32 v54, v4;
	v56 =	vadd.f32 v55, v53;
	v53 =	vld [tilespmem:s20+$0x8610];
	v28 =	vand.u32 $0x7FFFFFFF, v28  }
0x135: {  	v47 =	vadd.f32 v61, v60;
	v28 =	vadd.f32 v28, v30;
	v30 =	vld [tilespmem:s20+$0x610]  }
0x136: {  	v21 =	vsub.f32 v21, v63;
	v54 =	vadd.f32 v62, v59;
	v59 =	vld [tilespmem:s20+$0x8650];
	v4 =	vand.u32 $0x7FFFFFFF, v4  }
0x137: {  	v51 =	vadd.f32 v43, v45;
	v55 =	vld [tilespmem:s20+$0x8640];
	v4 =	vadd.f32 v4, v28  }
0x138: {  	v2 =	vand.u32 $0x7FFFFFFF, v2;
	v5 =	vsub.f32 v56, v5;
	v56 =	vld [tilespmem:s20+$0x650];
	v58 =	vadd.f32 v58, v40  }
0x139: {  	v28 =	vld [tilespmem:s20+$0x640];
	v2 =	vadd.f32 v2, v4;
	v4 =	vadd.f32 v33, v48  }
0x13a: {  	v27 =	vand.u32 $0x7FFFFFFF, v27;
	v60 =	vld [tilespmem:s20+$0x10640];
	v33 =	vsub.f32 v58, v50;
	v30 =	vadd.f32 v53, v30  }
0x13b: {  	v61 =	vld [tilespmem:s20+$0x10650];
	v39 =	vsub.f32 v47, v49;
	v21 =	vand.u32 $0x7FFFFFFF, v21;
	v29 =	vsub.f32 v51, v29  }
0x13c: {  	v62 =	vld [tilespmem:s20+$0x10660];
	v25 =	vadd.f32 v26, v25;
	v33 =	vand.u32 $0x7FFFFFFF, v33;
	v30 =	vsub.f32 v30, v42  }
0x13d: {  	v29 =	vand.u32 $0x7FFFFFFF, v29;
	v4 =	vsub.f32 v4, v57;
	v21 =	vadd.f32 v33, v21  }
0x13e: {  	v63 =	vld [tilespmem:s20+$0x10710];
	v28 =	vadd.f32 v55, v28;
	v26 =	vand.u32 $0x7FFFFFFF, v30;
	v30 =	vadd.f32 v59, v56  }
0x13f: {  	(xrf2) =	vadd.scan.msk.f32 $0xffff, v16;
	v21 =	vadd.f32 v29, v21;
	v16 =	vadd.f32 v26, v27;
	v26 =	vld [tilespmem:s20+$0x10670]  }
0x140: {  	(xrf2) =	vadd.scan.msk.f32 $0xffff, v15;
	v0 =	vand.u32 $0x7FFFFFFF, v0;
	v15 =	vsub.f32 v28, v60;
	v27 =	vsub.f32 v30, v61  }
0x141: {  	(xrf2) =	vadd.scan.msk.f32 $0xffff, v18;
	v18 =	vsub.f32 v25, v62;
	v4 =	vand.u32 $0x7FFFFFFF, v4;
	v0 =	vadd.f32 v0, v21;
	v21 =	vld [tilespmem:s20+$0x107D0]  }
0x142: {  	(xrf2) =	vadd.scan.msk.f32 $0xffff, v22;
	v22 =	vld [tilespmem:s20+$0x10730];
	v15 =	vand.u32 $0x7FFFFFFF, v15;
	v4 =	vadd.f32 v4, v16;
	v16 =	vand.u32 $0x7FFFFFFF, v27  }
0x143: {  	(xrf2) =	vadd.scan.msk.f32 $0xffff, v34;
	v25 =	vand.u32 $0x7FFFFFFF, v39;
	v15 =	vadd.f32 v16, v15;
	v16 =	vsub.f32 v38, v63  }
0x144: {  	(xrf2) =	vadd.scan.msk.f32 $0xffff, v24;
	v18 =	vand.u32 $0x7FFFFFFF, v18;
	v4 =	vadd.f32 v25, v4;
	v25 =	vld [tilespmem:s20+$0x10890];
	v24 =	vsub.f32 v54, v26  }
0x145: {  	(xrf2) =	vadd.scan.msk.f32 $0xffff, v17;
	v5 =	vand.u32 $0x7FFFFFFF, v5;
	v15 =	vadd.f32 v18, v15;
	v16 =	vand.u32 $0x7FFFFFFF, v16  }
0x146: {  	v17 =	vld [tilespmem:s20+$0x107F0];
	(xrf2) =	vadd.scan.msk.f32 $0xffff, v2;
	v3 =	vsub.f32 v3, v21;
	v2 =	vand.u32 $0x7FFFFFFF, v24;
	v5 =	vadd.f32 v16, v5  }
0x147: {  	(xrf2) =	vadd.scan.msk.f32 $0xffff, v0;
	v0 =	vadd.f32 v2, v15;
	v2 =	vand.u32 $0x7FFFFFFF, v10;
	v10 =	vsub.f32 v31, v22;
	v15 =	vld [tilespmem:s20+$0x10950]  }
0x148: {  	(xrf2) =	vadd.scan.msk.f32 $0xffff, v4;
	v4 =	vand.u32 $0x7FFFFFFF, v20;
	v3 =	vand.u32 $0x7FFFFFFF, v3;
	v2 =	vadd.f32 v2, v5;
	v5 =	vld [tilespmem:s20+$0x108B0]  }
0x149: {  	v3 =	vadd.f32 v3, v4;
	v4 =	vsub.f32 v12, v25;
	v10 =	vand.u32 $0x7FFFFFFF, v10  }
0x14a: {  	v2 =	vadd.f32 v10, v2;
	v10 =	vand.u32 $0x7FFFFFFF, v19  }
0x14b: {  	v4 =	vand.u32 $0x7FFFFFFF, v4;
	v3 =	vadd.f32 v10, v3;
	v10 =	vand.u32 $0x7FFFFFFF, v11  }
0x14c: {  	v4 =	vadd.f32 v4, v10;
	v7 =	vsub.f32 v7, v15  }
0x14d: {  	v9 =	vand.u32 $0x7FFFFFFF, v9;
	v16, _, _ =	vpop (xrf2);
	v12 =	vsub.f32 v13, v17;
	(xrf2) =	vadd.scan.msk.f32 $0xffff, v0;
	v5 =	vsub.f32 v8, v5  }
0x14e: {  	v6 =	vand.u32 $0x7FFFFFFF, v6;
	v13 =	vld [tilespmem:s20+$0x109D0];
	v0, _, _ =	vpop (xrf2);
	v4 =	vadd.f32 v9, v4;
	v7 =	vand.u32 $0x7FFFFFFF, v7  }
0x14f: {  	v12 =	vand.u32 $0x7FFFFFFF, v12;
	v11 =	vld [tilespmem:s20+$0x10970];
	v17, _, _ =	vpop (xrf2);
	v5 =	vand.u32 $0x7FFFFFFF, v5;
	v6 =	vadd.f32 v7, v6  }
0x150: {  	v10 =	vld [tilespmem:s20+$0x109E0];
	v18, _, _ =	vpop (xrf2);
	v3 =	vadd.f32 v12, v3;
	v4 =	vadd.f32 v5, v4;
	v5 =	vand.u32 $0x7FFFFFFF, v14  }
0x151: {  	(xrf2) =	vadd.scan.msk.f32 $0xffff, v2;
	v2, _, _ =	vpop (xrf2);
	v5 =	vadd.f32 v5, v6;
	v6 =	vld [tilespmem:$0x1FCB0]  }
0x152: {  	v12 =	vld [tilespmem:$0x1FCC0];
	v8, _, _ =	vpop (xrf2)  }
0x153: {  	v9, _, _ =	vpop (xrf2)  }
0x154: {  	(xrf2) =	vadd.scan.msk.f32 $0xffff, v3;
	v1 =	vsub.f32 v1, v11;
	v3, _, _ =	vpop (xrf2)  }
0x155: {  	v7 =	vsub.f32 v46, v13;
	v11, _, _ =	vpop (xrf2)  }
0x156: {  	v1 =	vand.u32 $0x7FFFFFFF, v1;
	v6 =	vsub.f32 v6, v10;
	v10, _, _ =	vpop (xrf2)  }
0x157: {  	v7 =	vand.u32 $0x7FFFFFFF, v7;
	v12 =	vand.u32 $0x7FFFFFFF, v12;
	v1 =	vadd.f32 v1, v5;
	v5, _, _ =	vpop (xrf2)  }
0x158: {  	(xrf2) =	vadd.scan.msk.f32 $0xffff, v4;
	v4 =	vadd.f32 v7, v12;
	v7 =	vbroadcast v10, $0xF;
	v5 =	vbroadcast v5, $0xF  }
0x159: {  	v6 =	vand.u32 $0x7FFFFFFF, v6  }
0x15a: {  	(xrf2) =	vadd.scan.msk.f32 $0xffff, v1;
	v1 =	vsel vm0, v7, v5;
	v5 =	vld [tilespmem:$0x1FCD0];
	_ =	sdelay $0x1  }
0x15b: {  	v4 =	vadd.f32 v6, v4;
	v6, _, _ =	vpop (xrf2)  }
0x15c: {  	v10 =	vbroadcast v11, $0xF;
	v6 =	vbroadcast v6, $0xF  }
0x15d: {  	v3 =	vbroadcast v3, $0xF  }
0x15e: {  	v1 =	vsel vm1, v1, v10;
	v5 =	vand.u32 $0x7FFFFFFF, v5  }
0x15f: {  	v1 =	vsel vm2, v1, v3;
	v3 =	vbroadcast v9, $0xF;
	v4 =	vadd.f32 v5, v4  }
0x160: {  	v1 =	vsel vm3, v1, v6;
	v5 =	vbroadcast v8, $0xF;
	v6, _, _ =	vpop (xrf2)  }
0x161: {  	v1 =	vsel vm4, v1, v3;
	v3 =	vbroadcast v6, $0xF  }
0x162: {  	v2 =	vbroadcast v2, $0xF;
	(xrf2) =	vadd.scan.msk.f32 $0xffff, v4;
	v1 =	vsel vm5, v1, v5  }
0x163: {  	v1 =	vsel vm6, v1, v3;
	v3 =	vbroadcast v18, $0xF;
	v4, _, _ =	vpop (xrf2)  }
0x164: {  	v1 =	vsel vm7, v1, v2;
	v2 =	vbroadcast v4, $0xF  }
0x165: {  	v1 =	vsel vm8, v1, v3;
	v3 =	vbroadcast v17, $0xF  }
0x166: {  	v0 =	vbroadcast v0, $0xF;
	v1 =	vsel vm9, v1, v2  }
0x167: {  	v1 =	vsel vm10, v1, v3  }
0x168: {  	v2, _, _ =	vpop (xrf2);
	v0 =	vsel vm11, v1, v0;
	v1 =	vbroadcast v16, $0xF  }
0x169: {  	v2 =	vbroadcast v2, $0xF;
	_ =	sdelay $0x1  }
0x16a: {  	v0 =	vsel vm12, v0, v2  }
0x16b: {  	v0 =	vsel vm13, v0, v1;
	v1, _, _ =	vpop (xrf2)  }
0x16c: {  	v0 =	vsel vm14, v0, v1  }
0x16d: {  	s18 =	simm.s32 $0x400;
	[tilespmem:s16+$0x0] =	vst v0  }
0x16e: {  	v33 =	vld [tilespmem:s18+$0x109F0]  }
0x16f: {  	v30 =	vld [tilespmem:s18+$0x9F0]  }
0x170: {  	v17 =	vld [tilespmem:s18+$0x89F0]  }
0x171: {  	v42 =	vld [tilespmem:s18+$0x109B0]  }
0x172: {  	v54 =	vld [tilespmem:s18+$0x109C0]  }
0x173: {  	v18 =	vld [tilespmem:s18+$0x9E0]  }
0x174: {  	v26 =	vld [tilespmem:s18+$0x89E0]  }
0x175: {  	v45 =	vld [tilespmem:s18+$0x109A0]  }
0x176: {  	v47 =	vld [tilespmem:s18+$0x9B0]  }
0x177: {  	v51 =	vld [tilespmem:s18+$0x89B0]  }
0x178: {  	v56 =	vld [tilespmem:s18+$0x9C0]  }
0x179: {  	v57 =	vld [tilespmem:s18+$0x89C0]  }
0x17a: {  	v58 =	vld [tilespmem:s18+$0x9D0]  }
0x17b: {  	v59 =	vld [tilespmem:s18+$0x89D0]  }
0x17c: {  	v60 =	vld [tilespmem:s18+$0x10930]  }
0x17d: {  	v25 =	vld [tilespmem:s18+$0x10820]  }
0x17e: {  	v61 =	vld [tilespmem:s18+$0x10960]  }
0x17f: {  	v62 =	vld [tilespmem:s18+$0x970]  }
0x180: {  	v63 =	vld [tilespmem:s18+$0x8970]  }
0x181: {  	v11 =	vld [tilespmem:s18+$0x10980]  }
0x182: {  	[tilespmem:$0x1FEF0] =	vst v25;
	v25 =	vld [tilespmem:s18+$0x10840]  }
0x183: {  	v13 =	vld [tilespmem:s18+$0x10990]  }
0x184: {  	v14 =	vld [tilespmem:s18+$0x9A0]  }
0x185: {  	v12 =	vld [tilespmem:s18+$0x89A0]  }
0x186: {  	v0 =	vld [tilespmem:s18+$0x108F0]  }
0x187: {  	[tilespmem:$0x1FE10] =	vst v25;
	v25 =	vld [tilespmem:s18+$0x10850]  }
0x188: {  	v3 =	vld [tilespmem:s18+$0x108E0]  }
0x189: {  	v19 =	vld [tilespmem:s18+$0x930]  }
0x18a: {  	v16 =	vld [tilespmem:s18+$0x8930]  }
0x18b: {  	v20 =	vld [tilespmem:s18+$0x960]  }
0x18c: {  	[tilespmem:$0x1FE40] =	vst v25;
	v25 =	vld [tilespmem:s18+$0x860]  }
0x18d: {  	[tilespmem:$0x1FD60] =	vst v3;
	v3 =	vld [tilespmem:s18+$0x950]  }
0x18e: {  	v36 =	vld [tilespmem:s18+$0x980]  }
0x18f: {  	v2 =	vld [tilespmem:s18+$0x8980]  }
0x190: {  	v1 =	vld [tilespmem:s18+$0x990]  }
0x191: {  	[tilespmem:$0x1FDF0] =	vst v25;
	v25 =	vld [tilespmem:s18+$0x8860]  }
0x192: {  	[tilespmem:$0x1FD70] =	vst v3;
	v3 =	vld [tilespmem:s18+$0x8950]  }
0x193: {  	v32 =	vld [tilespmem:s18+$0x8F0]  }
0x194: {  	v24 =	vld [tilespmem:s18+$0x88F0]  }
0x195: {  	v39 =	vld [tilespmem:s18+$0x10900]  }
0x196: {  	[tilespmem:$0x1FE00] =	vst v25;
	v25 =	vld [tilespmem:s18+$0x880]  }
0x197: {  	[tilespmem:$0x1FD80] =	vst v3;
	v3 =	vld [tilespmem:s18+$0x10870]  }
0x198: {  	[tilespmem:$0x1FD30] =	vst v0;
	v0 =	vld [tilespmem:s18+$0x10920]  }
0x199: {  	v43 =	vld [tilespmem:s18+$0x10910]  }
0x19a: {  	v23 =	vld [tilespmem:s18+$0x920]  }
0x19b: {  	[tilespmem:$0x1FE20] =	vst v25;
	v25 =	vld [tilespmem:s18+$0x8880]  }
0x19c: {  	[tilespmem:$0x1FDC0] =	vst v3;
	v3 =	vld [tilespmem:s18+$0x108A0]  }
0x19d: {  	[tilespmem:$0x1FD40] =	vst v0;
	v0 =	vld [tilespmem:s18+$0x10940]  }
0x19e: {  	v7 =	vld [tilespmem:s18+$0x10830]  }
0x19f: {  	v40 =	vld [tilespmem:s18+$0x8E0]  }
0x1a0: {  	[tilespmem:$0x1FE30] =	vst v25;
	v25 =	vld [tilespmem:s18+$0x890]  }
0x1a1: {  	[tilespmem:$0x1FDD0] =	vst v3;
	v3 =	vld [tilespmem:s18+$0x8B0]  }
0x1a2: {  	[tilespmem:$0x1FD50] =	vst v0;
	v0 =	vld [tilespmem:s18+$0x8990]  }
0x1a3: {  	[tilespmem:$0x1FDE0] =	vst v7;
	v7 =	vld [tilespmem:s18+$0x10860]  }
0x1a4: {  	v4 =	vld [tilespmem:s18+$0x900]  }
0x1a5: {  	v17 =	vadd.f32 v17, v30;
	[tilespmem:$0x1FE70] =	vst v25;
	v25 =	vld [tilespmem:s18+$0x8890]  }
0x1a6: {  	v2 =	vadd.f32 v2, v36;
	[tilespmem:$0x1FD90] =	vst v3;
	v3 =	vld [tilespmem:s18+$0x88B0]  }
0x1a7: {  	v6 =	vld [tilespmem:s18+$0x910];
	v0 =	vadd.f32 v0, v1;
	v1 =	vsub.f32 v17, v33  }
0x1a8: {  	v5 =	vld [tilespmem:s18+$0x8910];
	v2 =	vsub.f32 v2, v11;
	[tilespmem:$0x1FE50] =	vst v7  }
0x1a9: {  	v11 =	vadd.f32 v12, v14;
	v7 =	vld [tilespmem:s18+$0x10880];
	[tilespmem:$0x1FCF0] =	vst v1;
	v0 =	vsub.f32 v0, v13  }
0x1aa: {  	v2 =	vand.u32 $0x7FFFFFFF, v2;
	v1 =	vadd.f32 v51, v47;
	[tilespmem:$0x1FE80] =	vst v25;
	v25 =	vld [tilespmem:s18+$0x107B0]  }
0x1ab: {  	v11 =	vsub.f32 v11, v45;
	v13 =	vadd.f32 v57, v56;
	v0 =	vand.u32 $0x7FFFFFFF, v0;
	[tilespmem:$0x1FDA0] =	vst v3;
	v3 =	vld [tilespmem:s18+$0x8900]  }
0x1ac: {  	v9 =	vld [tilespmem:s18+$0x8D0];
	v12 =	vsub.f32 v1, v42;
	v0 =	vadd.f32 v0, v2  }
0x1ad: {  	v8 =	vld [tilespmem:s18+$0x88D0];
	v11 =	vand.u32 $0x7FFFFFFF, v11;
	v2 =	vsub.f32 v13, v54;
	v13 =	vadd.f32 v16, v19  }
0x1ae: {  	v5 =	vadd.f32 v5, v6;
	[tilespmem:$0x1FE60] =	vst v7;
	v7 =	vld [tilespmem:s18+$0x8A0];
	v0 =	vadd.f32 v11, v0  }
0x1af: {  	v12 =	vand.u32 $0x7FFFFFFF, v12;
	v11 =	vsub.f32 v13, v60;
	v13 =	vadd.f32 v63, v62;
	[tilespmem:$0x1FF60] =	vst v25;
	v25 =	vld [tilespmem:s18+$0x107E0]  }
0x1b0: {  	v35 =	vld [tilespmem:s18+$0x88E0];
	v16 =	vadd.f32 v12, v0;
	v0 =	vadd.f32 v3, v4  }
0x1b1: {  	v10 =	vld [tilespmem:s18+$0x8C0]  }
0x1b2: {  	v5 =	vsub.f32 v5, v43;
	[tilespmem:$0x1FD20] =	vst v13;
	v13 =	vld [tilespmem:$0x1FD30];
	v12 =	vsub.f32 v0, v39  }
0x1b3: {  	[tilespmem:$0x1FDB0] =	vst v7;
	v7 =	vld [tilespmem:s18+$0x88C0]  }
0x1b4: {  	v8 =	vadd.f32 v8, v9;
	v5 =	vand.u32 $0x7FFFFFFF, v5;
	v9 =	vand.u32 $0x7FFFFFFF, v12;
	[tilespmem:$0x1FF70] =	vst v25;
	v25 =	vld [tilespmem:s18+$0x7F0]  }
0x1b5: {  	v4 =	vadd.f32 v24, v32;
	v5 =	vadd.f32 v5, v9;
	v9 =	vld [tilespmem:$0x1FD60]  }
0x1b6: {  	v21 =	vld [tilespmem:s18+$0x8920]  }
0x1b7: {  	v4 =	vsub.f32 v4, v13;
	v13 =	vld [tilespmem:$0x1FD40]  }
0x1b8: {  	v7 =	vadd.f32 v7, v10;
	v10 =	vadd.f32 v35, v40;
	v12 =	vld [tilespmem:$0x1FD80]  }
0x1b9: {  	[tilespmem:$0x1FED0] =	vst v25;
	v25 =	vld [tilespmem:s18+$0x87F0]  }
0x1ba: {  	v9 =	vsub.f32 v10, v9;
	v10 =	vld [tilespmem:$0x1FD70]  }
0x1bb: {  	v15 =	vld [tilespmem:s18+$0x8960]  }
0x1bc: {  	v44 =	vld [tilespmem:s18+$0x108C0];
	v6 =	vadd.f32 v21, v23  }
0x1bd: {  	v46 =	vld [tilespmem:s18+$0x108D0]  }
0x1be: {  	v13 =	vsub.f32 v6, v13;
	[tilespmem:$0x1FEE0] =	vst v25;
	v25 =	vld [tilespmem:s18+$0x10800]  }
0x1bf: {  	v40 =	vadd.f32 v12, v10;
	v12 =	vld [tilespmem:$0x1FD90]  }
0x1c0: {  	v10 =	vand.u32 $0x7FFFFFFF, v13;
	v13 =	vld [tilespmem:$0x1FDA0]  }
0x1c1: {  	v52 =	vld [tilespmem:s18+$0x870]  }
0x1c2: {  	v50 =	vld [tilespmem:s18+$0x8870];
	v8 =	vsub.f32 v8, v46  }
0x1c3: {  	v7 =	vsub.f32 v7, v44;
	[tilespmem:$0x1FEB0] =	vst v25;
	v25 =	vld [tilespmem:s18+$0x10810]  }
0x1c4: {  	v29 =	vld [tilespmem:s18+$0x940];
	v8 =	vand.u32 $0x7FFFFFFF, v8  }
0x1c5: {  	v7 =	vand.u32 $0x7FFFFFFF, v7;
	v5 =	vadd.f32 v10, v5;
	v45 =	vadd.f32 v13, v12;
	v12 =	vld [tilespmem:$0x1FDC0]  }
0x1c6: {  	v53 =	vld [tilespmem:s18+$0x88A0];
	v7 =	vadd.f32 v8, v7;
	v8 =	vand.u32 $0x7FFFFFFF, v11  }
0x1c7: {  	v39 =	vadd.f32 v8, v5;
	v8 =	vld [tilespmem:$0x1FDB0]  }
0x1c8: {  	v11 =	vadd.f32 v50, v52;
	[tilespmem:$0x1FEC0] =	vst v25;
	v25 =	vld [tilespmem:s18+$0x820]  }
0x1c9: {  	v22 =	vld [tilespmem:s18+$0x8940]  }
0x1ca: {  	v13 =	vsub.f32 v11, v12;
	v11 =	vld [tilespmem:$0x1FDD0]  }
0x1cb: {  	v49 =	vld [tilespmem:s18+$0x830]  }
0x1cc: {  	v48 =	vld [tilespmem:s18+$0x8830]  }
0x1cd: {  	v8 =	vadd.f32 v53, v8;
	[tilespmem:$0x1FE90] =	vst v25;
	v25 =	vld [tilespmem:s18+$0x8820]  }
0x1ce: {  	v5 =	vand.u32 $0x7FFFFFFF, v9;
	v12 =	vld [tilespmem:$0x1FE00]  }
0x1cf: {  	v5 =	vadd.f32 v5, v7;
	v60 =	vsub.f32 v8, v11;
	v8 =	vld [tilespmem:$0x1FDF0]  }
0x1d0: {  	v28 =	vld [tilespmem:s18+$0x840];
	v4 =	vand.u32 $0x7FFFFFFF, v4  }
0x1d1: {  	v21 =	vadd.f32 v4, v5;
	v5 =	vld [tilespmem:$0x1FDE0]  }
0x1d2: {  	[tilespmem:$0x1FEA0] =	vst v25;
	v25 =	vld [tilespmem:s18+$0x8840]  }
0x1d3: {  	v31 =	vld [tilespmem:s18+$0x850]  }
0x1d4: {  	v12 =	vadd.f32 v12, v8;
	v8 =	vld [tilespmem:$0x1FE10]  }
0x1d5: {  	v27 =	vld [tilespmem:s18+$0x8850];
	v7 =	vadd.f32 v48, v49  }
0x1d6: {  	v38 =	vld [tilespmem:s18+$0x10770]  }
0x1d7: {  	v41 =	vld [tilespmem:s18+$0x107A0];
	v5 =	vsub.f32 v7, v5;
	v7 =	vadd.f32 v25, v28  }
0x1d8: {  	v19 =	vld [tilespmem:$0x1FE30]  }
0x1d9: {  	v7 =	vsub.f32 v7, v8;
	v8 =	vld [tilespmem:$0x1FE20]  }
0x1da: {  	v55 =	vld [tilespmem:s18+$0x7B0]  }
0x1db: {  	v37 =	vld [tilespmem:s18+$0x87B0]  }
0x1dc: {  	v34 =	vld [tilespmem:s18+$0x8810]  }
0x1dd: {  	[tilespmem:$0x1FF80] =	vst v38;
	v38 =	vld [tilespmem:s18+$0x107C0]  }
0x1de: {  	v19 =	vadd.f32 v19, v8;
	v8 =	vld [tilespmem:$0x1FE40]  }
0x1df: {  	[tilespmem:$0x1FFB0] =	vst v41;
	v41 =	vld [tilespmem:s18+$0x7E0]  }
0x1e0: {  	[tilespmem:$0x1FF00] =	vst v55;
	v55 =	vld [tilespmem:s18+$0x87E0]  }
0x1e1: {  	[tilespmem:$0x1FF10] =	vst v37;
	v37 =	vld [tilespmem:s18+$0x8800];
	v11 =	vadd.f32 v27, v31  }
0x1e2: {  	v30 =	vld [tilespmem:s18+$0x7C0]  }
0x1e3: {  	v31 =	vsub.f32 v11, v8;
	v8 =	vld [tilespmem:$0x1FE50]  }
0x1e4: {  	v36 =	vld [tilespmem:s18+$0x87C0]  }
0x1e5: {  	[tilespmem:$0x1FF30] =	vst v55;
	v55 =	vld [tilespmem:s18+$0x10760]  }
0x1e6: {  	v18 =	vadd.f32 v26, v18;
	v26 =	vld [tilespmem:s18+$0x730]  }
0x1e7: {  	v23 =	vld [tilespmem:s18+$0x8780]  }
0x1e8: {  	v57 =	vsub.f32 v12, v8;
	v8 =	vld [tilespmem:$0x1FE60]  }
0x1e9: {  	[tilespmem:$0x1FF20] =	vst v41;
	v41 =	vld [tilespmem:s18+$0x800]  }
0x1ea: {  	[tilespmem:$0x1FFF0] =	vst v55;
	v55 =	vld [tilespmem:s18+$0x770];
	v7 =	vand.u32 $0x7FFFFFFF, v7;
	v31 =	vand.u32 $0x7FFFFFFF, v31  }
0x1eb: {  	v31 =	vadd.f32 v31, v7;
	v7 =	vld [tilespmem:$0x1FEB0]  }
0x1ec: {  	v12 =	vld [tilespmem:$0x1FE80]  }
0x1ed: {  	v11 =	vsub.f32 v19, v8;
	v8 =	vld [tilespmem:$0x1FE70]  }
0x1ee: {  	[tilespmem:$0x1FFC0] =	vst v38;
	v38 =	vld [tilespmem:s18+$0x810]  }
0x1ef: {  	[tilespmem:$0x1FF40] =	vst v55;
	v55 =	vld [tilespmem:s18+$0x8770];
	v19 =	vadd.f32 v37, v41  }
0x1f0: {  	v14 =	vadd.f32 v59, v58;
	v58 =	vld [tilespmem:$0x1FEA0]  }
0x1f1: {  	v19 =	vsub.f32 v19, v7;
	v7 =	vld [tilespmem:$0x1FEC0]  }
0x1f2: {  	v12 =	vadd.f32 v12, v8;
	v8 =	vld [tilespmem:$0x1FE90]  }
0x1f3: {  	[tilespmem:$0x1FCE0] =	vst v18;
	v18 =	vld [tilespmem:s18+$0x87D0]  }
0x1f4: {  	v43 =	vld [tilespmem:s18+$0x750];
	v34 =	vadd.f32 v34, v38  }
0x1f5: {  	[tilespmem:$0x1FF50] =	vst v55;
	v55 =	vld [tilespmem:s18+$0x10780]  }
0x1f6: {  	v34 =	vsub.f32 v34, v7;
	v7 =	vld [tilespmem:$0x1FED0]  }
0x1f7: {  	v38 =	vadd.f32 v58, v8;
	v8 =	vld [tilespmem:$0x1FEE0]  }
0x1f8: {  	[tilespmem:$0x1FD10] =	vst v14;
	v14 =	vadd.f32 v15, v20;
	v20 =	vld [tilespmem:s18+$0x760]  }
0x1f9: {  	v15 =	vld [tilespmem:s18+$0x780]  }
0x1fa: {  	[tilespmem:$0x1FFD0] =	vst v55;
	v55 =	vld [tilespmem:s18+$0x10790]  }
0x1fb: {  	v30 =	vadd.f32 v36, v30;
	v36 =	vld [tilespmem:s18+$0x8670]  }
0x1fc: {  	v8 =	vadd.f32 v8, v7;
	v7 =	vld [tilespmem:$0x1FEF0]  }
0x1fd: {  	v61 =	vsub.f32 v14, v61;
	v14 =	vld [tilespmem:s18+$0x10700];
	v44 =	vand.u32 $0x7FFFFFFF, v57  }
0x1fe: {  	v17 =	vld [tilespmem:s18+$0x7D0];
	v31 =	vadd.f32 v44, v31  }
0x1ff: {  	[tilespmem:$0x1FFE0] =	vst v55;
	v55 =	vld [tilespmem:s18+$0x7A0];
	v13 =	vand.u32 $0x7FFFFFFF, v13  }
0x200: {  	v31 =	vadd.f32 v13, v31;
	v13 =	vld [tilespmem:$0x1FF10]  }
0x201: {  	v38 =	vsub.f32 v38, v7;
	v7 =	vld [tilespmem:$0x1FF00]  }
0x202: {  	v33 =	vld [tilespmem:s18+$0x10720]  }
0x203: {  	v47 =	vld [tilespmem:s18+$0x10740]  }
0x204: {  	[tilespmem:$0x1FF90] =	vst v55;
	v55 =	vld [tilespmem:s18+$0x87A0];
	v19 =	vand.u32 $0x7FFFFFFF, v19;
	v34 =	vand.u32 $0x7FFFFFFF, v34  }
0x205: {  	v34 =	vadd.f32 v34, v19;
	v19 =	vld [tilespmem:$0x1FF30]  }
0x206: {  	v13 =	vadd.f32 v13, v7;
	v7 =	vld [tilespmem:$0x1FF20]  }
0x207: {  	v51 =	vld [tilespmem:s18+$0x10750]  }
0x208: {  	v1 =	vld [tilespmem:s18+$0x106F0]  }
0x209: {  	v42 =	vld [tilespmem:s18+$0x8740]  }
0x20a: {  	v59 =	vld [tilespmem:$0x1FF50]  }
0x20b: {  	[tilespmem:$0x1FFA0] =	vst v55;
	v55 =	vadd.f32 v19, v7;
	v7 =	vld [tilespmem:$0x1FF40]  }
0x20c: {  	v35 =	vld [tilespmem:s18+$0x8720]  }
0x20d: {  	[tilespmem:$0x1FD00] =	vst v2;
	v2 =	vld [tilespmem:s18+$0x8730]  }
0x20e: {  	v54 =	vld [tilespmem:s18+$0x8710]  }
0x20f: {  	v50 =	vld [tilespmem:s18+$0x86E0]  }
0x210: {  	v63 =	vadd.f32 v59, v7;
	v7 =	vld [tilespmem:$0x1FF60]  }
0x211: {  	v52 =	vld [tilespmem:s18+$0x700]  }
0x212: {  	v17 =	vadd.f32 v18, v17;
	v18 =	vadd.f32 v2, v26;
	v26 =	vld [tilespmem:s18+$0x86D0]  }
0x213: {  	v3 =	vld [tilespmem:s18+$0x8760]  }
0x214: {  	v24 =	vld [tilespmem:s18+$0x8790]  }
0x215: {  	v57 =	vsub.f32 v13, v7;
	v7 =	vld [tilespmem:$0x1FF70]  }
0x216: {  	v0 =	vadd.f32 v22, v29;
	v22 =	vld [tilespmem:s18+$0x790]  }
0x217: {  	v32 =	vld [tilespmem:s18+$0x86F0]  }
0x218: {  	v6 =	vld [tilespmem:$0x1FD50]  }
0x219: {  	v29 =	vld [tilespmem:s18+$0x6F0]  }
0x21a: {  	v13 =	vsub.f32 v55, v7;
	v7 =	vld [tilespmem:$0x1FF80]  }
0x21b: {  	v46 =	vadd.f32 v24, v22;
	v22 =	vld [tilespmem:s18+$0x10680];
	v38 =	vand.u32 $0x7FFFFFFF, v38  }
0x21c: {  	v24 =	vld [tilespmem:s18+$0x10690];
	v34 =	vadd.f32 v38, v34  }
0x21d: {  	v62 =	vsub.f32 v0, v6;
	v0 =	vld [tilespmem:s18+$0x106B0];
	v5 =	vand.u32 $0x7FFFFFFF, v5  }
0x21e: {  	v34 =	vadd.f32 v5, v34;
	v5 =	vld [tilespmem:$0x1FF90]  }
0x21f: {  	v56 =	vsub.f32 v63, v7;
	v7 =	vld [tilespmem:$0x1FFA0]  }
0x220: {  	v6 =	vld [tilespmem:s18+$0x106E0]  }
0x221: {  	v10 =	vld [tilespmem:s18+$0x720]  }
0x222: {  	v9 =	vld [tilespmem:s18+$0x740]  }
0x223: {  	v4 =	vld [tilespmem:s18+$0x8750]  }
0x224: {  	v5 =	vadd.f32 v7, v5;
	v7 =	vld [tilespmem:$0x1FFB0]  }
0x225: {  	v48 =	vld [tilespmem:s18+$0x86B0]  }
0x226: {  	v49 =	vld [tilespmem:s18+$0x106C0]  }
0x227: {  	v53 =	vld [tilespmem:s18+$0x710]  }
0x228: {  	v9 =	vadd.f32 v42, v9;
	v42 =	vld [tilespmem:s18+$0x86A0]  }
0x229: {  	v4 =	vadd.f32 v4, v43;
	v5 =	vsub.f32 v5, v7;
	v7 =	vld [tilespmem:$0x1FFC0]  }
0x22a: {  	v43 =	vld [tilespmem:s18+$0x6C0]  }
0x22b: {  	v4 =	vsub.f32 v4, v51;
	v51 =	vld [tilespmem:s18+$0x620]  }
0x22c: {  	v27 =	vld [tilespmem:s18+$0x6B0]  }
0x22d: {  	v25 =	vld [tilespmem:s18+$0x10630]  }
0x22e: {  	v23 =	vadd.f32 v23, v15;
	v15 =	vsub.f32 v30, v7;
	v7 =	vld [tilespmem:$0x1FFD0]  }
0x22f: {  	v28 =	vld [tilespmem:s18+$0x106A0]  }
0x230: {  	v44 =	vld [tilespmem:s18+$0x8700]  }
0x231: {  	v37 =	vld [tilespmem:s18+$0x106D0]  }
0x232: {  	v41 =	vld [tilespmem:s18+$0x6E0]  }
0x233: {  	v23 =	vsub.f32 v23, v7;
	v7 =	vld [tilespmem:$0x1FFE0]  }
0x234: {  	(xrf2) =	vadd.scan.msk.f32 $0xffff, v16;
	v59 =	vld [tilespmem:s18+$0x6A0]  }
0x235: {  	(xrf2) =	vadd.scan.msk.f32 $0xffff, v39;
	v63 =	vld [tilespmem:s18+$0x86C0]  }
0x236: {  	v3 =	vadd.f32 v3, v20;
	(xrf2) =	vadd.scan.msk.f32 $0xffff, v21;
	v20 =	vand.u32 $0x7FFFFFFF, v23;
	v23 =	vld [tilespmem:s18+$0x6D0]  }
0x237: {  	(xrf2) =	vadd.scan.msk.f32 $0xffff, v31;
	v31 =	vld [tilespmem:s18+$0x650]  }
0x238: {  	v9 =	vsub.f32 v9, v47;
	v30 =	vsub.f32 v46, v7;
	v7 =	vld [tilespmem:$0x1FFF0]  }
0x239: {  	v58 =	vld [tilespmem:s18+$0x670]  }
0x23a: {  	v10 =	vadd.f32 v35, v10;
	v9 =	vand.u32 $0x7FFFFFFF, v9;
	v38 =	vld [tilespmem:s18+$0x630];
	v16 =	vadd.f32 v63, v43  }
0x23b: {  	v19 =	vld [tilespmem:s18+$0x10620];
	v63 =	vadd.f32 v42, v59;
	v2 =	vand.u32 $0x7FFFFFFF, v30;
	v23 =	vadd.f32 v26, v23  }
0x23c: {  	v4 =	vand.u32 $0x7FFFFFFF, v4;
	v55 =	vld [tilespmem:s18+$0x8630];
	v26 =	vadd.f32 v50, v41;
	v2 =	vadd.f32 v2, v20  }
0x23d: {  	v5 =	vand.u32 $0x7FFFFFFF, v5;
	v50 =	vld [tilespmem:s18+$0x8680];
	v20 =	vadd.f32 v4, v9;
	v3 =	vsub.f32 v3, v7  }
0x23e: {  	v9 =	vld [tilespmem:s18+$0x10600];
	v2 =	vadd.f32 v5, v2;
	v5 =	vadd.f32 v32, v29  }
0x23f: {  	v16 =	vsub.f32 v16, v49;
	v4 =	vld [tilespmem:s18+$0x10610];
	v23 =	vsub.f32 v23, v37;
	v29 =	vand.u32 $0x7FFFFFFF, v57  }
0x240: {  	v57 =	vld [tilespmem:s18+$0x8620];
	v32 =	vsub.f32 v63, v28;
	v3 =	vand.u32 $0x7FFFFFFF, v3;
	v46 =	vsub.f32 v5, v1  }
0x241: {  	v28 =	vld [tilespmem:s18+$0x8640];
	v30 =	vadd.f32 v3, v20;
	v20 =	vsub.f32 v10, v33  }
0x242: {  	v1 =	vand.u32 $0x7FFFFFFF, v56;
	v56 =	vld [tilespmem:s18+$0x8690];
	v10 =	vadd.f32 v48, v27;
	v27 =	vadd.f32 v44, v52  }
0x243: {  	v26 =	vsub.f32 v26, v6;
	v6 =	vand.u32 $0x7FFFFFFF, v16;
	v2 =	vadd.f32 v29, v2;
	v29 =	vld [tilespmem:s18+$0x600]  }
0x244: {  	v48 =	vld [tilespmem:s18+$0x680];
	v10 =	vsub.f32 v10, v0;
	v0 =	vsub.f32 v27, v14;
	v14 =	vand.u32 $0x7FFFFFFF, v23  }
0x245: {  	v16 =	vadd.f32 v55, v38;
	v52 =	vld [tilespmem:s18+$0x690];
	v14 =	vadd.f32 v14, v6  }
0x246: {  	v26 =	vand.u32 $0x7FFFFFFF, v26;
	v33 =	vld [tilespmem:s18+$0x8610]  }
0x247: {  	v27 =	vld [tilespmem:s18+$0x8600];
	v23 =	vsub.f32 v16, v25;
	v16 =	vadd.f32 v26, v14  }
0x248: {  	v1 =	vadd.f32 v1, v30;
	v30 =	vld [tilespmem:s18+$0x610]  }
0x249: {  	v21 =	vadd.f32 v36, v58;
	v5 =	vld [tilespmem:s18+$0x8660];
	v6 =	vadd.f32 v54, v53  }
0x24a: {  	v3 =	vld [tilespmem:s18+$0x660];
	v25 =	vand.u32 $0x7FFFFFFF, v46;
	v35 =	vadd.f32 v50, v48;
	v36 =	vadd.f32 v56, v52;
	v14, _, _ =	vpop (xrf2)  }
0x24b: {  	s19 =	simm.s32 $0x18600;
	s20 =	simm.s32 $0x2000;
	v26 =	vld [tilespmem:s18+$0x640];
	v25 =	vadd.f32 v25, v16;
	(xrf2) =	vadd.scan.msk.f32 $0xffff, v34;
	v34 =	vadd.f32 v57, v51;
	v16, _, _ =	vpop (xrf2)  }
.LBB2_2:
0x24c: {  	v27 =	vadd.f32 v27, v29  }
0x24d: {  	v29 =	vld [tilespmem:s18+$0x8650];
	v22 =	vsub.f32 v35, v22;
	v30 =	vadd.f32 v33, v30  }
0x24e: {  	v63 =	vld [tilespmem:s18+$0x10640];
	v24 =	vsub.f32 v36, v24;
	v19 =	vsub.f32 v34, v19  }
0x24f: {  	v3 =	vadd.f32 v5, v3;
	v9 =	vsub.f32 v27, v9;
	v27 =	vld [tilespmem:s18+$0x10650]  }
0x250: {  	v4 =	vsub.f32 v30, v4;
	v30 =	vld [tilespmem:s18+$0x10660];
	v22 =	vand.u32 $0x7FFFFFFF, v22;
	v24 =	vand.u32 $0x7FFFFFFF, v24  }
0x251: {  	(xrf2) =	vadd.scan.msk.f32 $0xffff, v2;
	v32 =	vand.u32 $0x7FFFFFFF, v32;
	v5 =	vadd.f32 v24, v22;
	v22 =	vadd.f32 v28, v26  }
0x252: {  	v26 =	vld [tilespmem:s18+$0x10710];
	v9 =	vand.u32 $0x7FFFFFFF, v9;
	v4 =	vand.u32 $0x7FFFFFFF, v4;
	v24 =	vadd.f32 v29, v31  }
0x253: {  	v4 =	vadd.f32 v4, v9;
	v9 =	vld [tilespmem:s18+$0x10670];
	v5 =	vadd.f32 v32, v5  }
0x254: {  	v10 =	vand.u32 $0x7FFFFFFF, v10;
	v2, _, _ =	vpop (xrf2);
	(xrf2) =	vadd.scan.msk.f32 $0xffff, v1;
	v22 =	vsub.f32 v22, v63;
	v24 =	vsub.f32 v24, v27  }
0x255: {  	v19 =	vand.u32 $0x7FFFFFFF, v19;
	v3 =	vsub.f32 v3, v30;
	v5 =	vadd.f32 v10, v5;
	v10 =	vld [tilespmem:s18+$0x107D0]  }
0x256: {  	v4 =	vadd.f32 v19, v4;
	v19 =	vand.u32 $0x7FFFFFFF, v22;
	v22 =	vand.u32 $0x7FFFFFFF, v24;
	v24 =	vld [tilespmem:s18+$0x10730]  }
0x257: {  	v23 =	vand.u32 $0x7FFFFFFF, v23;
	v1, _, _ =	vpop (xrf2);
	(xrf2) =	vadd.scan.msk.f32 $0xffff, v25;
	v6 =	vsub.f32 v6, v26;
	v19 =	vadd.f32 v22, v19  }
0x258: {  	v0 =	vand.u32 $0x7FFFFFFF, v0;
	v25, _, _ =	vpop (xrf2);
	(xrf2) =	vadd.scan.msk.f32 $0xffff, v5;
	v3 =	vand.u32 $0x7FFFFFFF, v3;
	v5 =	vsub.f32 v21, v9;
	v9 =	vld [tilespmem:s18+$0x10890]  }
0x259: {  	v4 =	vadd.f32 v23, v4;
	v6 =	vand.u32 $0x7FFFFFFF, v6;
	v3 =	vadd.f32 v3, v19;
	v19 =	vld [tilespmem:s18+$0x107F0]  }
0x25a: {  	v0 =	vadd.f32 v6, v0;
	v5 =	vand.u32 $0x7FFFFFFF, v5;
	v6 =	vsub.f32 v17, v10  }
0x25b: {  	v21, _, _ =	vpop (xrf2);
	(xrf2) =	vadd.scan.msk.f32 $0xffff, v4;
	v4 =	vand.u32 $0x7FFFFFFF, v20;
	v10 =	vld [tilespmem:s18+$0x10950];
	v3 =	vadd.f32 v5, v3;
	v5 =	vsub.f32 v18, v24  }
0x25c: {  	v0 =	vadd.f32 v4, v0;
	v4 =	vand.u32 $0x7FFFFFFF, v15;
	v15 =	vld [tilespmem:s18+$0x108B0];
	v6 =	vand.u32 $0x7FFFFFFF, v6  }
0x25d: {  	v4 =	vadd.f32 v6, v4;
	v6 =	vsub.f32 v12, v9;
	v5 =	vand.u32 $0x7FFFFFFF, v5  }
0x25e: {  	v17, _, _ =	vpop (xrf2);
	(xrf2) =	vadd.scan.msk.f32 $0xffff, v3;
	v3 =	vand.u32 $0x7FFFFFFF, v13;
	v0 =	vadd.f32 v5, v0;
	v5 =	vsub.f32 v8, v19  }
0x25f: {  	v3 =	vadd.f32 v3, v4;
	v4 =	vand.u32 $0x7FFFFFFF, v11;
	v6 =	vand.u32 $0x7FFFFFFF, v6  }
0x260: {  	v4 =	vadd.f32 v6, v4;
	v6 =	vsub.f32 v40, v10;
	v5 =	vand.u32 $0x7FFFFFFF, v5  }
0x261: {  	v9, _, _ =	vpop (xrf2);
	(xrf2) =	vadd.scan.msk.f32 $0xffff, v0;
	v0 =	vadd.f32 v5, v3;
	v3 =	vand.u32 $0x7FFFFFFF, v60;
	v5 =	vsub.f32 v45, v15  }
0x262: {  	v6 =	vand.u32 $0x7FFFFFFF, v6;
	v3 =	vadd.f32 v3, v4;
	v4 =	vand.u32 $0x7FFFFFFF, v62  }
0x263: {  	v7 =	vld [tilespmem:s18+$0x109D0];
	v5 =	vand.u32 $0x7FFFFFFF, v5;
	v4 =	vadd.f32 v6, v4  }
0x264: {  	v10 =	vld [tilespmem:s18+$0x109E0];
	v8, _, _ =	vpop (xrf2);
	(xrf2) =	vadd.scan.msk.f32 $0xffff, v0;
	v0 =	vadd.f32 v5, v3;
	v3 =	vand.u32 $0x7FFFFFFF, v61  }
0x265: {  	v3 =	vadd.f32 v3, v4;
	v4 =	vld [tilespmem:$0x1FCE0]  }
0x266: {  	v11 =	vld [tilespmem:s18+$0x10970]  }
0x267: {  	v6 =	vld [tilespmem:$0x1FD10]  }
0x268: {  	v5 =	vld [tilespmem:$0x1FD20];
	_ =	sdelay $0x1  }
0x269: {  	v4 =	vsub.f32 v4, v10;
	v10 =	vld [tilespmem:$0x1FD00];
	_ =	sdelay $0x1  }
0x26a: {  	v6 =	vsub.f32 v6, v7  }
0x26b: {  	v7, _, _ =	vpop (xrf2);
	v12 =	vsub.f32 v5, v11  }
0x26c: {  	v5, _, _ =	vpop (xrf2);
	v6 =	vand.u32 $0x7FFFFFFF, v6  }
0x26d: {  	v5 =	vbroadcast v5, $0xF;
	v11 =	vand.u32 $0x7FFFFFFF, v12;
	v10 =	vand.u32 $0x7FFFFFFF, v10  }
0x26e: {  	(xrf2) =	vadd.scan.msk.f32 $0xffff, v0;
	v0 =	vadd.f32 v11, v3;
	v3 =	vadd.f32 v6, v10;
	v10 =	vbroadcast v7, $0xF;
	_ =	sdelay $0x1  }
0x26f: {  	(xrf2) =	vadd.scan.msk.f32 $0xffff, v0;
	v0 =	vsel vm0, v10, v5;
	v5 =	vld [tilespmem:$0x1FCF0];
	_ =	sdelay $0x2  }
0x270: {  	v4 =	vand.u32 $0x7FFFFFFF, v4  }
0x271: {  	v7 =	vbroadcast v8, $0xF;
	v3 =	vadd.f32 v4, v3  }
0x272: {  	v6, _, _ =	vpop (xrf2);
	v4 =	vbroadcast v9, $0xF;
	v5 =	vand.u32 $0x7FFFFFFF, v5  }
0x273: {  	v0 =	vsel vm1, v0, v7;
	v7 =	vbroadcast v6, $0xF;
	v3 =	vadd.f32 v5, v3  }
0x274: {  	v0 =	vsel vm2, v0, v4;
	v4 =	vbroadcast v17, $0xF  }
0x275: {  	v6, _, _ =	vpop (xrf2);
	v0 =	vsel vm3, v0, v7;
	v5 =	vbroadcast v21, $0xF;
	(xrf2) =	vadd.scan.msk.f32 $0xffff, v3  }
0x276: {  	v6 =	vbroadcast v6, $0xF;
	v0 =	vsel vm4, v0, v4  }
0x277: {  	v4 =	vbroadcast v25, $0xF;
	v0 =	vsel vm5, v0, v5  }
0x278: {  	v1 =	vbroadcast v1, $0xF;
	v0 =	vsel vm6, v0, v6;
	v3, _, _ =	vpop (xrf2)  }
0x279: {  	v0 =	vsel vm7, v0, v4;
	v4 =	vbroadcast v3, $0xF  }
0x27a: {  	v0 =	vsel vm8, v0, v1;
	v1 =	vbroadcast v2, $0xF  }
0x27b: {  	v2 =	vbroadcast v16, $0xF;
	v3, _, _ =	vpop (xrf2);
	v0 =	vsel vm9, v0, v4  }
0x27c: {  	v3 =	vbroadcast v3, $0xF;
	v0 =	vsel vm10, v0, v1  }
0x27d: {  	v0 =	vsel vm11, v0, v2;
	v2 =	vbroadcast v14, $0xF  }
0x27e: {  	v0 =	vsel vm12, v0, v3  }
0x27f: {  	v0 =	vsel vm13, v0, v2;
	v1, _, _ =	vpop (xrf2)  }
0x280: {  	s19 =	sadd.s32 $0x10, s19;
	v0 =	vsel vm14, v0, v1  }
0x281: {  	s18 =	sshra.s32 s20, $0x2;
	[tilespmem:s19+$0x0] =	vst v0  }
0x282: {  	v0 =	vld [tilespmem:s18+$0x109F0];
	_ =	sdelay $0x4  }
0x283: {  	[tilespmem:$0x1F6B0] =	vst v0;
	v0 =	vld [tilespmem:s18+$0x9F0];
	_ =	sdelay $0x4  }
0x284: {  	[tilespmem:$0x1F680] =	vst v0;
	v0 =	vld [tilespmem:s18+$0x109B0];
	_ =	sdelay $0x4  }
0x285: {  	[tilespmem:$0x1F6E0] =	vst v0;
	v0 =	vld [tilespmem:s18+$0x109C0];
	_ =	sdelay $0x4  }
0x286: {  	[tilespmem:$0x1F720] =	vst v0;
	v0 =	vld [tilespmem:s18+$0x9E0];
	_ =	sdelay $0x4  }
0x287: {  	[tilespmem:$0x1F690] =	vst v0;
	v0 =	vld [tilespmem:s18+$0x89E0];
	_ =	sdelay $0x4  }
0x288: {  	[tilespmem:$0x1F6A0] =	vst v0;
	v0 =	vld [tilespmem:s18+$0x109A0];
	_ =	sdelay $0x4  }
0x289: {  	[tilespmem:$0x1F710] =	vst v0;
	v0 =	vld [tilespmem:s18+$0x9B0];
	_ =	sdelay $0x4  }
0x28a: {  	[tilespmem:$0x1F6C0] =	vst v0;
	v0 =	vld [tilespmem:s18+$0x89B0];
	_ =	sdelay $0x4  }
0x28b: {  	[tilespmem:$0x1F6D0] =	vst v0;
	v0 =	vld [tilespmem:s18+$0x9C0];
	_ =	sdelay $0x4  }
0x28c: {  	[tilespmem:$0x1F6F0] =	vst v0;
	v0 =	vld [tilespmem:s18+$0x89C0];
	_ =	sdelay $0x4  }
0x28d: {  	[tilespmem:$0x1F700] =	vst v0;
	v0 =	vld [tilespmem:s18+$0x9D0];
	_ =	sdelay $0x4  }
0x28e: {  	[tilespmem:$0x1F740] =	vst v0;
	v0 =	vld [tilespmem:s18+$0x89D0];
	_ =	sdelay $0x4  }
0x28f: {  	[tilespmem:$0x1F750] =	vst v0;
	v0 =	vld [tilespmem:s18+$0x10930];
	_ =	sdelay $0x4  }
0x290: {  	[tilespmem:$0x1F760] =	vst v0;
	v0 =	vld [tilespmem:s18+$0x970];
	_ =	sdelay $0x4  }
0x291: {  	[tilespmem:$0x1F770] =	vst v0;
	v0 =	vld [tilespmem:s18+$0x8970];
	_ =	sdelay $0x4  }
0x292: {  	[tilespmem:$0x1F780] =	vst v0;
	v0 =	vld [tilespmem:s18+$0x108F0];
	_ =	sdelay $0x4  }
0x293: {  	[tilespmem:$0x1F7A0] =	vst v0;
	v0 =	vld [tilespmem:s18+$0x10920];
	_ =	sdelay $0x4  }
0x294: {  	[tilespmem:$0x1F7C0] =	vst v0;
	v0 =	vld [tilespmem:s18+$0x930];
	_ =	sdelay $0x4  }
0x295: {  	[tilespmem:$0x1F730] =	vst v0;
	v0 =	vld [tilespmem:s18+$0x10940];
	_ =	sdelay $0x4  }
0x296: {  	[tilespmem:$0x1F7D0] =	vst v0;
	v0 =	vld [tilespmem:s18+$0x108E0];
	_ =	sdelay $0x4  }
0x297: {  	[tilespmem:$0x1F7F0] =	vst v0;
	v0 =	vld [tilespmem:s18+$0x10900];
	_ =	sdelay $0x4  }
0x298: {  	[tilespmem:$0x1F790] =	vst v0;
	v0 =	vld [tilespmem:s18+$0x10910];
	_ =	sdelay $0x4  }
0x299: {  	[tilespmem:$0x1F7B0] =	vst v0;
	v0 =	vld [tilespmem:s18+$0x950];
	_ =	sdelay $0x4  }
0x29a: {  	[tilespmem:$0x1F800] =	vst v0;
	v0 =	vld [tilespmem:s18+$0x8950];
	_ =	sdelay $0x4  }
0x29b: {  	[tilespmem:$0x1F810] =	vst v0;
	v0 =	vld [tilespmem:s18+$0x10870];
	_ =	sdelay $0x4  }
0x29c: {  	[tilespmem:$0x1F840] =	vst v0;
	v0 =	vld [tilespmem:s18+$0x108A0];
	_ =	sdelay $0x4  }
0x29d: {  	[tilespmem:$0x1F850] =	vst v0;
	v0 =	vld [tilespmem:s18+$0x8B0];
	_ =	sdelay $0x4  }
0x29e: {  	[tilespmem:$0x1F820] =	vst v0;
	v0 =	vld [tilespmem:s18+$0x88B0];
	_ =	sdelay $0x4  }
0x29f: {  	[tilespmem:$0x1F830] =	vst v0;
	v0 =	vld [tilespmem:s18+$0x108C0];
	_ =	sdelay $0x4  }
0x2a0: {  	[tilespmem:$0x1F7E0] =	vst v0;
	v0 =	vld [tilespmem:s18+$0x10830];
	_ =	sdelay $0x4  }
0x2a1: {  	[tilespmem:$0x1F860] =	vst v0;
	v0 =	vld [tilespmem:s18+$0x10860];
	_ =	sdelay $0x4  }
0x2a2: {  	[tilespmem:$0x1F890] =	vst v0;
	v0 =	vld [tilespmem:s18+$0x10880];
	_ =	sdelay $0x4  }
0x2a3: {  	[tilespmem:$0x1F8A0] =	vst v0;
	v0 =	vld [tilespmem:s18+$0x10820];
	_ =	sdelay $0x4  }
0x2a4: {  	[tilespmem:$0x1F8F0] =	vst v0;
	v0 =	vld [tilespmem:s18+$0x10840];
	_ =	sdelay $0x4  }
0x2a5: {  	[tilespmem:$0x1F870] =	vst v0;
	v0 =	vld [tilespmem:s18+$0x10850];
	_ =	sdelay $0x4  }
0x2a6: {  	[tilespmem:$0x1F880] =	vst v0;
	v0 =	vld [tilespmem:s18+$0x890];
	_ =	sdelay $0x4  }
0x2a7: {  	[tilespmem:$0x1F8B0] =	vst v0;
	v0 =	vld [tilespmem:s18+$0x107B0];
	_ =	sdelay $0x4  }
0x2a8: {  	[tilespmem:$0x1F900] =	vst v0;
	v0 =	vld [tilespmem:s18+$0x107E0];
	_ =	sdelay $0x4  }
0x2a9: {  	[tilespmem:$0x1F910] =	vst v0;
	v0 =	vld [tilespmem:s18+$0x7F0];
	_ =	sdelay $0x4  }
0x2aa: {  	[tilespmem:$0x1F8D0] =	vst v0;
	v0 =	vld [tilespmem:s18+$0x87F0];
	_ =	sdelay $0x4  }
0x2ab: {  	[tilespmem:$0x1F8E0] =	vst v0;
	v0 =	vld [tilespmem:s18+$0x10800];
	_ =	sdelay $0x4  }
0x2ac: {  	[tilespmem:$0x1F8C0] =	vst v0;
	v0 =	vld [tilespmem:s18+$0x10770];
	_ =	sdelay $0x4  }
0x2ad: {  	[tilespmem:$0x1F920] =	vst v0;
	v0 =	vld [tilespmem:s18+$0x107A0];
	_ =	sdelay $0x4  }
0x2ae: {  	[tilespmem:$0x1F930] =	vst v0;
	v0 =	vld [tilespmem:s18+$0x107C0];
	_ =	sdelay $0x4  }
0x2af: {  	[tilespmem:$0x1F940] =	vst v0;
	v0 =	vld [tilespmem:s18+$0x10760];
	_ =	sdelay $0x4  }
0x2b0: {  	[tilespmem:$0x1F990] =	vst v0;
	v0 =	vld [tilespmem:s18+$0x10780];
	_ =	sdelay $0x3  }
0x2b1: {  	v7 =	vld [tilespmem:s18+$0x7D0]  }
0x2b2: {  	[tilespmem:$0x1F950] =	vst v0;
	v0 =	vld [tilespmem:s18+$0x10790];
	_ =	sdelay $0x2  }
0x2b3: {  	v49 =	vld [tilespmem:s18+$0x89F0]  }
0x2b4: {  	[tilespmem:$0x1F970] =	vst v7;
	v7 =	vld [tilespmem:s18+$0x87D0]  }
0x2b5: {  	[tilespmem:$0x1F960] =	vst v0;
	v0 =	vld [tilespmem:$0x1F680];
	_ =	sdelay $0x3  }
0x2b6: {  	[tilespmem:$0x1F980] =	vst v7;
	v7 =	vld [tilespmem:$0x1F6A0]  }
0x2b7: {  	v0 =	vadd.f32 v49, v0;
	v49 =	vld [tilespmem:$0x1F690];
	_ =	sdelay $0x4  }
0x2b8: {  	v49 =	vadd.f32 v7, v49  }
0x2b9: {  	v14 =	vld [tilespmem:s18+$0x990]  }
0x2ba: {  	[tilespmem:$0x1FCE0] =	vst v49;
	v49 =	vld [tilespmem:$0x1F6B0]  }
0x2bb: {  	v10 =	vld [tilespmem:s18+$0x8990];
	_ =	sdelay $0x2  }
0x2bc: {  	v19 =	vld [tilespmem:s18+$0x980]  }
0x2bd: {  	v18 =	vld [tilespmem:s18+$0x8980];
	v0 =	vsub.f32 v0, v49  }
0x2be: {  	v10 =	vadd.f32 v10, v14;
	v14 =	vld [tilespmem:s18+$0x10720]  }
0x2bf: {  	[tilespmem:$0x1FCF0] =	vst v0;
	v0 =	vld [tilespmem:s18+$0x106F0]  }
0x2c0: {  	v27 =	vld [tilespmem:s18+$0x9A0]  }
0x2c1: {  	v25 =	vld [tilespmem:s18+$0x89A0];
	_ =	sdelay $0x1  }
0x2c2: {  	[tilespmem:$0x1F9B0] =	vst v14;
	v14 =	vld [tilespmem:$0x1F6C0]  }
0x2c3: {  	[tilespmem:$0x1F9A0] =	vst v0;
	v0 =	vadd.f32 v18, v19;
	v18 =	vld [tilespmem:$0x1F6D0]  }
0x2c4: {  	v36 =	vld [tilespmem:s18+$0x10980]  }
0x2c5: {  	v19 =	vadd.f32 v25, v27;
	v27 =	vld [tilespmem:$0x1F6E0];
	_ =	sdelay $0x2  }
0x2c6: {  	v34 =	vld [tilespmem:s18+$0x10990];
	v25 =	vadd.f32 v18, v14  }
0x2c7: {  	v0 =	vsub.f32 v0, v36;
	v36 =	vld [tilespmem:$0x1F700]  }
0x2c8: {  	v25 =	vsub.f32 v25, v27;
	v27 =	vld [tilespmem:$0x1F6F0];
	_ =	sdelay $0x1  }
0x2c9: {  	v7 =	vld [tilespmem:$0x1F720];
	_ =	sdelay $0x1  }
0x2ca: {  	v10 =	vsub.f32 v10, v34  }
0x2cb: {  	v36 =	vadd.f32 v36, v27  }
0x2cc: {  	v59 =	vld [tilespmem:s18+$0x8930];
	v10 =	vand.u32 $0x7FFFFFFF, v10;
	v0 =	vand.u32 $0x7FFFFFFF, v0  }
0x2cd: {  	v0 =	vadd.f32 v10, v0;
	v10 =	vsub.f32 v36, v7;
	v7 =	vld [tilespmem:$0x1F730];
	_ =	sdelay $0x3  }
0x2ce: {  	v49 =	vld [tilespmem:$0x1F710]  }
0x2cf: {  	[tilespmem:$0x1FD00] =	vst v10;
	v10 =	vadd.f32 v59, v7;
	v7 =	vld [tilespmem:$0x1F740]  }
0x2d0: {  	v59 =	vld [tilespmem:$0x1F750];
	_ =	sdelay $0x4  }
0x2d1: {  	v19 =	vsub.f32 v19, v49;
	v49 =	vadd.f32 v59, v7;
	v7 =	vld [tilespmem:$0x1F760];
	_ =	sdelay $0x3  }
0x2d2: {  	v19 =	vand.u32 $0x7FFFFFFF, v19  }
0x2d3: {  	v0 =	vadd.f32 v19, v0;
	v19 =	vsub.f32 v10, v7;
	v7 =	vld [tilespmem:$0x1F770]  }
0x2d4: {  	v10 =	vld [tilespmem:$0x1F780];
	_ =	sdelay $0x4  }
0x2d5: {  	v7 =	vadd.f32 v10, v7;
	_ =	sdelay $0x1  }
0x2d6: {  	[tilespmem:$0x1FD20] =	vst v7;
	v7 =	vld [tilespmem:s18+$0x106B0]  }
0x2d7: {  	v54 =	vld [tilespmem:s18+$0x960]  }
0x2d8: {  	v17 =	vld [tilespmem:s18+$0x900]  }
0x2d9: {  	v11 =	vld [tilespmem:s18+$0x8900]  }
0x2da: {  	v62 =	vld [tilespmem:s18+$0x8960]  }
0x2db: {  	[tilespmem:$0x1F9C0] =	vst v7;
	v7 =	vld [tilespmem:$0x1F790]  }
0x2dc: {  	v61 =	vld [tilespmem:s18+$0x10960]  }
0x2dd: {  	v58 =	vld [tilespmem:s18+$0x8F0]  }
0x2de: {  	v48 =	vld [tilespmem:s18+$0x88F0];
	v11 =	vadd.f32 v11, v17;
	_ =	sdelay $0x1  }
0x2df: {  	v54 =	vadd.f32 v62, v54;
	v11 =	vsub.f32 v11, v7;
	v7 =	vld [tilespmem:$0x1F7A0];
	_ =	sdelay $0x1  }
0x2e0: {  	v16 =	vld [tilespmem:s18+$0x910];
	v61 =	vsub.f32 v54, v61;
	v25 =	vand.u32 $0x7FFFFFFF, v25  }
0x2e1: {  	v8 =	vld [tilespmem:s18+$0x8910];
	v54 =	vadd.f32 v25, v0;
	v25 =	vadd.f32 v48, v58;
	_ =	sdelay $0x1  }
0x2e2: {  	v25 =	vsub.f32 v25, v7;
	v7 =	vld [tilespmem:$0x1F7B0];
	_ =	sdelay $0x1  }
0x2e3: {  	v45 =	vld [tilespmem:s18+$0x920]  }
0x2e4: {  	v37 =	vld [tilespmem:s18+$0x8920];
	v8 =	vadd.f32 v8, v16;
	_ =	sdelay $0x1  }
0x2e5: {  	v8 =	vsub.f32 v8, v7;
	v7 =	vld [tilespmem:$0x1F7C0];
	_ =	sdelay $0x1  }
0x2e6: {  	v46 =	vld [tilespmem:s18+$0x940]  }
0x2e7: {  	v41 =	vld [tilespmem:s18+$0x8940];
	v16 =	vadd.f32 v37, v45;
	_ =	sdelay $0x1  }
0x2e8: {  	v48 =	vsub.f32 v16, v7;
	v7 =	vld [tilespmem:$0x1F7D0]  }
0x2e9: {  	v53 =	vld [tilespmem:s18+$0x108D0]  }
0x2ea: {  	v13 =	vld [tilespmem:s18+$0x8C0]  }
0x2eb: {  	v6 =	vld [tilespmem:s18+$0x88C0];
	v62 =	vadd.f32 v41, v46  }
0x2ec: {  	v3 =	vld [tilespmem:s18+$0x8D0]  }
0x2ed: {  	v62 =	vsub.f32 v62, v7;
	v7 =	vld [tilespmem:$0x1F7E0]  }
0x2ee: {  	v1 =	vld [tilespmem:s18+$0x88D0]  }
0x2ef: {  	v40 =	vld [tilespmem:s18+$0x8E0]  }
0x2f0: {  	v28 =	vld [tilespmem:s18+$0x88E0];
	v6 =	vadd.f32 v6, v13  }
0x2f1: {  	v51 =	vld [tilespmem:s18+$0x870]  }
0x2f2: {  	v6 =	vsub.f32 v6, v7;
	v7 =	vld [tilespmem:$0x1F7F0]  }
0x2f3: {  	v60 =	vld [tilespmem:s18+$0x8870];
	v3 =	vadd.f32 v1, v3  }
0x2f4: {  	v57 =	vld [tilespmem:s18+$0x8A0]  }
0x2f5: {  	v47 =	vld [tilespmem:s18+$0x88A0];
	v13 =	vsub.f32 v3, v53;
	v1 =	vand.u32 $0x7FFFFFFF, v8;
	v8 =	vadd.f32 v28, v40  }
0x2f6: {  	v30 =	vld [tilespmem:s18+$0x830]  }
0x2f7: {  	v29 =	vld [tilespmem:s18+$0x8830];
	v13 =	vand.u32 $0x7FFFFFFF, v13;
	v6 =	vand.u32 $0x7FFFFFFF, v6;
	v8 =	vsub.f32 v8, v7  }
0x2f8: {  	v43 =	vld [tilespmem:s18+$0x860];
	v6 =	vadd.f32 v13, v6  }
0x2f9: {  	v39 =	vld [tilespmem:s18+$0x8860];
	v11 =	vand.u32 $0x7FFFFFFF, v11;
	v8 =	vand.u32 $0x7FFFFFFF, v8  }
0x2fa: {  	v11 =	vadd.f32 v1, v11;
	v6 =	vadd.f32 v8, v6;
	v8 =	vld [tilespmem:$0x1F840]  }
0x2fb: {  	v28 =	vand.u32 $0x7FFFFFFF, v48;
	v48 =	vld [tilespmem:$0x1F830]  }
0x2fc: {  	v11 =	vadd.f32 v28, v11;
	v28 =	vld [tilespmem:$0x1F820]  }
0x2fd: {  	v44 =	vld [tilespmem:s18+$0x880];
	v13 =	vand.u32 $0x7FFFFFFF, v19;
	v19 =	vadd.f32 v60, v51  }
0x2fe: {  	v38 =	vld [tilespmem:s18+$0x8880]  }
0x2ff: {  	v19 =	vsub.f32 v19, v8;
	v8 =	vld [tilespmem:$0x1F850]  }
0x300: {  	v52 =	vld [tilespmem:s18+$0x8890]  }
0x301: {  	v56 =	vld [tilespmem:s18+$0x10810];
	v45 =	vadd.f32 v48, v28  }
0x302: {  	v35 =	vld [tilespmem:s18+$0x820];
	v48 =	vadd.f32 v13, v11;
	v11 =	vadd.f32 v47, v57  }
0x303: {  	v32 =	vld [tilespmem:s18+$0x8820]  }
0x304: {  	v60 =	vsub.f32 v11, v8;
	v8 =	vld [tilespmem:$0x1F860]  }
0x305: {  	v15 =	vld [tilespmem:s18+$0x840]  }
0x306: {  	v9 =	vld [tilespmem:s18+$0x8840]  }
0x307: {  	v12 =	vld [tilespmem:s18+$0x850];
	v13 =	vadd.f32 v29, v30  }
0x308: {  	v5 =	vld [tilespmem:s18+$0x8850]  }
0x309: {  	v47 =	vsub.f32 v13, v8;
	v8 =	vld [tilespmem:$0x1F870]  }
0x30a: {  	v55 =	vld [tilespmem:s18+$0x7B0]  }
0x30b: {  	v63 =	vld [tilespmem:s18+$0x87B0]  }
0x30c: {  	v42 =	vld [tilespmem:s18+$0x7E0];
	v9 =	vadd.f32 v9, v15  }
0x30d: {  	v33 =	vld [tilespmem:s18+$0x87E0]  }
0x30e: {  	v9 =	vsub.f32 v9, v8;
	v8 =	vld [tilespmem:$0x1F880]  }
0x30f: {  	v50 =	vld [tilespmem:s18+$0x800]  }
0x310: {  	v4 =	vld [tilespmem:s18+$0x8800]  }
0x311: {  	v2 =	vld [tilespmem:s18+$0x810];
	v5 =	vadd.f32 v5, v12  }
0x312: {  	v24 =	vld [tilespmem:s18+$0x8810]  }
0x313: {  	v5 =	vsub.f32 v5, v8;
	v8 =	vld [tilespmem:$0x1F890]  }
0x314: {  	v22 =	vld [tilespmem:s18+$0x770]  }
0x315: {  	v20 =	vld [tilespmem:s18+$0x8770]  }
0x316: {  	v31 =	vld [tilespmem:s18+$0x7A0];
	v11 =	vadd.f32 v39, v43  }
0x317: {  	v26 =	vld [tilespmem:s18+$0x87A0]  }
0x318: {  	v13 =	vsub.f32 v11, v8;
	v8 =	vld [tilespmem:$0x1F8A0]  }
0x319: {  	v23 =	vld [tilespmem:s18+$0x7C0]  }
0x31a: {  	v21 =	vld [tilespmem:s18+$0x87C0]  }
0x31b: {  	v17 =	vld [tilespmem:s18+$0x8790];
	v12 =	vadd.f32 v38, v44  }
0x31c: {  	v41 =	vld [tilespmem:s18+$0x6F0]  }
0x31d: {  	v11 =	vsub.f32 v12, v8;
	v8 =	vld [tilespmem:$0x1F8B0]  }
0x31e: {  	v37 =	vld [tilespmem:s18+$0x10700]  }
0x31f: {  	v38 =	vld [tilespmem:s18+$0x106D0]  }
0x320: {  	v44 =	vld [tilespmem:s18+$0x700]  }
0x321: {  	v15 =	vadd.f32 v32, v35;
	v32 =	vld [tilespmem:s18+$0x8700]  }
0x322: {  	v12 =	vadd.f32 v52, v8;
	v8 =	vld [tilespmem:$0x1F8C0]  }
0x323: {  	v35 =	vld [tilespmem:s18+$0x710]  }
0x324: {  	v4 =	vadd.f32 v4, v50;
	v50 =	vld [tilespmem:s18+$0x8710]  }
0x325: {  	v2 =	vadd.f32 v24, v2;
	v24 =	vld [tilespmem:s18+$0x10690];
	v9 =	vand.u32 $0x7FFFFFFF, v9;
	v5 =	vand.u32 $0x7FFFFFFF, v5  }
0x326: {  	v5 =	vadd.f32 v5, v9;
	v9 =	vand.u32 $0x7FFFFFFF, v13;
	v13 =	vld [tilespmem:$0x1F8E0]  }
0x327: {  	v4 =	vsub.f32 v4, v8;
	v8 =	vld [tilespmem:$0x1F8D0]  }
0x328: {  	v34 =	vld [tilespmem:s18+$0x10750]  }
0x329: {  	v3 =	vld [tilespmem:s18+$0x8720]  }
0x32a: {  	v53 =	vld [tilespmem:s18+$0x740]  }
0x32b: {  	v2 =	vsub.f32 v2, v56;
	v56 =	vld [tilespmem:s18+$0x630]  }
0x32c: {  	v8 =	vadd.f32 v13, v8;
	v13 =	vld [tilespmem:$0x1F8F0]  }
0x32d: {  	v46 =	vld [tilespmem:$0x1F810]  }
0x32e: {  	v18 =	vld [tilespmem:s18+$0x730]  }
0x32f: {  	v14 =	vld [tilespmem:s18+$0x8730]  }
0x330: {  	v2 =	vand.u32 $0x7FFFFFFF, v2;
	v0 =	vld [tilespmem:s18+$0x790]  }
0x331: {  	v58 =	vld [tilespmem:s18+$0x106E0];
	v5 =	vadd.f32 v9, v5;
	v4 =	vand.u32 $0x7FFFFFFF, v4;
	v13 =	vsub.f32 v15, v13  }
0x332: {  	v27 =	vld [tilespmem:s18+$0x10740];
	v9 =	vand.u32 $0x7FFFFFFF, v19;
	v2 =	vadd.f32 v2, v4  }
0x333: {  	v36 =	vld [tilespmem:s18+$0x760];
	v52 =	vadd.f32 v9, v5;
	v9 =	vand.u32 $0x7FFFFFFF, v13  }
0x334: {  	v2 =	vadd.f32 v9, v2;
	v9 =	vld [tilespmem:$0x1F900]  }
0x335: {  	v59 =	vld [tilespmem:s18+$0x8760]  }
0x336: {  	[tilespmem:$0x1FD10] =	vst v49;
	v49 =	vld [tilespmem:s18+$0x780]  }
0x337: {  	v10 =	vld [tilespmem:s18+$0x8780];
	v4 =	vadd.f32 v63, v55  }
0x338: {  	(xrf2) =	vadd.scan.msk.f32 $0xffff, v54;
	v54 =	vld [tilespmem:s18+$0x690]  }
0x339: {  	v15 =	vadd.f32 v20, v22;
	v20 =	vsub.f32 v4, v9;
	v4 =	vld [tilespmem:$0x1F910]  }
0x33a: {  	v0 =	vadd.f32 v17, v0;
	v17 =	vld [tilespmem:$0x1F970]  }
0x33b: {  	v36 =	vadd.f32 v59, v36;
	v59 =	vld [tilespmem:s18+$0x6D0]  }
0x33c: {  	v5 =	vadd.f32 v33, v42;
	v9 =	vadd.f32 v10, v49;
	v10 =	vld [tilespmem:$0x1F930]  }
0x33d: {  	v40 =	vld [tilespmem:s18+$0x8740]  }
0x33e: {  	v1 =	vld [tilespmem:s18+$0x720];
	v13 =	vsub.f32 v5, v4;
	v4 =	vand.u32 $0x7FFFFFFF, v47  }
0x33f: {  	v16 =	vld [tilespmem:s18+$0x86F0];
	v55 =	vadd.f32 v4, v2;
	v2 =	vadd.f32 v26, v31  }
0x340: {  	v5 =	vld [tilespmem:$0x1F920]  }
0x341: {  	v2 =	vsub.f32 v2, v10;
	v10 =	vld [tilespmem:$0x1F940]  }
0x342: {  	v28 =	vld [tilespmem:s18+$0x10630]  }
0x343: {  	v51 =	vld [tilespmem:s18+$0x8750]  }
0x344: {  	v7 =	vld [tilespmem:$0x1F800];
	v4 =	vadd.f32 v21, v23  }
0x345: {  	v29 =	vand.u32 $0x7FFFFFFF, v25;
	v25 =	vld [tilespmem:s18+$0x106A0]  }
0x346: {  	v5 =	vsub.f32 v15, v5;
	v15 =	vsub.f32 v4, v10;
	v4 =	vld [tilespmem:$0x1F950]  }
0x347: {  	v57 =	vld [tilespmem:s18+$0x86B0]  }
0x348: {  	v30 =	vld [tilespmem:s18+$0x106C0]  }
0x349: {  	v7 =	vadd.f32 v46, v7;
	v46 =	vld [tilespmem:s18+$0x750]  }
0x34a: {  	v6 =	vadd.f32 v29, v6;
	v29 =	vld [tilespmem:s18+$0x6B0]  }
0x34b: {  	v4 =	vsub.f32 v9, v4;
	v9 =	vld [tilespmem:$0x1F960]  }
0x34c: {  	v39 =	vld [tilespmem:s18+$0x6E0]  }
0x34d: {  	v43 =	vld [tilespmem:s18+$0x86E0]  }
0x34e: {  	v19 =	vld [tilespmem:s18+$0x10620]  }
0x34f: {  	v33 =	vld [tilespmem:s18+$0x8630]  }
0x350: {  	v42 =	vld [tilespmem:s18+$0x670];
	v0 =	vsub.f32 v0, v9  }
0x351: {  	v63 =	vld [tilespmem:s18+$0x86D0]  }
0x352: {  	v22 =	vld [tilespmem:s18+$0x10680];
	v4 =	vand.u32 $0x7FFFFFFF, v4;
	v0 =	vand.u32 $0x7FFFFFFF, v0  }
0x353: {  	v49 =	vld [tilespmem:s18+$0x620];
	v0 =	vadd.f32 v0, v4  }
0x354: {  	v47 =	vld [tilespmem:s18+$0x8670];
	v2 =	vand.u32 $0x7FFFFFFF, v2  }
0x355: {  	v21 =	vld [tilespmem:s18+$0x6A0];
	v0 =	vadd.f32 v2, v0  }
0x356: {  	v23 =	vld [tilespmem:s18+$0x86A0];
	v2 =	vand.u32 $0x7FFFFFFF, v20  }
0x357: {  	v2 =	vadd.f32 v2, v0;
	v0 =	vld [tilespmem:$0x1F9A0]  }
0x358: {  	v4 =	vld [tilespmem:$0x1F990]  }
0x359: {  	v26 =	vadd.f32 v51, v46;
	v31 =	vld [tilespmem:s18+$0x86C0];
	v9 =	vadd.f32 v40, v53  }
0x35a: {  	v16 =	vadd.f32 v16, v41;
	v51 =	vld [tilespmem:s18+$0x8620]  }
0x35b: {  	v26 =	vsub.f32 v26, v34;
	v53 =	vld [tilespmem:$0x1F980];
	v27 =	vsub.f32 v9, v27  }
0x35c: {  	v18 =	vadd.f32 v14, v18;
	v16 =	vsub.f32 v16, v0;
	v0 =	vld [tilespmem:$0x1F9B0]  }
0x35d: {  	v26 =	vand.u32 $0x7FFFFFFF, v26;
	v10 =	vld [tilespmem:s18+$0x6C0];
	v14 =	vand.u32 $0x7FFFFFFF, v27;
	v27 =	vsub.f32 v36, v4  }
0x35e: {  	v40 =	vmov v7;
	v7 =	vld [tilespmem:$0x1F9C0];
	v14 =	vadd.f32 v26, v14  }
0x35f: {  	v1 =	vadd.f32 v3, v1;
	v26 =	vadd.f32 v57, v29;
	v57 =	vld [tilespmem:s18+$0x8690];
	v3 =	vand.u32 $0x7FFFFFFF, v27  }
0x360: {  	v34 =	vadd.f32 v51, v49;
	v9 =	vld [tilespmem:s18+$0x10600];
	v14 =	vadd.f32 v3, v14  }
0x361: {  	v17 =	vadd.f32 v53, v17;
	v53 =	vld [tilespmem:s18+$0x680];
	v20 =	vsub.f32 v1, v0;
	v0 =	vand.u32 $0x7FFFFFFF, v5  }
0x362: {  	(xrf2) =	vadd.scan.msk.f32 $0xffff, v48;
	v29 =	vadd.f32 v32, v44;
	v4 =	vld [tilespmem:s18+$0x10610];
	v1 =	vadd.f32 v0, v14  }
0x363: {  	v27 =	vld [tilespmem:s18+$0x8600];
	v0 =	vadd.f32 v31, v10;
	v10 =	vadd.f32 v63, v59  }
0x364: {  	v36 =	vadd.f32 v57, v54;
	v3 =	vld [tilespmem:s18+$0x660];
	v14 =	vadd.f32 v43, v39  }
0x365: {  	v5 =	vld [tilespmem:s18+$0x8660];
	v0 =	vsub.f32 v0, v30;
	v30 =	vsub.f32 v10, v38  }
0x366: {  	v31 =	vld [tilespmem:s18+$0x8680];
	v10 =	vsub.f32 v26, v7;
	v14 =	vsub.f32 v14, v58  }
0x367: {  	p0 =	sne.s32 s20, $0x1F000;
	(xrf2) =	vadd.scan.msk.f32 $0xffff, v6;
	v58 =	vadd.f32 v33, v56;
	v33 =	vld [tilespmem:s18+$0x8610];
	v6 =	vand.u32 $0x7FFFFFFF, v0;
	v26 =	vand.u32 $0x7FFFFFFF, v30  }
.Ltmp0:
0x368: {  	v0 =	vsub.f32 v29, v37;
	v29 =	vld [tilespmem:s18+$0x600];
	v26 =	vadd.f32 v26, v6;
	(pc) =	sbr.rel @p0 .LBB2_2-.Ltmp0, $4  }
0x369: {  	v59 =	vadd.f32 v23, v21;
	v21 =	vadd.f32 v47, v42;
	v30 =	vld [tilespmem:s18+$0x610];
	v7 =	vand.u32 $0x7FFFFFFF, v14  }
0x36a: {  	v23 =	vsub.f32 v58, v28;
	v28 =	vld [tilespmem:s18+$0x8640];
	v63 =	vadd.f32 v7, v26  }
0x36b: {  	(xrf2) =	vadd.scan.msk.f32 $0xffff, v52;
	v6 =	vadd.f32 v50, v35;
	v35 =	vadd.f32 v31, v53;
	v31 =	vld [tilespmem:s18+$0x650];
	v14, _, _ =	vpop (xrf2);
	v7 =	vand.u32 $0x7FFFFFFF, v16  }
0x36c: {  	s20 =	sadd.s32 $0x1000, s20;
	v32 =	vsub.f32 v59, v25;
	(xrf2) =	vadd.scan.msk.f32 $0xffff, v55;
	v26 =	vld [tilespmem:s18+$0x640];
	v16, _, _ =	vpop (xrf2);
	v25 =	vadd.f32 v7, v63  }
0x36d: {  	v27 =	vadd.f32 v27, v29;
	v39 =	vld [tilespmem:s18+$0x8650];
	v22 =	vsub.f32 v35, v22  }
0x36e: {  	v41 =	vld [tilespmem:s18+$0x10640];
	v24 =	vsub.f32 v36, v24;
	v19 =	vsub.f32 v34, v19  }
0x36f: {  	v42 =	vld [tilespmem:s18+$0x10650];
	v3 =	vadd.f32 v5, v3;
	v30 =	vadd.f32 v33, v30  }
0x370: {  	v43 =	vld [tilespmem:s18+$0x10660];
	v9 =	vsub.f32 v27, v9;
	v22 =	vand.u32 $0x7FFFFFFF, v22;
	v24 =	vand.u32 $0x7FFFFFFF, v24  }
0x371: {  	v48 =	vld [tilespmem:s18+$0x10710];
	v10 =	vand.u32 $0x7FFFFFFF, v10;
	v4 =	vsub.f32 v30, v4;
	v44 =	vadd.f32 v24, v22  }
0x372: {  	v49 =	vld [tilespmem:s18+$0x10670];
	v32 =	vand.u32 $0x7FFFFFFF, v32;
	v46 =	vadd.f32 v28, v26;
	v47 =	vadd.f32 v39, v31  }
0x373: {  	v50 =	vld [tilespmem:s18+$0x107D0];
	v23 =	vand.u32 $0x7FFFFFFF, v23;
	v9 =	vand.u32 $0x7FFFFFFF, v9;
	v5 =	vadd.f32 v32, v44  }
0x374: {  	v4 =	vand.u32 $0x7FFFFFFF, v4;
	v22 =	vsub.f32 v46, v41;
	v24 =	vsub.f32 v47, v42  }
0x375: {  	v19 =	vand.u32 $0x7FFFFFFF, v19;
	v3 =	vsub.f32 v3, v43;
	v4 =	vadd.f32 v4, v9  }
0x376: {  	v53 =	vld [tilespmem:s18+$0x10730];
	v6 =	vsub.f32 v6, v48;
	v51 =	vand.u32 $0x7FFFFFFF, v22;
	v52 =	vand.u32 $0x7FFFFFFF, v24  }
0x377: {  	v56 =	vld [tilespmem:s18+$0x10890];
	v0 =	vand.u32 $0x7FFFFFFF, v0;
	v4 =	vadd.f32 v19, v4;
	v19 =	vadd.f32 v52, v51  }
0x378: {  	(xrf2) =	vadd.scan.msk.f32 $0xffff, v2;
	v59 =	vld [tilespmem:s18+$0x107F0];
	v55 =	vsub.f32 v21, v49;
	v63 =	vsub.f32 v17, v50;
	v3 =	vand.u32 $0x7FFFFFFF, v3  }
0x379: {  	v36 =	vld [tilespmem:$0x1FD10];
	(xrf2) =	vadd.scan.msk.f32 $0xffff, v1;
	v5 =	vadd.f32 v10, v5;
	v58 =	vand.u32 $0x7FFFFFFF, v6;
	v57 =	vadd.f32 v3, v19  }
0x37a: {  	(xrf2) =	vadd.scan.msk.f32 $0xffff, v25;
	v25 =	vld [tilespmem:s18+$0x109D0];
	v0 =	vadd.f32 v58, v0;
	v54 =	vadd.f32 v23, v4;
	v4 =	vand.u32 $0x7FFFFFFF, v55  }
0x37b: {  	v17 =	vand.u32 $0x7FFFFFFF, v20;
	v18 =	vsub.f32 v18, v53;
	(xrf2) =	vadd.scan.msk.f32 $0xffff, v5;
	v19 =	vld [tilespmem:s18+$0x10950];
	v1 =	vadd.f32 v4, v57  }
0x37c: {  	v20 =	vand.u32 $0x7FFFFFFF, v15;
	v21 =	vld [tilespmem:s18+$0x108B0];
	v0 =	vadd.f32 v17, v0;
	(xrf2) =	vadd.scan.msk.f32 $0xffff, v54;
	v3 =	vand.u32 $0x7FFFFFFF, v63  }
0x37d: {  	v27 =	vld [tilespmem:s18+$0x10970];
	v22 =	vsub.f32 v12, v56;
	v5 =	vand.u32 $0x7FFFFFFF, v18;
	v2 =	vadd.f32 v3, v20;
	(xrf2) =	vadd.scan.msk.f32 $0xffff, v1  }
0x37e: {  	v39 =	vld [tilespmem:$0x1FD20];
	v24 =	vsub.f32 v8, v59;
	v23 =	vand.u32 $0x7FFFFFFF, v13;
	v0 =	vadd.f32 v5, v0  }
0x37f: {  	v30 =	vld [tilespmem:s18+$0x109E0];
	v7, _, _ =	vpop (xrf2);
	v26 =	vand.u32 $0x7FFFFFFF, v11;
	v3 =	vand.u32 $0x7FFFFFFF, v22;
	v1 =	vadd.f32 v23, v2  }
0x380: {  	v43 =	vld [tilespmem:$0x1FD00];
	v28, _, _ =	vpop (xrf2);
	v5 =	vand.u32 $0x7FFFFFFF, v24;
	v2 =	vadd.f32 v3, v26;
	v29 =	vsub.f32 v40, v19;
	(xrf2) =	vadd.scan.msk.f32 $0xffff, v0  }
0x381: {  	v32 =	vand.u32 $0x7FFFFFFF, v60;
	v41 =	vld [tilespmem:$0x1FCE0];
	v31, _, _ =	vpop (xrf2);
	v4 =	vsub.f32 v45, v21;
	v1 =	vadd.f32 v5, v1  }
0x382: {  	v34 =	vand.u32 $0x7FFFFFFF, v62;
	v33, _, _ =	vpop (xrf2);
	v2 =	vadd.f32 v32, v2;
	v3 =	vand.u32 $0x7FFFFFFF, v29  }
0x383: {  	v6 =	vsub.f32 v39, v27;
	v35, _, _ =	vpop (xrf2);
	v4 =	vand.u32 $0x7FFFFFFF, v4;
	v3 =	vadd.f32 v3, v34;
	(xrf2) =	vadd.scan.msk.f32 $0xffff, v1  }
0x384: {  	v38 =	vand.u32 $0x7FFFFFFF, v61;
	v37, _, _ =	vpop (xrf2);
	v5 =	vsub.f32 v36, v25;
	v2 =	vadd.f32 v4, v2  }
0x385: {  	v49 =	vld [tilespmem:$0x1FCF0];
	v13 =	vand.u32 $0x7FFFFFFF, v43;
	v40, _, _ =	vpop (xrf2);
	v3 =	vadd.f32 v38, v3  }
0x386: {  	v6 =	vand.u32 $0x7FFFFFFF, v6;
	v4 =	vsub.f32 v41, v30;
	v5 =	vand.u32 $0x7FFFFFFF, v5;
	v42, _, _ =	vpop (xrf2);
	(xrf2) =	vadd.scan.msk.f32 $0xffff, v2  }
0x387: {  	v45 =	vadd.f32 v5, v13;
	v44 =	vadd.f32 v6, v3;
	v46, _, _ =	vpop (xrf2)  }
0x388: {  	v4 =	vand.u32 $0x7FFFFFFF, v4;
	v47 =	vbroadcast v42, $0xF;
	v5 =	vbroadcast v46, $0xF  }
0x389: {  	v9 =	vbroadcast v40, $0xF;
	v3 =	vadd.f32 v4, v45;
	(xrf2) =	vadd.scan.msk.f32 $0xffff, v44  }
0x38a: {  	v1 =	vbroadcast v37, $0xF;
	v4 =	vand.u32 $0x7FFFFFFF, v49;
	v50, _, _ =	vpop (xrf2);
	v48 =	vsel vm0, v47, v5  }
0x38b: {  	v3 =	vadd.f32 v4, v3;
	v5 =	vbroadcast v50, $0xF;
	v2 =	vsel vm1, v48, v9  }
0x38c: {  	v51 =	vbroadcast v35, $0xF;
	v1 =	vsel vm2, v2, v1  }
0x38d: {  	v52 =	vbroadcast v33, $0xF;
	v53, _, _ =	vpop (xrf2);
	(xrf2) =	vadd.scan.msk.f32 $0xffff, v3;
	v1 =	vsel vm3, v1, v5  }
0x38e: {  	v54 =	vbroadcast v53, $0xF;
	v1 =	vsel vm4, v1, v51  }
0x38f: {  	v0 =	vbroadcast v31, $0xF;
	v1 =	vsel vm5, v1, v52  }
0x390: {  	v55 =	vbroadcast v28, $0xF;
	v56, _, _ =	vpop (xrf2);
	v1 =	vsel vm6, v1, v54  }
0x391: {  	v57 =	vbroadcast v56, $0xF;
	v0 =	vsel vm7, v1, v0  }
0x392: {  	v58 =	vbroadcast v7, $0xF;
	v0 =	vsel vm8, v0, v55  }
0x393: {  	v59 =	vbroadcast v16, $0xF;
	v60, _, _ =	vpop (xrf2);
	v0 =	vsel vm9, v0, v57  }
0x394: {  	v61 =	vbroadcast v60, $0xF;
	v0 =	vsel vm10, v0, v58  }
0x395: {  	v62 =	vbroadcast v14, $0xF;
	v0 =	vsel vm11, v0, v59  }
0x396: {  	v0 =	vsel vm12, v0, v61  }
0x397: {  	s17 =	sadd.s32 $0x1, s17;
	v63, _, _ =	vpop (xrf2);
	v0 =	vsel vm13, v0, v62  }
0x398: {  	s20 =	sadd.s32 $0x10, s19;
	p0 =	sne.s32 s17, s9;
	v0 =	vsel vm14, v0, v63  }
.Ltmp1:
0x399: {  	[tilespmem:s20+$0x0] =	vst v0;
	(pc) =	sbr.rel @p0 .LBB2_1-.Ltmp1, $4  }
0x39a: {  	[hbm4b:s8+s1] =	stream.linear.scatter [tilespmem:s16], [sflag:$0x2], $0x200, $0x38;
	[tilespmem:$0x18800] =	vst v63  }
0x39b: {  	_ =	swait.ge [sflag:s10], $0x200  }
0x39c: {  	[sflag:s10] =	ssyncset.done $0x0  }
0x39d: {  	[sflag:s10] =	ssyncadd.s32 $0xFFFFFE00  }
0x39e: {  	_ =	sfence.sel $0x180000  }
0x39f: {  	[bflag:$0x0] =	sbarrier.arrive $0xFFFF  }
0x3a0: {  	_ =	strace $0x90000047  }
0x3a1: {  	s0 =	stileid.u32;
	[bflag:$0x2] =	sbarrier.arrive $0xFFFF  }
0x3a2: {  	p0 =	sne.s32 s0, $0x0;
	s0 =	rddreg [dreg:$0x5]  }
0x3a3: {  	s0 =	sadd.s32 @!p0 $0x100000, s0  }
0x3a4: {  	[sflag:s0] =	ssyncadd.tile.s32 @!p0 $0x1;
	_ =	shalt  }
.Lfunc_end2:
_tile_overlayer_lowered:
.L_overlay_start_2:
0x3a5: {  	(tag) =	ssettag $0x2  }
0x3a6: {  	s0 =	rddreg [dreg:$0x0];
	s2 =	stileid.u32  }
0x3a7: {  	s1 =	rddreg [dreg:$0x1];
	p0 =	sne.s32 s2, $0x0  }
0x3a8: {  	s3 =	rddreg [dreg:$0x2];
	[bflag:$0x3] =	sbarrier.arrive $0xFFFF;
	s2 =	simm.s32 @!p0 $0x1C02  }
0x3a9: {  	[timem:s3], [sflag:s2] =	dma.local @!p0 [hbm:s0], s1  }
0x3aa: {  	s0 =	simm.s32 @!p0 $0x2  }
0x3ab: {  	_ =	swait.ge @!p0 [sflag:s0], s1  }
0x3ac: {  	s1 =	ssub.s32 @!p0 $0x0, s1;
	[sflag:s0] =	ssyncset.done @!p0 $0x0  }
0x3ad: {  	[sflag:s0] =	ssyncadd.s32 @!p0 s1  }
0x3ae: {  	[bflag:$0x3] =	sbarrier.arrive $0xFFFF  }
0x3af: {  	_ =	shalt  }

</sc_bundles>
